<compile_context>
chip_gen: v7x
topology: tpu7x:2x2x1
jax: 0.10.2.dev20260603
libtpu: 0.0.44.dev20260713+nightly
codegen_flags: <defaults>
</compile_context>

<pallas_src>
import jax
import jax.numpy as jnp
from jax import lax
from jax.experimental import pallas as pl
from jax.experimental.pallas import tpu as pltpu
from jax.experimental.pallas import tpu_sc as plsc

N_NODES = 10000
N_EDGES = 320000
D_FEAT = 128
EMB = 128

NPAD = 10240
NW = 32
STEPS = 80
EB = 128
EPAD = NW * STEPS * EB
TILES = 16
ROWS_PER_TILE = NPAD // TILES

BLK = 1024
GRID = NPAD // BLK


def _make_segsum(D, dt=jnp.float32):
    n_stage = ROWS_PER_TILE // EB
    mesh = plsc.VectorSubcoreMesh(
        core_axis_name="c", subcore_axis_name="s",
        num_cores=2, num_subcores=TILES)

    def body(src_hbm, dst_hbm, table_hbm, zeros_hbm, out_hbm,
             src_v, dst_v, buf0, buf1, buf2, buf3, acc_sh,
             gs0, gs1, gs2, gs3, ss0, ss1, ss2, ss3):
        bufs = (buf0, buf1, buf2, buf3)
        gs = (gs0, gs1, gs2, gs3)
        ss = (ss0, ss1, ss2, ss3)
        K = 4
        c = lax.axis_index("c")
        s = lax.axis_index("s")
        wid = c * TILES + s
        row0 = s * ROWS_PER_TILE
        ld_s = pltpu.async_copy(src_hbm.at[wid], src_v, gs0)
        ld_d = pltpu.async_copy(dst_hbm.at[wid], dst_v, gs1)
        pltpu.sync_copy(zeros_hbm, buf0)
        for k in range(n_stage):
            pltpu.sync_copy(buf0, acc_sh.at[pl.ds(row0 + k * EB, EB)])
        ld_s.wait()
        ld_d.wait()
        plsc.subcore_barrier()

        for b in range(K):
            pltpu.async_copy(table_hbm.at[src_v.at[b]], bufs[b], gs[b])

        def step(i, carry):
            g = K * i
            for b in range(K):
                pltpu.make_async_copy(
                    table_hbm.at[src_v.at[g + b]], bufs[b], gs[b]).wait()
                pltpu.async_copy(
                    bufs[b], acc_sh.at[dst_v.at[g + b]], ss[b], add=True)
            for b in range(K):
                pltpu.make_async_copy(
                    bufs[b], acc_sh.at[dst_v.at[g + b]], ss[b]).wait()

                @pl.when(g + b + K < STEPS)
                def _(b=b):
                    pltpu.async_copy(
                        table_hbm.at[src_v.at[g + b + K]], bufs[b], gs[b])

            return carry

        lax.fori_loop(0, STEPS // K, step, 0)
        plsc.subcore_barrier()
        for k in range(n_stage):
            r = row0 + k * EB
            pltpu.sync_copy(acc_sh.at[pl.ds(r, EB)], buf0)
            pltpu.sync_copy(buf0, out_hbm.at[c, pl.ds(r, EB)])

    return pl.kernel(
        body,
        out_type=jax.ShapeDtypeStruct((2, NPAD, D), dt),
        mesh=mesh,
        scratch_types=[
            pltpu.VMEM((STEPS, EB), jnp.int32),
            pltpu.VMEM((STEPS, EB), jnp.int32),
            pltpu.VMEM((EB, D), dt),
            pltpu.VMEM((EB, D), dt),
            pltpu.VMEM((EB, D), dt),
            pltpu.VMEM((EB, D), dt),
            pltpu.VMEM_SHARED((NPAD, D), dt),
            pltpu.SemaphoreType.DMA,
            pltpu.SemaphoreType.DMA,
            pltpu.SemaphoreType.DMA,
            pltpu.SemaphoreType.DMA,
            pltpu.SemaphoreType.DMA,
            pltpu.SemaphoreType.DMA,
            pltpu.SemaphoreType.DMA,
            pltpu.SemaphoreType.DMA,
        ],
        compiler_params=pltpu.CompilerParams(use_tc_tiling_on_sc=False),
    )


_segsum32 = _make_segsum(32, jnp.bfloat16)
_segsum128 = _make_segsum(128, jnp.bfloat16)


def _tc_b_body(acc1_ref, feat_ref, w1_ref, wlab_ref, blab_ref, out_ref):
    a = acc1_ref[0].astype(jnp.float32) + acc1_ref[1].astype(jnp.float32)
    inv = 1.0 / jnp.maximum(a[:, 16:17], 1.0)
    ml = a[:, :16] * inv
    w1a = w1_ref[:D_FEAT, :]
    w1b = w1_ref[D_FEAT:, :]
    wlb = jnp.dot(wlab_ref[...], w1b, preferred_element_type=jnp.float32)
    c1 = jnp.dot(blab_ref[0:1, :], w1b, preferred_element_type=jnp.float32)
    out_ref[...] = (
        jnp.dot(feat_ref[...], w1a, preferred_element_type=jnp.float32)
        + jnp.dot(ml, wlb, preferred_element_type=jnp.float32)
        + c1).astype(jnp.bfloat16)


def _tc_d_body(acc2_ref, acc1_ref, w2_ref, wp_ref, out_ref):
    a = acc2_ref[0].astype(jnp.float32) + acc2_ref[1].astype(jnp.float32)
    d = (acc1_ref[0, :, 16:17].astype(jnp.float32)
         + acc1_ref[1, :, 16:17].astype(jnp.float32))
    inv = 1.0 / jnp.maximum(d, 1.0)
    h1 = jnp.maximum(a * inv, 0.0)
    w23 = jnp.dot(w2_ref[...], wp_ref[...], preferred_element_type=jnp.float32)
    out_ref[...] = jnp.dot(
        h1, w23, preferred_element_type=jnp.float32).astype(jnp.bfloat16)


def _tc_f_body(acc3_ref, acc1_ref, bp_ref, out_ref):
    i = pl.program_id(0)
    a = acc3_ref[0].astype(jnp.float32) + acc3_ref[1].astype(jnp.float32)
    d = (acc1_ref[0, :, 16:17].astype(jnp.float32)
         + acc1_ref[1, :, 16:17].astype(jnp.float32))
    inv = 1.0 / jnp.maximum(d, 1.0)
    nr = jnp.maximum(a * inv + bp_ref[0:1, :], 0.0)
    rowid = lax.broadcasted_iota(jnp.int32, (BLK, 1), 0) + i * BLK
    nr = jnp.where(rowid < N_NODES, nr, 0.0)
    part = jnp.sum(nr, axis=0, keepdims=True)

    @pl.when(i == 0)
    def _():
        out_ref[...] = jnp.zeros_like(out_ref)

    out_ref[...] += part

    @pl.when(i == GRID - 1)
    def _():
        out_ref[...] = out_ref[...] * (1.0 / N_NODES)


def kernel(feat, labels, edge_index, W_label, b_label, W1, W2, W_pool, b_pool):
    f32 = jnp.float32
    src = edge_index[0].astype(jnp.int32)
    dst = edge_index[1].astype(jnp.int32)
    epad = EPAD - N_EDGES
    src3 = jnp.concatenate([src, jnp.zeros((epad,), jnp.int32)]).reshape(
        NW, STEPS, EB)
    dst3 = jnp.concatenate(
        [dst, jnp.full((epad,), NPAD - 1, jnp.int32)]).reshape(NW, STEPS, EB)

    npad = NPAD - N_NODES
    labels_tab = jnp.concatenate([
        jnp.concatenate([labels.astype(f32),
                         jnp.ones((N_NODES, 1), f32),
                         jnp.zeros((N_NODES, 15), f32)], axis=1),
        jnp.zeros((npad, 32), f32)], axis=0).astype(jnp.bfloat16)
    feat_p = jnp.concatenate([feat.astype(f32), jnp.zeros((npad, D_FEAT), f32)])
    zeros32 = jnp.zeros((EB, 32), jnp.bfloat16)
    zeros128 = jnp.zeros((EB, 128), jnp.bfloat16)
    blab2 = jnp.concatenate([b_label.reshape(1, EMB), jnp.zeros((7, EMB), f32)])
    bp2 = jnp.concatenate([b_pool.reshape(1, EMB), jnp.zeros((7, EMB), f32)])

    acc1 = _segsum32(src3, dst3, labels_tab, zeros32)

    xw = pl.pallas_call(
        _tc_b_body,
        grid=(GRID,),
        in_specs=[
            pl.BlockSpec((2, BLK, 32), lambda i: (0, i, 0)),
            pl.BlockSpec((BLK, D_FEAT), lambda i: (i, 0)),
            pl.BlockSpec((D_FEAT + EMB, EMB), lambda i: (0, 0)),
            pl.BlockSpec((16, EMB), lambda i: (0, 0)),
            pl.BlockSpec((8, EMB), lambda i: (0, 0)),
        ],
        out_specs=pl.BlockSpec((BLK, EMB), lambda i: (i, 0)),
        out_shape=jax.ShapeDtypeStruct((NPAD, EMB), jnp.bfloat16),
    )(acc1, feat_p, W1.astype(f32), W_label.astype(f32), blab2)

    acc2 = _segsum128(src3, dst3, xw, zeros128)

    y2 = pl.pallas_call(
        _tc_d_body,
        grid=(GRID,),
        in_specs=[
            pl.BlockSpec((2, BLK, EMB), lambda i: (0, i, 0)),
            pl.BlockSpec((2, BLK, 32), lambda i: (0, i, 0)),
            pl.BlockSpec((EMB, EMB), lambda i: (0, 0)),
            pl.BlockSpec((EMB, EMB), lambda i: (0, 0)),
        ],
        out_specs=pl.BlockSpec((BLK, EMB), lambda i: (i, 0)),
        out_shape=jax.ShapeDtypeStruct((NPAD, EMB), jnp.bfloat16),
    )(acc2, acc1, W2.astype(f32), W_pool.astype(f32))

    acc3 = _segsum128(src3, dst3, y2, zeros128)

    g = pl.pallas_call(
        _tc_f_body,
        grid=(GRID,),
        in_specs=[
            pl.BlockSpec((2, BLK, EMB), lambda i: (0, i, 0)),
            pl.BlockSpec((2, BLK, 32), lambda i: (0, i, 0)),
            pl.BlockSpec((8, EMB), lambda i: (0, 0)),
        ],
        out_specs=pl.BlockSpec((1, EMB), lambda i: (0, 0)),
        out_shape=jax.ShapeDtypeStruct((1, EMB), f32),
    )(acc3, acc1, bp2)

    return g

# --- scband reference (transcript-rebuilt; emitter-appended) ---
"""Pipeline reference for scband-plain-label-gnn-18863496364536 (READ-ONLY COPY).

The authoritative reference and input builder live on the scoring server;
editing this copy changes nothing except your own understanding.
"""

import jax, jax.numpy as jnp
import numpy as np

N_NODES = 10000
N_EDGES = 320000
D_FEAT = 128
NUM_CLASSES = 16
EMB_DIM = 128


def setup_inputs(seed: int = 0) -> dict:
    key = jax.random.key(seed)
    ks = jax.random.split(key, 10)
    feat = jax.random.normal(ks[0], (N_NODES, D_FEAT), dtype=jnp.float32)
    labels = jax.random.uniform(ks[1], (N_NODES, NUM_CLASSES), dtype=jnp.float32)
    edge_index = jax.random.randint(ks[2], (2, N_EDGES), 0, N_NODES, dtype=jnp.int64)
    # label_encoder: Linear(NUM_CLASSES -> EMB_DIM)
    W_label = jax.random.normal(ks[3], (NUM_CLASSES, EMB_DIM), dtype=jnp.float32) * (1.0 / np.sqrt(NUM_CLASSES))
    b_label = jnp.zeros((EMB_DIM,), dtype=jnp.float32)
    # task_gnn: two GraphConv layers (mean aggregation)
    W1 = jax.random.normal(ks[4], (D_FEAT + EMB_DIM, EMB_DIM), dtype=jnp.float32) * (1.0 / np.sqrt(D_FEAT + EMB_DIM))
    W2 = jax.random.normal(ks[5], (EMB_DIM, EMB_DIM), dtype=jnp.float32) * (1.0 / np.sqrt(EMB_DIM))
    # gpool: MLP([emb_dim, emb_dim], plain_last=False) -> Linear + ReLU
    W_pool = jax.random.normal(ks[6], (EMB_DIM, EMB_DIM), dtype=jnp.float32) * (1.0 / np.sqrt(EMB_DIM))
    b_pool = jnp.zeros((EMB_DIM,), dtype=jnp.float32)
    return {"feat": feat, "labels": labels, "edge_index": edge_index,
            "W_label": W_label, "b_label": b_label, "W1": W1, "W2": W2,
            "W_pool": W_pool, "b_pool": b_pool}


def reference(feat, labels, edge_index, W_label, b_label, W1, W2, W_pool, b_pool):
    src = edge_index[0]
    dst = edge_index[1]
    N = feat.shape[0]
    deg = jnp.zeros((N,), dtype=jnp.float32).at[dst].add(1.0)
    deg = jnp.clip(deg, 1.0)
    # gen_cumlabel: mean-aggregate neighbor label distributions over edges
    m_label = jnp.zeros((N, labels.shape[1]), dtype=feat.dtype).at[dst].add(labels[src])
    m_label = m_label / deg[:, None]
    # label_encoder
    label_emb = m_label @ W_label + b_label
    # concat node feat with label embedding (2-D labels => rep_size == 1)
    h = jnp.concatenate([feat, label_emb], axis=-1)
    # task_gnn: 2-layer mean-aggregation GraphConv
    def conv(x, W):
        xw = x @ W
        agg = jnp.zeros((N, W.shape[1]), dtype=x.dtype).at[dst].add(xw[src])
        return agg / deg[:, None]
    h1 = jax.nn.relu(conv(h, W1))
    n_repr = conv(h1, W2)
    # rep_size = 1 so view(1, N, -1).mean(dim=0) is identity
    node_repr = jax.nn.relu(n_repr @ W_pool + b_pool)  # gpool (plain_last=False)
    # dgl.mean_nodes over a single graph -> [1, emb_dim]
    g_repr = jnp.mean(node_repr, axis=0, keepdims=True)
    return g_repr

if __name__ == "__main__":
    import jax
    _d = setup_inputs()
    print(jax.jit(kernel)(*tuple(_d.values())))

</pallas_src>

<mosaic_0001>
#map = affine_map<(d0, d1) -> (0, 0, 0)>
#map1 = affine_map<(d0, d1) -> (0, 0)>
module attributes {stable_mosaic.version = 14 : i64} {
  func.func @body(%arg0: i32, %arg1: i32, %arg2: memref<32x80x128xi32, #tpu.memory_space<hbm>>, %arg3: memref<32x80x128xi32, #tpu.memory_space<hbm>>, %arg4: memref<10240x128xbf16, #tpu.memory_space<hbm>>, %arg5: memref<128x128xbf16, #tpu.memory_space<hbm>>, %arg6: memref<2x10240x128xbf16, #tpu.memory_space<hbm>>, %arg7: memref<80x128xi32, #tpu.memory_space<vmem>>, %arg8: memref<80x128xi32, #tpu.memory_space<vmem>>, %arg9: memref<128x128xbf16, #tpu.memory_space<vmem>>, %arg10: memref<128x128xbf16, #tpu.memory_space<vmem>>, %arg11: memref<128x128xbf16, #tpu.memory_space<vmem>>, %arg12: memref<128x128xbf16, #tpu.memory_space<vmem>>, %arg13: memref<10240x128xbf16, #tpu.memory_space<vmem_shared>>, %arg14: memref<!tpu.dma_semaphore, #tpu.memory_space<semaphore_mem>>, %arg15: memref<!tpu.dma_semaphore, #tpu.memory_space<semaphore_mem>>, %arg16: memref<!tpu.dma_semaphore, #tpu.memory_space<semaphore_mem>>, %arg17: memref<!tpu.dma_semaphore, #tpu.memory_space<semaphore_mem>>, %arg18: memref<!tpu.dma_semaphore, #tpu.memory_space<semaphore_mem>>, %arg19: memref<!tpu.dma_semaphore, #tpu.memory_space<semaphore_mem>>, %arg20: memref<!tpu.dma_semaphore, #tpu.memory_space<semaphore_mem>>, %arg21: memref<!tpu.dma_semaphore, #tpu.memory_space<semaphore_mem>>) attributes {dimension_semantics = [#tpu.dimension_semantics<core_parallel>, #tpu.dimension_semantics<subcore_parallel>], iteration_bounds = array<i64: 2, 16>, scalar_prefetch = 0 : i64, scratch_operands = 15 : i64, tpu.core_type = #tpu.core_type<sc_vector_subcore>, window_params = [{transform_indices = #map}, {transform_indices = #map}, {transform_indices = #map1}, {transform_indices = #map1}, {transform_indices = #map}]} {
    %mul3A = arith.constant 16 : i32
    %mul3A_0 = arith.muli %arg0, %mul3A : i32
    %add3A = arith.addi %mul3A_0, %arg1 : i32
    %mul3A_1 = arith.constant 640 : i32
    %mul3A_2 = arith.muli %arg1, %mul3A_1 : i32
    %dma_start3A = arith.constant 0 : i32
    %dma_start3A_3 = arith.constant 0 : i32
    %dma_start3A_4 = tpu.memref_slice %arg2[%add3A, %dma_start3A, %dma_start3A_3] : memref<32x80x128xi32, #tpu.memory_space<hbm>> -> memref<1x80x128xi32, #tpu.memory_space<hbm>>
    %dma_start3A_5 = tpu.memref_squeeze %dma_start3A_4 : memref<1x80x128xi32, #tpu.memory_space<hbm>> -> memref<80x128xi32, #tpu.memory_space<hbm>>
    %dma_start3A_6 = arith.constant 0 : i32
    %dma_start3A_7 = arith.constant 0 : i32
    %dma_start3A_8 = tpu.memref_slice %arg2[%add3A, %dma_start3A_6, %dma_start3A_7] : memref<32x80x128xi32, #tpu.memory_space<hbm>> -> memref<1x80x128xi32, #tpu.memory_space<hbm>>
    %dma_start3A_9 = tpu.memref_squeeze %dma_start3A_8 : memref<1x80x128xi32, #tpu.memory_space<hbm>> -> memref<80x128xi32, #tpu.memory_space<hbm>>
    tpu.enqueue_dma source(%dma_start3A_9 : memref<80x128xi32, #tpu.memory_space<hbm>>) target(%arg7 : memref<80x128xi32, #tpu.memory_space<vmem>>) target_semaphore(%arg14 : memref<!tpu.dma_semaphore, #tpu.memory_space<semaphore_mem>>)
    %dma_start3A_10 = arith.constant 0 : i32
    %dma_start3A_11 = arith.constant 0 : i32
    %dma_start3A_12 = tpu.memref_slice %arg3[%add3A, %dma_start3A_10, %dma_start3A_11] : memref<32x80x128xi32, #tpu.memory_space<hbm>> -> memref<1x80x128xi32, #tpu.memory_space<hbm>>
    %dma_start3A_13 = tpu.memref_squeeze %dma_start3A_12 : memref<1x80x128xi32, #tpu.memory_space<hbm>> -> memref<80x128xi32, #tpu.memory_space<hbm>>
    %dma_start3A_14 = arith.constant 0 : i32
    %dma_start3A_15 = arith.constant 0 : i32
    %dma_start3A_16 = tpu.memref_slice %arg3[%add3A, %dma_start3A_14, %dma_start3A_15] : memref<32x80x128xi32, #tpu.memory_space<hbm>> -> memref<1x80x128xi32, #tpu.memory_space<hbm>>
    %dma_start3A_17 = tpu.memref_squeeze %dma_start3A_16 : memref<1x80x128xi32, #tpu.memory_space<hbm>> -> memref<80x128xi32, #tpu.memory_space<hbm>>
    tpu.enqueue_dma source(%dma_start3A_17 : memref<80x128xi32, #tpu.memory_space<hbm>>) target(%arg8 : memref<80x128xi32, #tpu.memory_space<vmem>>) target_semaphore(%arg15 : memref<!tpu.dma_semaphore, #tpu.memory_space<semaphore_mem>>)
    "tpu.region"() ({
      %run_scoped3A = tpu.sem_alloc : memref<!tpu.dma_semaphore, #tpu.memory_space<semaphore_mem>>
      tpu.enqueue_dma source(%arg5 : memref<128x128xbf16, #tpu.memory_space<hbm>>) target(%arg9 : memref<128x128xbf16, #tpu.memory_space<vmem>>) target_semaphore(%run_scoped3A : memref<!tpu.dma_semaphore, #tpu.memory_space<semaphore_mem>>)
      tpu.wait_dma2 semaphore(%run_scoped3A : memref<!tpu.dma_semaphore, #tpu.memory_space<semaphore_mem>>) src(%arg5 : memref<128x128xbf16, #tpu.memory_space<hbm>>) dst(%arg9 : memref<128x128xbf16, #tpu.memory_space<vmem>>)
      tpu.yield
    }) : () -> ()
    %add3A_18 = arith.constant 0 : i32
    %add3A_19 = arith.addi %mul3A_2, %add3A_18 : i32
    "tpu.region"() ({
      %run_scoped3A = tpu.sem_alloc : memref<!tpu.dma_semaphore, #tpu.memory_space<semaphore_mem>>
      %dma_start3A_87 = arith.constant 0 : i32
      %dma_start3A_88 = tpu.memref_slice %arg13[%add3A_19, %dma_start3A_87] : memref<10240x128xbf16, #tpu.memory_space<vmem_shared>> -> memref<128x128xbf16, #tpu.memory_space<vmem_shared>>
      %dma_start3A_89 = arith.constant 0 : i32
      %dma_start3A_90 = tpu.memref_slice %arg13[%add3A_19, %dma_start3A_89] : memref<10240x128xbf16, #tpu.memory_space<vmem_shared>> -> memref<128x128xbf16, #tpu.memory_space<vmem_shared>>
      tpu.enqueue_dma source(%arg9 : memref<128x128xbf16, #tpu.memory_space<vmem>>) target(%dma_start3A_90 : memref<128x128xbf16, #tpu.memory_space<vmem_shared>>) target_semaphore(%run_scoped3A : memref<!tpu.dma_semaphore, #tpu.memory_space<semaphore_mem>>)
      %dma_wait3A_91 = arith.constant 0 : i32
      %dma_wait3A_92 = tpu.memref_slice %arg13[%add3A_19, %dma_wait3A_91] : memref<10240x128xbf16, #tpu.memory_space<vmem_shared>> -> memref<128x128xbf16, #tpu.memory_space<vmem_shared>>
      %dma_wait3A_93 = arith.constant 0 : i32
      %dma_wait3A_94 = tpu.memref_slice %arg13[%add3A_19, %dma_wait3A_93] : memref<10240x128xbf16, #tpu.memory_space<vmem_shared>> -> memref<128x128xbf16, #tpu.memory_space<vmem_shared>>
      tpu.wait_dma2 semaphore(%run_scoped3A : memref<!tpu.dma_semaphore, #tpu.memory_space<semaphore_mem>>) src(%arg9 : memref<128x128xbf16, #tpu.memory_space<vmem>>) dst(%dma_wait3A_94 : memref<128x128xbf16, #tpu.memory_space<vmem_shared>>)
      tpu.yield
    }) : () -> ()
    %add3A_20 = arith.constant 128 : i32
    %add3A_21 = arith.addi %mul3A_2, %add3A_20 : i32
    "tpu.region"() ({
      %run_scoped3A = tpu.sem_alloc : memref<!tpu.dma_semaphore, #tpu.memory_space<semaphore_mem>>
      %dma_start3A_87 = arith.constant 0 : i32
      %dma_start3A_88 = tpu.memref_slice %arg13[%add3A_21, %dma_start3A_87] : memref<10240x128xbf16, #tpu.memory_space<vmem_shared>> -> memref<128x128xbf16, #tpu.memory_space<vmem_shared>>
      %dma_start3A_89 = arith.constant 0 : i32
      %dma_start3A_90 = tpu.memref_slice %arg13[%add3A_21, %dma_start3A_89] : memref<10240x128xbf16, #tpu.memory_space<vmem_shared>> -> memref<128x128xbf16, #tpu.memory_space<vmem_shared>>
      tpu.enqueue_dma source(%arg9 : memref<128x128xbf16, #tpu.memory_space<vmem>>) target(%dma_start3A_90 : memref<128x128xbf16, #tpu.memory_space<vmem_shared>>) target_semaphore(%run_scoped3A : memref<!tpu.dma_semaphore, #tpu.memory_space<semaphore_mem>>)
      %dma_wait3A_91 = arith.constant 0 : i32
      %dma_wait3A_92 = tpu.memref_slice %arg13[%add3A_21, %dma_wait3A_91] : memref<10240x128xbf16, #tpu.memory_space<vmem_shared>> -> memref<128x128xbf16, #tpu.memory_space<vmem_shared>>
      %dma_wait3A_93 = arith.constant 0 : i32
      %dma_wait3A_94 = tpu.memref_slice %arg13[%add3A_21, %dma_wait3A_93] : memref<10240x128xbf16, #tpu.memory_space<vmem_shared>> -> memref<128x128xbf16, #tpu.memory_space<vmem_shared>>
      tpu.wait_dma2 semaphore(%run_scoped3A : memref<!tpu.dma_semaphore, #tpu.memory_space<semaphore_mem>>) src(%arg9 : memref<128x128xbf16, #tpu.memory_space<vmem>>) dst(%dma_wait3A_94 : memref<128x128xbf16, #tpu.memory_space<vmem_shared>>)
      tpu.yield
    }) : () -> ()
    %add3A_22 = arith.constant 256 : i32
    %add3A_23 = arith.addi %mul3A_2, %add3A_22 : i32
    "tpu.region"() ({
      %run_scoped3A = tpu.sem_alloc : memref<!tpu.dma_semaphore, #tpu.memory_space<semaphore_mem>>
      %dma_start3A_87 = arith.constant 0 : i32
      %dma_start3A_88 = tpu.memref_slice %arg13[%add3A_23, %dma_start3A_87] : memref<10240x128xbf16, #tpu.memory_space<vmem_shared>> -> memref<128x128xbf16, #tpu.memory_space<vmem_shared>>
      %dma_start3A_89 = arith.constant 0 : i32
      %dma_start3A_90 = tpu.memref_slice %arg13[%add3A_23, %dma_start3A_89] : memref<10240x128xbf16, #tpu.memory_space<vmem_shared>> -> memref<128x128xbf16, #tpu.memory_space<vmem_shared>>
      tpu.enqueue_dma source(%arg9 : memref<128x128xbf16, #tpu.memory_space<vmem>>) target(%dma_start3A_90 : memref<128x128xbf16, #tpu.memory_space<vmem_shared>>) target_semaphore(%run_scoped3A : memref<!tpu.dma_semaphore, #tpu.memory_space<semaphore_mem>>)
      %dma_wait3A_91 = arith.constant 0 : i32
      %dma_wait3A_92 = tpu.memref_slice %arg13[%add3A_23, %dma_wait3A_91] : memref<10240x128xbf16, #tpu.memory_space<vmem_shared>> -> memref<128x128xbf16, #tpu.memory_space<vmem_shared>>
      %dma_wait3A_93 = arith.constant 0 : i32
      %dma_wait3A_94 = tpu.memref_slice %arg13[%add3A_23, %dma_wait3A_93] : memref<10240x128xbf16, #tpu.memory_space<vmem_shared>> -> memref<128x128xbf16, #tpu.memory_space<vmem_shared>>
      tpu.wait_dma2 semaphore(%run_scoped3A : memref<!tpu.dma_semaphore, #tpu.memory_space<semaphore_mem>>) src(%arg9 : memref<128x128xbf16, #tpu.memory_space<vmem>>) dst(%dma_wait3A_94 : memref<128x128xbf16, #tpu.memory_space<vmem_shared>>)
      tpu.yield
    }) : () -> ()
    %add3A_24 = arith.constant 384 : i32
    %add3A_25 = arith.addi %mul3A_2, %add3A_24 : i32
    "tpu.region"() ({
      %run_scoped3A = tpu.sem_alloc : memref<!tpu.dma_semaphore, #tpu.memory_space<semaphore_mem>>
      %dma_start3A_87 = arith.constant 0 : i32
      %dma_start3A_88 = tpu.memref_slice %arg13[%add3A_25, %dma_start3A_87] : memref<10240x128xbf16, #tpu.memory_space<vmem_shared>> -> memref<128x128xbf16, #tpu.memory_space<vmem_shared>>
      %dma_start3A_89 = arith.constant 0 : i32
      %dma_start3A_90 = tpu.memref_slice %arg13[%add3A_25, %dma_start3A_89] : memref<10240x128xbf16, #tpu.memory_space<vmem_shared>> -> memref<128x128xbf16, #tpu.memory_space<vmem_shared>>
      tpu.enqueue_dma source(%arg9 : memref<128x128xbf16, #tpu.memory_space<vmem>>) target(%dma_start3A_90 : memref<128x128xbf16, #tpu.memory_space<vmem_shared>>) target_semaphore(%run_scoped3A : memref<!tpu.dma_semaphore, #tpu.memory_space<semaphore_mem>>)
      %dma_wait3A_91 = arith.constant 0 : i32
      %dma_wait3A_92 = tpu.memref_slice %arg13[%add3A_25, %dma_wait3A_91] : memref<10240x128xbf16, #tpu.memory_space<vmem_shared>> -> memref<128x128xbf16, #tpu.memory_space<vmem_shared>>
      %dma_wait3A_93 = arith.constant 0 : i32
      %dma_wait3A_94 = tpu.memref_slice %arg13[%add3A_25, %dma_wait3A_93] : memref<10240x128xbf16, #tpu.memory_space<vmem_shared>> -> memref<128x128xbf16, #tpu.memory_space<vmem_shared>>
      tpu.wait_dma2 semaphore(%run_scoped3A : memref<!tpu.dma_semaphore, #tpu.memory_space<semaphore_mem>>) src(%arg9 : memref<128x128xbf16, #tpu.memory_space<vmem>>) dst(%dma_wait3A_94 : memref<128x128xbf16, #tpu.memory_space<vmem_shared>>)
      tpu.yield
    }) : () -> ()
    %add3A_26 = arith.constant 512 : i32
    %add3A_27 = arith.addi %mul3A_2, %add3A_26 : i32
    "tpu.region"() ({
      %run_scoped3A = tpu.sem_alloc : memref<!tpu.dma_semaphore, #tpu.memory_space<semaphore_mem>>
      %dma_start3A_87 = arith.constant 0 : i32
      %dma_start3A_88 = tpu.memref_slice %arg13[%add3A_27, %dma_start3A_87] : memref<10240x128xbf16, #tpu.memory_space<vmem_shared>> -> memref<128x128xbf16, #tpu.memory_space<vmem_shared>>
      %dma_start3A_89 = arith.constant 0 : i32
      %dma_start3A_90 = tpu.memref_slice %arg13[%add3A_27, %dma_start3A_89] : memref<10240x128xbf16, #tpu.memory_space<vmem_shared>> -> memref<128x128xbf16, #tpu.memory_space<vmem_shared>>
      tpu.enqueue_dma source(%arg9 : memref<128x128xbf16, #tpu.memory_space<vmem>>) target(%dma_start3A_90 : memref<128x128xbf16, #tpu.memory_space<vmem_shared>>) target_semaphore(%run_scoped3A : memref<!tpu.dma_semaphore, #tpu.memory_space<semaphore_mem>>)
      %dma_wait3A_91 = arith.constant 0 : i32
      %dma_wait3A_92 = tpu.memref_slice %arg13[%add3A_27, %dma_wait3A_91] : memref<10240x128xbf16, #tpu.memory_space<vmem_shared>> -> memref<128x128xbf16, #tpu.memory_space<vmem_shared>>
      %dma_wait3A_93 = arith.constant 0 : i32
      %dma_wait3A_94 = tpu.memref_slice %arg13[%add3A_27, %dma_wait3A_93] : memref<10240x128xbf16, #tpu.memory_space<vmem_shared>> -> memref<128x128xbf16, #tpu.memory_space<vmem_shared>>
      tpu.wait_dma2 semaphore(%run_scoped3A : memref<!tpu.dma_semaphore, #tpu.memory_space<semaphore_mem>>) src(%arg9 : memref<128x128xbf16, #tpu.memory_space<vmem>>) dst(%dma_wait3A_94 : memref<128x128xbf16, #tpu.memory_space<vmem_shared>>)
      tpu.yield
    }) : () -> ()
    %dma_wait3A = arith.constant 0 : i32
    %dma_wait3A_28 = arith.constant 0 : i32
    %dma_wait3A_29 = tpu.memref_slice %arg2[%add3A, %dma_wait3A, %dma_wait3A_28] : memref<32x80x128xi32, #tpu.memory_space<hbm>> -> memref<1x80x128xi32, #tpu.memory_space<hbm>>
    %dma_wait3A_30 = tpu.memref_squeeze %dma_wait3A_29 : memref<1x80x128xi32, #tpu.memory_space<hbm>> -> memref<80x128xi32, #tpu.memory_space<hbm>>
    %dma_wait3A_31 = arith.constant 0 : i32
    %dma_wait3A_32 = arith.constant 0 : i32
    %dma_wait3A_33 = tpu.memref_slice %arg2[%add3A, %dma_wait3A_31, %dma_wait3A_32] : memref<32x80x128xi32, #tpu.memory_space<hbm>> -> memref<1x80x128xi32, #tpu.memory_space<hbm>>
    %dma_wait3A_34 = tpu.memref_squeeze %dma_wait3A_33 : memref<1x80x128xi32, #tpu.memory_space<hbm>> -> memref<80x128xi32, #tpu.memory_space<hbm>>
    tpu.wait_dma2 semaphore(%arg14 : memref<!tpu.dma_semaphore, #tpu.memory_space<semaphore_mem>>) src(%dma_wait3A_34 : memref<80x128xi32, #tpu.memory_space<hbm>>) dst(%arg7 : memref<80x128xi32, #tpu.memory_space<vmem>>)
    %dma_wait3A_35 = arith.constant 0 : i32
    %dma_wait3A_36 = arith.constant 0 : i32
    %dma_wait3A_37 = tpu.memref_slice %arg3[%add3A, %dma_wait3A_35, %dma_wait3A_36] : memref<32x80x128xi32, #tpu.memory_space<hbm>> -> memref<1x80x128xi32, #tpu.memory_space<hbm>>
    %dma_wait3A_38 = tpu.memref_squeeze %dma_wait3A_37 : memref<1x80x128xi32, #tpu.memory_space<hbm>> -> memref<80x128xi32, #tpu.memory_space<hbm>>
    %dma_wait3A_39 = arith.constant 0 : i32
    %dma_wait3A_40 = arith.constant 0 : i32
    %dma_wait3A_41 = tpu.memref_slice %arg3[%add3A, %dma_wait3A_39, %dma_wait3A_40] : memref<32x80x128xi32, #tpu.memory_space<hbm>> -> memref<1x80x128xi32, #tpu.memory_space<hbm>>
    %dma_wait3A_42 = tpu.memref_squeeze %dma_wait3A_41 : memref<1x80x128xi32, #tpu.memory_space<hbm>> -> memref<80x128xi32, #tpu.memory_space<hbm>>
    tpu.wait_dma2 semaphore(%arg15 : memref<!tpu.dma_semaphore, #tpu.memory_space<semaphore_mem>>) src(%dma_wait3A_42 : memref<80x128xi32, #tpu.memory_space<hbm>>) dst(%arg8 : memref<80x128xi32, #tpu.memory_space<vmem>>)
    %barrier3A = arith.constant 0 : index
    tpu.barrier barrier_id(%barrier3A)
    %dma_start3A_43 = arith.constant 0 : i32
    %dma_start3A_44 = arith.constant 0 : i32
    %dma_start3A_45 = tpu.memref_slice %arg7[%dma_start3A_43, %dma_start3A_44] : memref<80x128xi32, #tpu.memory_space<vmem>> -> memref<1x128xi32, #tpu.memory_space<vmem>>
    %dma_start3A_46 = tpu.memref_squeeze %dma_start3A_45 : memref<1x128xi32, #tpu.memory_space<vmem>> -> memref<128xi32, #tpu.memory_space<vmem>>
    %dma_start3A_47 = arith.constant 0 : i32
    %dma_start3A_48 = arith.constant 0 : i32
    %dma_start3A_49 = tpu.memref_slice %arg4[%dma_start3A_47, %dma_start3A_48] : memref<10240x128xbf16, #tpu.memory_space<hbm>> -> memref<10240x128xbf16, #tpu.memory_space<hbm>>
    tpu.enqueue_indirect_dma source(%dma_start3A_49 : memref<10240x128xbf16, #tpu.memory_space<hbm>>) target(%arg9 : memref<128x128xbf16, #tpu.memory_space<vmem>>) offsets(%dma_start3A_46 : memref<128xi32, #tpu.memory_space<vmem>>) semaphore(%arg14 : memref<!tpu.dma_semaphore, #tpu.memory_space<semaphore_mem>>)
    %dma_start3A_50 = arith.constant 1 : i32
    %dma_start3A_51 = arith.constant 0 : i32
    %dma_start3A_52 = tpu.memref_slice %arg7[%dma_start3A_50, %dma_start3A_51] : memref<80x128xi32, #tpu.memory_space<vmem>> -> memref<1x128xi32, #tpu.memory_space<vmem>>
    %dma_start3A_53 = tpu.memref_squeeze %dma_start3A_52 : memref<1x128xi32, #tpu.memory_space<vmem>> -> memref<128xi32, #tpu.memory_space<vmem>>
    %dma_start3A_54 = arith.constant 0 : i32
    %dma_start3A_55 = arith.constant 0 : i32
    %dma_start3A_56 = tpu.memref_slice %arg4[%dma_start3A_54, %dma_start3A_55] : memref<10240x128xbf16, #tpu.memory_space<hbm>> -> memref<10240x128xbf16, #tpu.memory_space<hbm>>
    tpu.enqueue_indirect_dma source(%dma_start3A_56 : memref<10240x128xbf16, #tpu.memory_space<hbm>>) target(%arg10 : memref<128x128xbf16, #tpu.memory_space<vmem>>) offsets(%dma_start3A_53 : memref<128xi32, #tpu.memory_space<vmem>>) semaphore(%arg15 : memref<!tpu.dma_semaphore, #tpu.memory_space<semaphore_mem>>)
    %dma_start3A_57 = arith.constant 2 : i32
    %dma_start3A_58 = arith.constant 0 : i32
    %dma_start3A_59 = tpu.memref_slice %arg7[%dma_start3A_57, %dma_start3A_58] : memref<80x128xi32, #tpu.memory_space<vmem>> -> memref<1x128xi32, #tpu.memory_space<vmem>>
    %dma_start3A_60 = tpu.memref_squeeze %dma_start3A_59 : memref<1x128xi32, #tpu.memory_space<vmem>> -> memref<128xi32, #tpu.memory_space<vmem>>
    %dma_start3A_61 = arith.constant 0 : i32
    %dma_start3A_62 = arith.constant 0 : i32
    %dma_start3A_63 = tpu.memref_slice %arg4[%dma_start3A_61, %dma_start3A_62] : memref<10240x128xbf16, #tpu.memory_space<hbm>> -> memref<10240x128xbf16, #tpu.memory_space<hbm>>
    tpu.enqueue_indirect_dma source(%dma_start3A_63 : memref<10240x128xbf16, #tpu.memory_space<hbm>>) target(%arg11 : memref<128x128xbf16, #tpu.memory_space<vmem>>) offsets(%dma_start3A_60 : memref<128xi32, #tpu.memory_space<vmem>>) semaphore(%arg16 : memref<!tpu.dma_semaphore, #tpu.memory_space<semaphore_mem>>)
    %dma_start3A_64 = arith.constant 3 : i32
    %dma_start3A_65 = arith.constant 0 : i32
    %dma_start3A_66 = tpu.memref_slice %arg7[%dma_start3A_64, %dma_start3A_65] : memref<80x128xi32, #tpu.memory_space<vmem>> -> memref<1x128xi32, #tpu.memory_space<vmem>>
    %dma_start3A_67 = tpu.memref_squeeze %dma_start3A_66 : memref<1x128xi32, #tpu.memory_space<vmem>> -> memref<128xi32, #tpu.memory_space<vmem>>
    %dma_start3A_68 = arith.constant 0 : i32
    %dma_start3A_69 = arith.constant 0 : i32
    %dma_start3A_70 = tpu.memref_slice %arg4[%dma_start3A_68, %dma_start3A_69] : memref<10240x128xbf16, #tpu.memory_space<hbm>> -> memref<10240x128xbf16, #tpu.memory_space<hbm>>
    tpu.enqueue_indirect_dma source(%dma_start3A_70 : memref<10240x128xbf16, #tpu.memory_space<hbm>>) target(%arg12 : memref<128x128xbf16, #tpu.memory_space<vmem>>) offsets(%dma_start3A_67 : memref<128xi32, #tpu.memory_space<vmem>>) semaphore(%arg17 : memref<!tpu.dma_semaphore, #tpu.memory_space<semaphore_mem>>)
    %scan3A = arith.constant 0 : i32
    %scan3A_71 = arith.constant 0 : i32
    %scan3A_72 = arith.constant 20 : i32
    %scan3A_73 = arith.addi %scan3A_71, %scan3A_72 : i32
    %scan3A_74 = arith.constant 1 : i32
    scf.for %scan3A_87 = %scan3A_71 to %scan3A_73 step %scan3A_74  : i32 {
      %mul3A_88 = arith.constant 4 : i32
      %mul3A_89 = arith.muli %mul3A_88, %scan3A_87 : i32
      %add3A_90 = arith.constant 0 : i32
      %add3A_91 = arith.addi %mul3A_89, %add3A_90 : i32
      %dma_wait3A_92 = arith.constant 0 : i32
      %dma_wait3A_93 = tpu.memref_slice %arg7[%add3A_91, %dma_wait3A_92] : memref<80x128xi32, #tpu.memory_space<vmem>> -> memref<1x128xi32, #tpu.memory_space<vmem>>
      %dma_wait3A_94 = tpu.memref_squeeze %dma_wait3A_93 : memref<1x128xi32, #tpu.memory_space<vmem>> -> memref<128xi32, #tpu.memory_space<vmem>>
      %dma_wait3A_95 = arith.constant 0 : i32
      %dma_wait3A_96 = arith.constant 0 : i32
      %dma_wait3A_97 = tpu.memref_slice %arg4[%dma_wait3A_95, %dma_wait3A_96] : memref<10240x128xbf16, #tpu.memory_space<hbm>> -> memref<10240x128xbf16, #tpu.memory_space<hbm>>
      tpu.wait_indirect_dma semaphore(%arg14 : memref<!tpu.dma_semaphore, #tpu.memory_space<semaphore_mem>>) src(%dma_wait3A_97 : memref<10240x128xbf16, #tpu.memory_space<hbm>>) dst(%arg9 : memref<128x128xbf16, #tpu.memory_space<vmem>>)
      %add3A_98 = arith.constant 0 : i32
      %add3A_99 = arith.addi %mul3A_89, %add3A_98 : i32
      %dma_start3A_100 = arith.constant 0 : i32
      %dma_start3A_101 = tpu.memref_slice %arg8[%add3A_99, %dma_start3A_100] : memref<80x128xi32, #tpu.memory_space<vmem>> -> memref<1x128xi32, #tpu.memory_space<vmem>>
      %dma_start3A_102 = tpu.memref_squeeze %dma_start3A_101 : memref<1x128xi32, #tpu.memory_space<vmem>> -> memref<128xi32, #tpu.memory_space<vmem>>
      %dma_start3A_103 = arith.constant 0 : i32
      %dma_start3A_104 = arith.constant 0 : i32
      %dma_start3A_105 = tpu.memref_slice %arg13[%dma_start3A_103, %dma_start3A_104] : memref<10240x128xbf16, #tpu.memory_space<vmem_shared>> -> memref<10240x128xbf16, #tpu.memory_space<vmem_shared>>
      tpu.enqueue_indirect_dma source(%arg9 : memref<128x128xbf16, #tpu.memory_space<vmem>>) target(%dma_start3A_105 : memref<10240x128xbf16, #tpu.memory_space<vmem_shared>>) offsets(%dma_start3A_102 : memref<128xi32, #tpu.memory_space<vmem>>) semaphore(%arg18 : memref<!tpu.dma_semaphore, #tpu.memory_space<semaphore_mem>>) {add = true}
      %add3A_106 = arith.constant 1 : i32
      %add3A_107 = arith.addi %mul3A_89, %add3A_106 : i32
      %dma_wait3A_108 = arith.constant 0 : i32
      %dma_wait3A_109 = tpu.memref_slice %arg7[%add3A_107, %dma_wait3A_108] : memref<80x128xi32, #tpu.memory_space<vmem>> -> memref<1x128xi32, #tpu.memory_space<vmem>>
      %dma_wait3A_110 = tpu.memref_squeeze %dma_wait3A_109 : memref<1x128xi32, #tpu.memory_space<vmem>> -> memref<128xi32, #tpu.memory_space<vmem>>
      %dma_wait3A_111 = arith.constant 0 : i32
      %dma_wait3A_112 = arith.constant 0 : i32
      %dma_wait3A_113 = tpu.memref_slice %arg4[%dma_wait3A_111, %dma_wait3A_112] : memref<10240x128xbf16, #tpu.memory_space<hbm>> -> memref<10240x128xbf16, #tpu.memory_space<hbm>>
      tpu.wait_indirect_dma semaphore(%arg15 : memref<!tpu.dma_semaphore, #tpu.memory_space<semaphore_mem>>) src(%dma_wait3A_113 : memref<10240x128xbf16, #tpu.memory_space<hbm>>) dst(%arg10 : memref<128x128xbf16, #tpu.memory_space<vmem>>)
      %add3A_114 = arith.constant 1 : i32
      %add3A_115 = arith.addi %mul3A_89, %add3A_114 : i32
      %dma_start3A_116 = arith.constant 0 : i32
      %dma_start3A_117 = tpu.memref_slice %arg8[%add3A_115, %dma_start3A_116] : memref<80x128xi32, #tpu.memory_space<vmem>> -> memref<1x128xi32, #tpu.memory_space<vmem>>
      %dma_start3A_118 = tpu.memref_squeeze %dma_start3A_117 : memref<1x128xi32, #tpu.memory_space<vmem>> -> memref<128xi32, #tpu.memory_space<vmem>>
      %dma_start3A_119 = arith.constant 0 : i32
      %dma_start3A_120 = arith.constant 0 : i32
      %dma_start3A_121 = tpu.memref_slice %arg13[%dma_start3A_119, %dma_start3A_120] : memref<10240x128xbf16, #tpu.memory_space<vmem_shared>> -> memref<10240x128xbf16, #tpu.memory_space<vmem_shared>>
      tpu.enqueue_indirect_dma source(%arg10 : memref<128x128xbf16, #tpu.memory_space<vmem>>) target(%dma_start3A_121 : memref<10240x128xbf16, #tpu.memory_space<vmem_shared>>) offsets(%dma_start3A_118 : memref<128xi32, #tpu.memory_space<vmem>>) semaphore(%arg19 : memref<!tpu.dma_semaphore, #tpu.memory_space<semaphore_mem>>) {add = true}
      %add3A_122 = arith.constant 2 : i32
      %add3A_123 = arith.addi %mul3A_89, %add3A_122 : i32
      %dma_wait3A_124 = arith.constant 0 : i32
      %dma_wait3A_125 = tpu.memref_slice %arg7[%add3A_123, %dma_wait3A_124] : memref<80x128xi32, #tpu.memory_space<vmem>> -> memref<1x128xi32, #tpu.memory_space<vmem>>
      %dma_wait3A_126 = tpu.memref_squeeze %dma_wait3A_125 : memref<1x128xi32, #tpu.memory_space<vmem>> -> memref<128xi32, #tpu.memory_space<vmem>>
      %dma_wait3A_127 = arith.constant 0 : i32
      %dma_wait3A_128 = arith.constant 0 : i32
      %dma_wait3A_129 = tpu.memref_slice %arg4[%dma_wait3A_127, %dma_wait3A_128] : memref<10240x128xbf16, #tpu.memory_space<hbm>> -> memref<10240x128xbf16, #tpu.memory_space<hbm>>
      tpu.wait_indirect_dma semaphore(%arg16 : memref<!tpu.dma_semaphore, #tpu.memory_space<semaphore_mem>>) src(%dma_wait3A_129 : memref<10240x128xbf16, #tpu.memory_space<hbm>>) dst(%arg11 : memref<128x128xbf16, #tpu.memory_space<vmem>>)
      %add3A_130 = arith.constant 2 : i32
      %add3A_131 = arith.addi %mul3A_89, %add3A_130 : i32
      %dma_start3A_132 = arith.constant 0 : i32
      %dma_start3A_133 = tpu.memref_slice %arg8[%add3A_131, %dma_start3A_132] : memref<80x128xi32, #tpu.memory_space<vmem>> -> memref<1x128xi32, #tpu.memory_space<vmem>>
      %dma_start3A_134 = tpu.memref_squeeze %dma_start3A_133 : memref<1x128xi32, #tpu.memory_space<vmem>> -> memref<128xi32, #tpu.memory_space<vmem>>
      %dma_start3A_135 = arith.constant 0 : i32
      %dma_start3A_136 = arith.constant 0 : i32
      %dma_start3A_137 = tpu.memref_slice %arg13[%dma_start3A_135, %dma_start3A_136] : memref<10240x128xbf16, #tpu.memory_space<vmem_shared>> -> memref<10240x128xbf16, #tpu.memory_space<vmem_shared>>
      tpu.enqueue_indirect_dma source(%arg11 : memref<128x128xbf16, #tpu.memory_space<vmem>>) target(%dma_start3A_137 : memref<10240x128xbf16, #tpu.memory_space<vmem_shared>>) offsets(%dma_start3A_134 : memref<128xi32, #tpu.memory_space<vmem>>) semaphore(%arg20 : memref<!tpu.dma_semaphore, #tpu.memory_space<semaphore_mem>>) {add = true}
      %add3A_138 = arith.constant 3 : i32
      %add3A_139 = arith.addi %mul3A_89, %add3A_138 : i32
      %dma_wait3A_140 = arith.constant 0 : i32
      %dma_wait3A_141 = tpu.memref_slice %arg7[%add3A_139, %dma_wait3A_140] : memref<80x128xi32, #tpu.memory_space<vmem>> -> memref<1x128xi32, #tpu.memory_space<vmem>>
      %dma_wait3A_142 = tpu.memref_squeeze %dma_wait3A_141 : memref<1x128xi32, #tpu.memory_space<vmem>> -> memref<128xi32, #tpu.memory_space<vmem>>
      %dma_wait3A_143 = arith.constant 0 : i32
      %dma_wait3A_144 = arith.constant 0 : i32
      %dma_wait3A_145 = tpu.memref_slice %arg4[%dma_wait3A_143, %dma_wait3A_144] : memref<10240x128xbf16, #tpu.memory_space<hbm>> -> memref<10240x128xbf16, #tpu.memory_space<hbm>>
      tpu.wait_indirect_dma semaphore(%arg17 : memref<!tpu.dma_semaphore, #tpu.memory_space<semaphore_mem>>) src(%dma_wait3A_145 : memref<10240x128xbf16, #tpu.memory_space<hbm>>) dst(%arg12 : memref<128x128xbf16, #tpu.memory_space<vmem>>)
      %add3A_146 = arith.constant 3 : i32
      %add3A_147 = arith.addi %mul3A_89, %add3A_146 : i32
      %dma_start3A_148 = arith.constant 0 : i32
      %dma_start3A_149 = tpu.memref_slice %arg8[%add3A_147, %dma_start3A_148] : memref<80x128xi32, #tpu.memory_space<vmem>> -> memref<1x128xi32, #tpu.memory_space<vmem>>
      %dma_start3A_150 = tpu.memref_squeeze %dma_start3A_149 : memref<1x128xi32, #tpu.memory_space<vmem>> -> memref<128xi32, #tpu.memory_space<vmem>>
      %dma_start3A_151 = arith.constant 0 : i32
      %dma_start3A_152 = arith.constant 0 : i32
      %dma_start3A_153 = tpu.memref_slice %arg13[%dma_start3A_151, %dma_start3A_152] : memref<10240x128xbf16, #tpu.memory_space<vmem_shared>> -> memref<10240x128xbf16, #tpu.memory_space<vmem_shared>>
      tpu.enqueue_indirect_dma source(%arg12 : memref<128x128xbf16, #tpu.memory_space<vmem>>) target(%dma_start3A_153 : memref<10240x128xbf16, #tpu.memory_space<vmem_shared>>) offsets(%dma_start3A_150 : memref<128xi32, #tpu.memory_space<vmem>>) semaphore(%arg21 : memref<!tpu.dma_semaphore, #tpu.memory_space<semaphore_mem>>) {add = true}
      %add3A_154 = arith.constant 0 : i32
      %add3A_155 = arith.addi %mul3A_89, %add3A_154 : i32
      %dma_wait3A_156 = arith.constant 0 : i32
      %dma_wait3A_157 = tpu.memref_slice %arg8[%add3A_155, %dma_wait3A_156] : memref<80x128xi32, #tpu.memory_space<vmem>> -> memref<1x128xi32, #tpu.memory_space<vmem>>
      %dma_wait3A_158 = tpu.memref_squeeze %dma_wait3A_157 : memref<1x128xi32, #tpu.memory_space<vmem>> -> memref<128xi32, #tpu.memory_space<vmem>>
      %dma_wait3A_159 = arith.constant 0 : i32
      %dma_wait3A_160 = arith.constant 0 : i32
      %dma_wait3A_161 = tpu.memref_slice %arg13[%dma_wait3A_159, %dma_wait3A_160] : memref<10240x128xbf16, #tpu.memory_space<vmem_shared>> -> memref<10240x128xbf16, #tpu.memory_space<vmem_shared>>
      tpu.wait_indirect_dma semaphore(%arg18 : memref<!tpu.dma_semaphore, #tpu.memory_space<semaphore_mem>>) src(%arg9 : memref<128x128xbf16, #tpu.memory_space<vmem>>) dst(%dma_wait3A_161 : memref<10240x128xbf16, #tpu.memory_space<vmem_shared>>)
      %add3A_162 = arith.constant 0 : i32
      %add3A_163 = arith.addi %mul3A_89, %add3A_162 : i32
      %add3A_164 = arith.constant 4 : i32
      %add3A_165 = arith.addi %add3A_163, %add3A_164 : i32
      %lt3A = arith.constant 80 : i32
      %lt3A_166 = arith.cmpi slt, %add3A_165, %lt3A : i32
      %convert_element_type3A = arith.extui %lt3A_166 : i1 to i32
      %cond3A = arith.constant 0 : i32
      %cond3A_167 = arith.cmpi ne, %convert_element_type3A, %cond3A : i32
      scf.if %cond3A_167 {
        %add3A_219 = arith.constant 0 : i32
        %add3A_220 = arith.addi %mul3A_89, %add3A_219 : i32
        %add3A_221 = arith.constant 4 : i32
        %add3A_222 = arith.addi %add3A_220, %add3A_221 : i32
        %dma_start3A_223 = arith.constant 0 : i32
        %dma_start3A_224 = tpu.memref_slice %arg7[%add3A_222, %dma_start3A_223] : memref<80x128xi32, #tpu.memory_space<vmem>> -> memref<1x128xi32, #tpu.memory_space<vmem>>
        %dma_start3A_225 = tpu.memref_squeeze %dma_start3A_224 : memref<1x128xi32, #tpu.memory_space<vmem>> -> memref<128xi32, #tpu.memory_space<vmem>>
        %dma_start3A_226 = arith.constant 0 : i32
        %dma_start3A_227 = arith.constant 0 : i32
        %dma_start3A_228 = tpu.memref_slice %arg4[%dma_start3A_226, %dma_start3A_227] : memref<10240x128xbf16, #tpu.memory_space<hbm>> -> memref<10240x128xbf16, #tpu.memory_space<hbm>>
        tpu.enqueue_indirect_dma source(%dma_start3A_228 : memref<10240x128xbf16, #tpu.memory_space<hbm>>) target(%arg9 : memref<128x128xbf16, #tpu.memory_space<vmem>>) offsets(%dma_start3A_225 : memref<128xi32, #tpu.memory_space<vmem>>) semaphore(%arg14 : memref<!tpu.dma_semaphore, #tpu.memory_space<semaphore_mem>>)
      } else {
      }
      %add3A_168 = arith.constant 1 : i32
      %add3A_169 = arith.addi %mul3A_89, %add3A_168 : i32
      %dma_wait3A_170 = arith.constant 0 : i32
      %dma_wait3A_171 = tpu.memref_slice %arg8[%add3A_169, %dma_wait3A_170] : memref<80x128xi32, #tpu.memory_space<vmem>> -> memref<1x128xi32, #tpu.memory_space<vmem>>
      %dma_wait3A_172 = tpu.memref_squeeze %dma_wait3A_171 : memref<1x128xi32, #tpu.memory_space<vmem>> -> memref<128xi32, #tpu.memory_space<vmem>>
      %dma_wait3A_173 = arith.constant 0 : i32
      %dma_wait3A_174 = arith.constant 0 : i32
      %dma_wait3A_175 = tpu.memref_slice %arg13[%dma_wait3A_173, %dma_wait3A_174] : memref<10240x128xbf16, #tpu.memory_space<vmem_shared>> -> memref<10240x128xbf16, #tpu.memory_space<vmem_shared>>
      tpu.wait_indirect_dma semaphore(%arg19 : memref<!tpu.dma_semaphore, #tpu.memory_space<semaphore_mem>>) src(%arg10 : memref<128x128xbf16, #tpu.memory_space<vmem>>) dst(%dma_wait3A_175 : memref<10240x128xbf16, #tpu.memory_space<vmem_shared>>)
      %add3A_176 = arith.constant 1 : i32
      %add3A_177 = arith.addi %mul3A_89, %add3A_176 : i32
      %add3A_178 = arith.constant 4 : i32
      %add3A_179 = arith.addi %add3A_177, %add3A_178 : i32
      %lt3A_180 = arith.constant 80 : i32
      %lt3A_181 = arith.cmpi slt, %add3A_179, %lt3A_180 : i32
      %convert_element_type3A_182 = arith.extui %lt3A_181 : i1 to i32
      %cond3A_183 = arith.constant 0 : i32
      %cond3A_184 = arith.cmpi ne, %convert_element_type3A_182, %cond3A_183 : i32
      scf.if %cond3A_184 {
        %add3A_219 = arith.constant 1 : i32
        %add3A_220 = arith.addi %mul3A_89, %add3A_219 : i32
        %add3A_221 = arith.constant 4 : i32
        %add3A_222 = arith.addi %add3A_220, %add3A_221 : i32
        %dma_start3A_223 = arith.constant 0 : i32
        %dma_start3A_224 = tpu.memref_slice %arg7[%add3A_222, %dma_start3A_223] : memref<80x128xi32, #tpu.memory_space<vmem>> -> memref<1x128xi32, #tpu.memory_space<vmem>>
        %dma_start3A_225 = tpu.memref_squeeze %dma_start3A_224 : memref<1x128xi32, #tpu.memory_space<vmem>> -> memref<128xi32, #tpu.memory_space<vmem>>
        %dma_start3A_226 = arith.constant 0 : i32
        %dma_start3A_227 = arith.constant 0 : i32
        %dma_start3A_228 = tpu.memref_slice %arg4[%dma_start3A_226, %dma_start3A_227] : memref<10240x128xbf16, #tpu.memory_space<hbm>> -> memref<10240x128xbf16, #tpu.memory_space<hbm>>
        tpu.enqueue_indirect_dma source(%dma_start3A_228 : memref<10240x128xbf16, #tpu.memory_space<hbm>>) target(%arg10 : memref<128x128xbf16, #tpu.memory_space<vmem>>) offsets(%dma_start3A_225 : memref<128xi32, #tpu.memory_space<vmem>>) semaphore(%arg15 : memref<!tpu.dma_semaphore, #tpu.memory_space<semaphore_mem>>)
      } else {
      }
      %add3A_185 = arith.constant 2 : i32
      %add3A_186 = arith.addi %mul3A_89, %add3A_185 : i32
      %dma_wait3A_187 = arith.constant 0 : i32
      %dma_wait3A_188 = tpu.memref_slice %arg8[%add3A_186, %dma_wait3A_187] : memref<80x128xi32, #tpu.memory_space<vmem>> -> memref<1x128xi32, #tpu.memory_space<vmem>>
      %dma_wait3A_189 = tpu.memref_squeeze %dma_wait3A_188 : memref<1x128xi32, #tpu.memory_space<vmem>> -> memref<128xi32, #tpu.memory_space<vmem>>
      %dma_wait3A_190 = arith.constant 0 : i32
      %dma_wait3A_191 = arith.constant 0 : i32
      %dma_wait3A_192 = tpu.memref_slice %arg13[%dma_wait3A_190, %dma_wait3A_191] : memref<10240x128xbf16, #tpu.memory_space<vmem_shared>> -> memref<10240x128xbf16, #tpu.memory_space<vmem_shared>>
      tpu.wait_indirect_dma semaphore(%arg20 : memref<!tpu.dma_semaphore, #tpu.memory_space<semaphore_mem>>) src(%arg11 : memref<128x128xbf16, #tpu.memory_space<vmem>>) dst(%dma_wait3A_192 : memref<10240x128xbf16, #tpu.memory_space<vmem_shared>>)
      %add3A_193 = arith.constant 2 : i32
      %add3A_194 = arith.addi %mul3A_89, %add3A_193 : i32
      %add3A_195 = arith.constant 4 : i32
      %add3A_196 = arith.addi %add3A_194, %add3A_195 : i32
      %lt3A_197 = arith.constant 80 : i32
      %lt3A_198 = arith.cmpi slt, %add3A_196, %lt3A_197 : i32
      %convert_element_type3A_199 = arith.extui %lt3A_198 : i1 to i32
      %cond3A_200 = arith.constant 0 : i32
      %cond3A_201 = arith.cmpi ne, %convert_element_type3A_199, %cond3A_200 : i32
      scf.if %cond3A_201 {
        %add3A_219 = arith.constant 2 : i32
        %add3A_220 = arith.addi %mul3A_89, %add3A_219 : i32
        %add3A_221 = arith.constant 4 : i32
        %add3A_222 = arith.addi %add3A_220, %add3A_221 : i32
        %dma_start3A_223 = arith.constant 0 : i32
        %dma_start3A_224 = tpu.memref_slice %arg7[%add3A_222, %dma_start3A_223] : memref<80x128xi32, #tpu.memory_space<vmem>> -> memref<1x128xi32, #tpu.memory_space<vmem>>
        %dma_start3A_225 = tpu.memref_squeeze %dma_start3A_224 : memref<1x128xi32, #tpu.memory_space<vmem>> -> memref<128xi32, #tpu.memory_space<vmem>>
        %dma_start3A_226 = arith.constant 0 : i32
        %dma_start3A_227 = arith.constant 0 : i32
        %dma_start3A_228 = tpu.memref_slice %arg4[%dma_start3A_226, %dma_start3A_227] : memref<10240x128xbf16, #tpu.memory_space<hbm>> -> memref<10240x128xbf16, #tpu.memory_space<hbm>>
        tpu.enqueue_indirect_dma source(%dma_start3A_228 : memref<10240x128xbf16, #tpu.memory_space<hbm>>) target(%arg11 : memref<128x128xbf16, #tpu.memory_space<vmem>>) offsets(%dma_start3A_225 : memref<128xi32, #tpu.memory_space<vmem>>) semaphore(%arg16 : memref<!tpu.dma_semaphore, #tpu.memory_space<semaphore_mem>>)
      } else {
      }
      %add3A_202 = arith.constant 3 : i32
      %add3A_203 = arith.addi %mul3A_89, %add3A_202 : i32
      %dma_wait3A_204 = arith.constant 0 : i32
      %dma_wait3A_205 = tpu.memref_slice %arg8[%add3A_203, %dma_wait3A_204] : memref<80x128xi32, #tpu.memory_space<vmem>> -> memref<1x128xi32, #tpu.memory_space<vmem>>
      %dma_wait3A_206 = tpu.memref_squeeze %dma_wait3A_205 : memref<1x128xi32, #tpu.memory_space<vmem>> -> memref<128xi32, #tpu.memory_space<vmem>>
      %dma_wait3A_207 = arith.constant 0 : i32
      %dma_wait3A_208 = arith.constant 0 : i32
      %dma_wait3A_209 = tpu.memref_slice %arg13[%dma_wait3A_207, %dma_wait3A_208] : memref<10240x128xbf16, #tpu.memory_space<vmem_shared>> -> memref<10240x128xbf16, #tpu.memory_space<vmem_shared>>
      tpu.wait_indirect_dma semaphore(%arg21 : memref<!tpu.dma_semaphore, #tpu.memory_space<semaphore_mem>>) src(%arg12 : memref<128x128xbf16, #tpu.memory_space<vmem>>) dst(%dma_wait3A_209 : memref<10240x128xbf16, #tpu.memory_space<vmem_shared>>)
      %add3A_210 = arith.constant 3 : i32
      %add3A_211 = arith.addi %mul3A_89, %add3A_210 : i32
      %add3A_212 = arith.constant 4 : i32
      %add3A_213 = arith.addi %add3A_211, %add3A_212 : i32
      %lt3A_214 = arith.constant 80 : i32
      %lt3A_215 = arith.cmpi slt, %add3A_213, %lt3A_214 : i32
      %convert_element_type3A_216 = arith.extui %lt3A_215 : i1 to i32
      %cond3A_217 = arith.constant 0 : i32
      %cond3A_218 = arith.cmpi ne, %convert_element_type3A_216, %cond3A_217 : i32
      scf.if %cond3A_218 {
        %add3A_219 = arith.constant 3 : i32
        %add3A_220 = arith.addi %mul3A_89, %add3A_219 : i32
        %add3A_221 = arith.constant 4 : i32
        %add3A_222 = arith.addi %add3A_220, %add3A_221 : i32
        %dma_start3A_223 = arith.constant 0 : i32
        %dma_start3A_224 = tpu.memref_slice %arg7[%add3A_222, %dma_start3A_223] : memref<80x128xi32, #tpu.memory_space<vmem>> -> memref<1x128xi32, #tpu.memory_space<vmem>>
        %dma_start3A_225 = tpu.memref_squeeze %dma_start3A_224 : memref<1x128xi32, #tpu.memory_space<vmem>> -> memref<128xi32, #tpu.memory_space<vmem>>
        %dma_start3A_226 = arith.constant 0 : i32
        %dma_start3A_227 = arith.constant 0 : i32
        %dma_start3A_228 = tpu.memref_slice %arg4[%dma_start3A_226, %dma_start3A_227] : memref<10240x128xbf16, #tpu.memory_space<hbm>> -> memref<10240x128xbf16, #tpu.memory_space<hbm>>
        tpu.enqueue_indirect_dma source(%dma_start3A_228 : memref<10240x128xbf16, #tpu.memory_space<hbm>>) target(%arg12 : memref<128x128xbf16, #tpu.memory_space<vmem>>) offsets(%dma_start3A_225 : memref<128xi32, #tpu.memory_space<vmem>>) semaphore(%arg17 : memref<!tpu.dma_semaphore, #tpu.memory_space<semaphore_mem>>)
      } else {
      }
    }
    %scan3A_75 = arith.constant 20 : i32
    %barrier3A_76 = arith.constant 0 : index
    tpu.barrier barrier_id(%barrier3A_76)
    %add3A_77 = arith.constant 0 : i32
    %add3A_78 = arith.addi %mul3A_2, %add3A_77 : i32
    "tpu.region"() ({
      %run_scoped3A = tpu.sem_alloc : memref<!tpu.dma_semaphore, #tpu.memory_space<semaphore_mem>>
      %dma_start3A_87 = arith.constant 0 : i32
      %dma_start3A_88 = tpu.memref_slice %arg13[%add3A_78, %dma_start3A_87] : memref<10240x128xbf16, #tpu.memory_space<vmem_shared>> -> memref<128x128xbf16, #tpu.memory_space<vmem_shared>>
      %dma_start3A_89 = arith.constant 0 : i32
      %dma_start3A_90 = tpu.memref_slice %arg13[%add3A_78, %dma_start3A_89] : memref<10240x128xbf16, #tpu.memory_space<vmem_shared>> -> memref<128x128xbf16, #tpu.memory_space<vmem_shared>>
      tpu.enqueue_dma source(%dma_start3A_90 : memref<128x128xbf16, #tpu.memory_space<vmem_shared>>) target(%arg9 : memref<128x128xbf16, #tpu.memory_space<vmem>>) target_semaphore(%run_scoped3A : memref<!tpu.dma_semaphore, #tpu.memory_space<semaphore_mem>>)
      %dma_wait3A_91 = arith.constant 0 : i32
      %dma_wait3A_92 = tpu.memref_slice %arg13[%add3A_78, %dma_wait3A_91] : memref<10240x128xbf16, #tpu.memory_space<vmem_shared>> -> memref<128x128xbf16, #tpu.memory_space<vmem_shared>>
      %dma_wait3A_93 = arith.constant 0 : i32
      %dma_wait3A_94 = tpu.memref_slice %arg13[%add3A_78, %dma_wait3A_93] : memref<10240x128xbf16, #tpu.memory_space<vmem_shared>> -> memref<128x128xbf16, #tpu.memory_space<vmem_shared>>
      tpu.wait_dma2 semaphore(%run_scoped3A : memref<!tpu.dma_semaphore, #tpu.memory_space<semaphore_mem>>) src(%dma_wait3A_94 : memref<128x128xbf16, #tpu.memory_space<vmem_shared>>) dst(%arg9 : memref<128x128xbf16, #tpu.memory_space<vmem>>)
      tpu.yield
    }) : () -> ()
    "tpu.region"() ({
      %run_scoped3A = tpu.sem_alloc : memref<!tpu.dma_semaphore, #tpu.memory_space<semaphore_mem>>
      %dma_start3A_87 = arith.constant 0 : i32
      %dma_start3A_88 = tpu.memref_slice %arg6[%arg0, %add3A_78, %dma_start3A_87] : memref<2x10240x128xbf16, #tpu.memory_space<hbm>> -> memref<1x128x128xbf16, #tpu.memory_space<hbm>>
      %dma_start3A_89 = tpu.memref_squeeze %dma_start3A_88 : memref<1x128x128xbf16, #tpu.memory_space<hbm>> -> memref<128x128xbf16, #tpu.memory_space<hbm>>
      %dma_start3A_90 = arith.constant 0 : i32
      %dma_start3A_91 = tpu.memref_slice %arg6[%arg0, %add3A_78, %dma_start3A_90] : memref<2x10240x128xbf16, #tpu.memory_space<hbm>> -> memref<1x128x128xbf16, #tpu.memory_space<hbm>>
      %dma_start3A_92 = tpu.memref_squeeze %dma_start3A_91 : memref<1x128x128xbf16, #tpu.memory_space<hbm>> -> memref<128x128xbf16, #tpu.memory_space<hbm>>
      tpu.enqueue_dma source(%arg9 : memref<128x128xbf16, #tpu.memory_space<vmem>>) target(%dma_start3A_92 : memref<128x128xbf16, #tpu.memory_space<hbm>>) target_semaphore(%run_scoped3A : memref<!tpu.dma_semaphore, #tpu.memory_space<semaphore_mem>>)
      %dma_wait3A_93 = arith.constant 0 : i32
      %dma_wait3A_94 = tpu.memref_slice %arg6[%arg0, %add3A_78, %dma_wait3A_93] : memref<2x10240x128xbf16, #tpu.memory_space<hbm>> -> memref<1x128x128xbf16, #tpu.memory_space<hbm>>
      %dma_wait3A_95 = tpu.memref_squeeze %dma_wait3A_94 : memref<1x128x128xbf16, #tpu.memory_space<hbm>> -> memref<128x128xbf16, #tpu.memory_space<hbm>>
      %dma_wait3A_96 = arith.constant 0 : i32
      %dma_wait3A_97 = tpu.memref_slice %arg6[%arg0, %add3A_78, %dma_wait3A_96] : memref<2x10240x128xbf16, #tpu.memory_space<hbm>> -> memref<1x128x128xbf16, #tpu.memory_space<hbm>>
      %dma_wait3A_98 = tpu.memref_squeeze %dma_wait3A_97 : memref<1x128x128xbf16, #tpu.memory_space<hbm>> -> memref<128x128xbf16, #tpu.memory_space<hbm>>
      tpu.wait_dma2 semaphore(%run_scoped3A : memref<!tpu.dma_semaphore, #tpu.memory_space<semaphore_mem>>) src(%arg9 : memref<128x128xbf16, #tpu.memory_space<vmem>>) dst(%dma_wait3A_98 : memref<128x128xbf16, #tpu.memory_space<hbm>>)
      tpu.yield
    }) : () -> ()
    %add3A_79 = arith.constant 128 : i32
    %add3A_80 = arith.addi %mul3A_2, %add3A_79 : i32
    "tpu.region"() ({
      %run_scoped3A = tpu.sem_alloc : memref<!tpu.dma_semaphore, #tpu.memory_space<semaphore_mem>>
      %dma_start3A_87 = arith.constant 0 : i32
      %dma_start3A_88 = tpu.memref_slice %arg13[%add3A_80, %dma_start3A_87] : memref<10240x128xbf16, #tpu.memory_space<vmem_shared>> -> memref<128x128xbf16, #tpu.memory_space<vmem_shared>>
      %dma_start3A_89 = arith.constant 0 : i32
      %dma_start3A_90 = tpu.memref_slice %arg13[%add3A_80, %dma_start3A_89] : memref<10240x128xbf16, #tpu.memory_space<vmem_shared>> -> memref<128x128xbf16, #tpu.memory_space<vmem_shared>>
      tpu.enqueue_dma source(%dma_start3A_90 : memref<128x128xbf16, #tpu.memory_space<vmem_shared>>) target(%arg9 : memref<128x128xbf16, #tpu.memory_space<vmem>>) target_semaphore(%run_scoped3A : memref<!tpu.dma_semaphore, #tpu.memory_space<semaphore_mem>>)
      %dma_wait3A_91 = arith.constant 0 : i32
      %dma_wait3A_92 = tpu.memref_slice %arg13[%add3A_80, %dma_wait3A_91] : memref<10240x128xbf16, #tpu.memory_space<vmem_shared>> -> memref<128x128xbf16, #tpu.memory_space<vmem_shared>>
      %dma_wait3A_93 = arith.constant 0 : i32
      %dma_wait3A_94 = tpu.memref_slice %arg13[%add3A_80, %dma_wait3A_93] : memref<10240x128xbf16, #tpu.memory_space<vmem_shared>> -> memref<128x128xbf16, #tpu.memory_space<vmem_shared>>
      tpu.wait_dma2 semaphore(%run_scoped3A : memref<!tpu.dma_semaphore, #tpu.memory_space<semaphore_mem>>) src(%dma_wait3A_94 : memref<128x128xbf16, #tpu.memory_space<vmem_shared>>) dst(%arg9 : memref<128x128xbf16, #tpu.memory_space<vmem>>)
      tpu.yield
    }) : () -> ()
    "tpu.region"() ({
      %run_scoped3A = tpu.sem_alloc : memref<!tpu.dma_semaphore, #tpu.memory_space<semaphore_mem>>
      %dma_start3A_87 = arith.constant 0 : i32
      %dma_start3A_88 = tpu.memref_slice %arg6[%arg0, %add3A_80, %dma_start3A_87] : memref<2x10240x128xbf16, #tpu.memory_space<hbm>> -> memref<1x128x128xbf16, #tpu.memory_space<hbm>>
      %dma_start3A_89 = tpu.memref_squeeze %dma_start3A_88 : memref<1x128x128xbf16, #tpu.memory_space<hbm>> -> memref<128x128xbf16, #tpu.memory_space<hbm>>
      %dma_start3A_90 = arith.constant 0 : i32
      %dma_start3A_91 = tpu.memref_slice %arg6[%arg0, %add3A_80, %dma_start3A_90] : memref<2x10240x128xbf16, #tpu.memory_space<hbm>> -> memref<1x128x128xbf16, #tpu.memory_space<hbm>>
      %dma_start3A_92 = tpu.memref_squeeze %dma_start3A_91 : memref<1x128x128xbf16, #tpu.memory_space<hbm>> -> memref<128x128xbf16, #tpu.memory_space<hbm>>
      tpu.enqueue_dma source(%arg9 : memref<128x128xbf16, #tpu.memory_space<vmem>>) target(%dma_start3A_92 : memref<128x128xbf16, #tpu.memory_space<hbm>>) target_semaphore(%run_scoped3A : memref<!tpu.dma_semaphore, #tpu.memory_space<semaphore_mem>>)
      %dma_wait3A_93 = arith.constant 0 : i32
      %dma_wait3A_94 = tpu.memref_slice %arg6[%arg0, %add3A_80, %dma_wait3A_93] : memref<2x10240x128xbf16, #tpu.memory_space<hbm>> -> memref<1x128x128xbf16, #tpu.memory_space<hbm>>
      %dma_wait3A_95 = tpu.memref_squeeze %dma_wait3A_94 : memref<1x128x128xbf16, #tpu.memory_space<hbm>> -> memref<128x128xbf16, #tpu.memory_space<hbm>>
      %dma_wait3A_96 = arith.constant 0 : i32
      %dma_wait3A_97 = tpu.memref_slice %arg6[%arg0, %add3A_80, %dma_wait3A_96] : memref<2x10240x128xbf16, #tpu.memory_space<hbm>> -> memref<1x128x128xbf16, #tpu.memory_space<hbm>>
      %dma_wait3A_98 = tpu.memref_squeeze %dma_wait3A_97 : memref<1x128x128xbf16, #tpu.memory_space<hbm>> -> memref<128x128xbf16, #tpu.memory_space<hbm>>
      tpu.wait_dma2 semaphore(%run_scoped3A : memref<!tpu.dma_semaphore, #tpu.memory_space<semaphore_mem>>) src(%arg9 : memref<128x128xbf16, #tpu.memory_space<vmem>>) dst(%dma_wait3A_98 : memref<128x128xbf16, #tpu.memory_space<hbm>>)
      tpu.yield
    }) : () -> ()
    %add3A_81 = arith.constant 256 : i32
    %add3A_82 = arith.addi %mul3A_2, %add3A_81 : i32
    "tpu.region"() ({
      %run_scoped3A = tpu.sem_alloc : memref<!tpu.dma_semaphore, #tpu.memory_space<semaphore_mem>>
      %dma_start3A_87 = arith.constant 0 : i32
      %dma_start3A_88 = tpu.memref_slice %arg13[%add3A_82, %dma_start3A_87] : memref<10240x128xbf16, #tpu.memory_space<vmem_shared>> -> memref<128x128xbf16, #tpu.memory_space<vmem_shared>>
      %dma_start3A_89 = arith.constant 0 : i32
      %dma_start3A_90 = tpu.memref_slice %arg13[%add3A_82, %dma_start3A_89] : memref<10240x128xbf16, #tpu.memory_space<vmem_shared>> -> memref<128x128xbf16, #tpu.memory_space<vmem_shared>>
      tpu.enqueue_dma source(%dma_start3A_90 : memref<128x128xbf16, #tpu.memory_space<vmem_shared>>) target(%arg9 : memref<128x128xbf16, #tpu.memory_space<vmem>>) target_semaphore(%run_scoped3A : memref<!tpu.dma_semaphore, #tpu.memory_space<semaphore_mem>>)
      %dma_wait3A_91 = arith.constant 0 : i32
      %dma_wait3A_92 = tpu.memref_slice %arg13[%add3A_82, %dma_wait3A_91] : memref<10240x128xbf16, #tpu.memory_space<vmem_shared>> -> memref<128x128xbf16, #tpu.memory_space<vmem_shared>>
      %dma_wait3A_93 = arith.constant 0 : i32
      %dma_wait3A_94 = tpu.memref_slice %arg13[%add3A_82, %dma_wait3A_93] : memref<10240x128xbf16, #tpu.memory_space<vmem_shared>> -> memref<128x128xbf16, #tpu.memory_space<vmem_shared>>
      tpu.wait_dma2 semaphore(%run_scoped3A : memref<!tpu.dma_semaphore, #tpu.memory_space<semaphore_mem>>) src(%dma_wait3A_94 : memref<128x128xbf16, #tpu.memory_space<vmem_shared>>) dst(%arg9 : memref<128x128xbf16, #tpu.memory_space<vmem>>)
      tpu.yield
    }) : () -> ()
    "tpu.region"() ({
      %run_scoped3A = tpu.sem_alloc : memref<!tpu.dma_semaphore, #tpu.memory_space<semaphore_mem>>
      %dma_start3A_87 = arith.constant 0 : i32
      %dma_start3A_88 = tpu.memref_slice %arg6[%arg0, %add3A_82, %dma_start3A_87] : memref<2x10240x128xbf16, #tpu.memory_space<hbm>> -> memref<1x128x128xbf16, #tpu.memory_space<hbm>>
      %dma_start3A_89 = tpu.memref_squeeze %dma_start3A_88 : memref<1x128x128xbf16, #tpu.memory_space<hbm>> -> memref<128x128xbf16, #tpu.memory_space<hbm>>
      %dma_start3A_90 = arith.constant 0 : i32
      %dma_start3A_91 = tpu.memref_slice %arg6[%arg0, %add3A_82, %dma_start3A_90] : memref<2x10240x128xbf16, #tpu.memory_space<hbm>> -> memref<1x128x128xbf16, #tpu.memory_space<hbm>>
      %dma_start3A_92 = tpu.memref_squeeze %dma_start3A_91 : memref<1x128x128xbf16, #tpu.memory_space<hbm>> -> memref<128x128xbf16, #tpu.memory_space<hbm>>
      tpu.enqueue_dma source(%arg9 : memref<128x128xbf16, #tpu.memory_space<vmem>>) target(%dma_start3A_92 : memref<128x128xbf16, #tpu.memory_space<hbm>>) target_semaphore(%run_scoped3A : memref<!tpu.dma_semaphore, #tpu.memory_space<semaphore_mem>>)
      %dma_wait3A_93 = arith.constant 0 : i32
      %dma_wait3A_94 = tpu.memref_slice %arg6[%arg0, %add3A_82, %dma_wait3A_93] : memref<2x10240x128xbf16, #tpu.memory_space<hbm>> -> memref<1x128x128xbf16, #tpu.memory_space<hbm>>
      %dma_wait3A_95 = tpu.memref_squeeze %dma_wait3A_94 : memref<1x128x128xbf16, #tpu.memory_space<hbm>> -> memref<128x128xbf16, #tpu.memory_space<hbm>>
      %dma_wait3A_96 = arith.constant 0 : i32
      %dma_wait3A_97 = tpu.memref_slice %arg6[%arg0, %add3A_82, %dma_wait3A_96] : memref<2x10240x128xbf16, #tpu.memory_space<hbm>> -> memref<1x128x128xbf16, #tpu.memory_space<hbm>>
      %dma_wait3A_98 = tpu.memref_squeeze %dma_wait3A_97 : memref<1x128x128xbf16, #tpu.memory_space<hbm>> -> memref<128x128xbf16, #tpu.memory_space<hbm>>
      tpu.wait_dma2 semaphore(%run_scoped3A : memref<!tpu.dma_semaphore, #tpu.memory_space<semaphore_mem>>) src(%arg9 : memref<128x128xbf16, #tpu.memory_space<vmem>>) dst(%dma_wait3A_98 : memref<128x128xbf16, #tpu.memory_space<hbm>>)
      tpu.yield
    }) : () -> ()
    %add3A_83 = arith.constant 384 : i32
    %add3A_84 = arith.addi %mul3A_2, %add3A_83 : i32
    "tpu.region"() ({
      %run_scoped3A = tpu.sem_alloc : memref<!tpu.dma_semaphore, #tpu.memory_space<semaphore_mem>>
      %dma_start3A_87 = arith.constant 0 : i32
      %dma_start3A_88 = tpu.memref_slice %arg13[%add3A_84, %dma_start3A_87] : memref<10240x128xbf16, #tpu.memory_space<vmem_shared>> -> memref<128x128xbf16, #tpu.memory_space<vmem_shared>>
      %dma_start3A_89 = arith.constant 0 : i32
      %dma_start3A_90 = tpu.memref_slice %arg13[%add3A_84, %dma_start3A_89] : memref<10240x128xbf16, #tpu.memory_space<vmem_shared>> -> memref<128x128xbf16, #tpu.memory_space<vmem_shared>>
      tpu.enqueue_dma source(%dma_start3A_90 : memref<128x128xbf16, #tpu.memory_space<vmem_shared>>) target(%arg9 : memref<128x128xbf16, #tpu.memory_space<vmem>>) target_semaphore(%run_scoped3A : memref<!tpu.dma_semaphore, #tpu.memory_space<semaphore_mem>>)
      %dma_wait3A_91 = arith.constant 0 : i32
      %dma_wait3A_92 = tpu.memref_slice %arg13[%add3A_84, %dma_wait3A_91] : memref<10240x128xbf16, #tpu.memory_space<vmem_shared>> -> memref<128x128xbf16, #tpu.memory_space<vmem_shared>>
      %dma_wait3A_93 = arith.constant 0 : i32
      %dma_wait3A_94 = tpu.memref_slice %arg13[%add3A_84, %dma_wait3A_93] : memref<10240x128xbf16, #tpu.memory_space<vmem_shared>> -> memref<128x128xbf16, #tpu.memory_space<vmem_shared>>
      tpu.wait_dma2 semaphore(%run_scoped3A : memref<!tpu.dma_semaphore, #tpu.memory_space<semaphore_mem>>) src(%dma_wait3A_94 : memref<128x128xbf16, #tpu.memory_space<vmem_shared>>) dst(%arg9 : memref<128x128xbf16, #tpu.memory_space<vmem>>)
      tpu.yield
    }) : () -> ()
    "tpu.region"() ({
      %run_scoped3A = tpu.sem_alloc : memref<!tpu.dma_semaphore, #tpu.memory_space<semaphore_mem>>
      %dma_start3A_87 = arith.constant 0 : i32
      %dma_start3A_88 = tpu.memref_slice %arg6[%arg0, %add3A_84, %dma_start3A_87] : memref<2x10240x128xbf16, #tpu.memory_space<hbm>> -> memref<1x128x128xbf16, #tpu.memory_space<hbm>>
      %dma_start3A_89 = tpu.memref_squeeze %dma_start3A_88 : memref<1x128x128xbf16, #tpu.memory_space<hbm>> -> memref<128x128xbf16, #tpu.memory_space<hbm>>
      %dma_start3A_90 = arith.constant 0 : i32
      %dma_start3A_91 = tpu.memref_slice %arg6[%arg0, %add3A_84, %dma_start3A_90] : memref<2x10240x128xbf16, #tpu.memory_space<hbm>> -> memref<1x128x128xbf16, #tpu.memory_space<hbm>>
      %dma_start3A_92 = tpu.memref_squeeze %dma_start3A_91 : memref<1x128x128xbf16, #tpu.memory_space<hbm>> -> memref<128x128xbf16, #tpu.memory_space<hbm>>
      tpu.enqueue_dma source(%arg9 : memref<128x128xbf16, #tpu.memory_space<vmem>>) target(%dma_start3A_92 : memref<128x128xbf16, #tpu.memory_space<hbm>>) target_semaphore(%run_scoped3A : memref<!tpu.dma_semaphore, #tpu.memory_space<semaphore_mem>>)
      %dma_wait3A_93 = arith.constant 0 : i32
      %dma_wait3A_94 = tpu.memref_slice %arg6[%arg0, %add3A_84, %dma_wait3A_93] : memref<2x10240x128xbf16, #tpu.memory_space<hbm>> -> memref<1x128x128xbf16, #tpu.memory_space<hbm>>
      %dma_wait3A_95 = tpu.memref_squeeze %dma_wait3A_94 : memref<1x128x128xbf16, #tpu.memory_space<hbm>> -> memref<128x128xbf16, #tpu.memory_space<hbm>>
      %dma_wait3A_96 = arith.constant 0 : i32
      %dma_wait3A_97 = tpu.memref_slice %arg6[%arg0, %add3A_84, %dma_wait3A_96] : memref<2x10240x128xbf16, #tpu.memory_space<hbm>> -> memref<1x128x128xbf16, #tpu.memory_space<hbm>>
      %dma_wait3A_98 = tpu.memref_squeeze %dma_wait3A_97 : memref<1x128x128xbf16, #tpu.memory_space<hbm>> -> memref<128x128xbf16, #tpu.memory_space<hbm>>
      tpu.wait_dma2 semaphore(%run_scoped3A : memref<!tpu.dma_semaphore, #tpu.memory_space<semaphore_mem>>) src(%arg9 : memref<128x128xbf16, #tpu.memory_space<vmem>>) dst(%dma_wait3A_98 : memref<128x128xbf16, #tpu.memory_space<hbm>>)
      tpu.yield
    }) : () -> ()
    %add3A_85 = arith.constant 512 : i32
    %add3A_86 = arith.addi %mul3A_2, %add3A_85 : i32
    "tpu.region"() ({
      %run_scoped3A = tpu.sem_alloc : memref<!tpu.dma_semaphore, #tpu.memory_space<semaphore_mem>>
      %dma_start3A_87 = arith.constant 0 : i32
      %dma_start3A_88 = tpu.memref_slice %arg13[%add3A_86, %dma_start3A_87] : memref<10240x128xbf16, #tpu.memory_space<vmem_shared>> -> memref<128x128xbf16, #tpu.memory_space<vmem_shared>>
      %dma_start3A_89 = arith.constant 0 : i32
      %dma_start3A_90 = tpu.memref_slice %arg13[%add3A_86, %dma_start3A_89] : memref<10240x128xbf16, #tpu.memory_space<vmem_shared>> -> memref<128x128xbf16, #tpu.memory_space<vmem_shared>>
      tpu.enqueue_dma source(%dma_start3A_90 : memref<128x128xbf16, #tpu.memory_space<vmem_shared>>) target(%arg9 : memref<128x128xbf16, #tpu.memory_space<vmem>>) target_semaphore(%run_scoped3A : memref<!tpu.dma_semaphore, #tpu.memory_space<semaphore_mem>>)
      %dma_wait3A_91 = arith.constant 0 : i32
      %dma_wait3A_92 = tpu.memref_slice %arg13[%add3A_86, %dma_wait3A_91] : memref<10240x128xbf16, #tpu.memory_space<vmem_shared>> -> memref<128x128xbf16, #tpu.memory_space<vmem_shared>>
      %dma_wait3A_93 = arith.constant 0 : i32
      %dma_wait3A_94 = tpu.memref_slice %arg13[%add3A_86, %dma_wait3A_93] : memref<10240x128xbf16, #tpu.memory_space<vmem_shared>> -> memref<128x128xbf16, #tpu.memory_space<vmem_shared>>
      tpu.wait_dma2 semaphore(%run_scoped3A : memref<!tpu.dma_semaphore, #tpu.memory_space<semaphore_mem>>) src(%dma_wait3A_94 : memref<128x128xbf16, #tpu.memory_space<vmem_shared>>) dst(%arg9 : memref<128x128xbf16, #tpu.memory_space<vmem>>)
      tpu.yield
    }) : () -> ()
    "tpu.region"() ({
      %run_scoped3A = tpu.sem_alloc : memref<!tpu.dma_semaphore, #tpu.memory_space<semaphore_mem>>
      %dma_start3A_87 = arith.constant 0 : i32
      %dma_start3A_88 = tpu.memref_slice %arg6[%arg0, %add3A_86, %dma_start3A_87] : memref<2x10240x128xbf16, #tpu.memory_space<hbm>> -> memref<1x128x128xbf16, #tpu.memory_space<hbm>>
      %dma_start3A_89 = tpu.memref_squeeze %dma_start3A_88 : memref<1x128x128xbf16, #tpu.memory_space<hbm>> -> memref<128x128xbf16, #tpu.memory_space<hbm>>
      %dma_start3A_90 = arith.constant 0 : i32
      %dma_start3A_91 = tpu.memref_slice %arg6[%arg0, %add3A_86, %dma_start3A_90] : memref<2x10240x128xbf16, #tpu.memory_space<hbm>> -> memref<1x128x128xbf16, #tpu.memory_space<hbm>>
      %dma_start3A_92 = tpu.memref_squeeze %dma_start3A_91 : memref<1x128x128xbf16, #tpu.memory_space<hbm>> -> memref<128x128xbf16, #tpu.memory_space<hbm>>
      tpu.enqueue_dma source(%arg9 : memref<128x128xbf16, #tpu.memory_space<vmem>>) target(%dma_start3A_92 : memref<128x128xbf16, #tpu.memory_space<hbm>>) target_semaphore(%run_scoped3A : memref<!tpu.dma_semaphore, #tpu.memory_space<semaphore_mem>>)
      %dma_wait3A_93 = arith.constant 0 : i32
      %dma_wait3A_94 = tpu.memref_slice %arg6[%arg0, %add3A_86, %dma_wait3A_93] : memref<2x10240x128xbf16, #tpu.memory_space<hbm>> -> memref<1x128x128xbf16, #tpu.memory_space<hbm>>
      %dma_wait3A_95 = tpu.memref_squeeze %dma_wait3A_94 : memref<1x128x128xbf16, #tpu.memory_space<hbm>> -> memref<128x128xbf16, #tpu.memory_space<hbm>>
      %dma_wait3A_96 = arith.constant 0 : i32
      %dma_wait3A_97 = tpu.memref_slice %arg6[%arg0, %add3A_86, %dma_wait3A_96] : memref<2x10240x128xbf16, #tpu.memory_space<hbm>> -> memref<1x128x128xbf16, #tpu.memory_space<hbm>>
      %dma_wait3A_98 = tpu.memref_squeeze %dma_wait3A_97 : memref<1x128x128xbf16, #tpu.memory_space<hbm>> -> memref<128x128xbf16, #tpu.memory_space<hbm>>
      tpu.wait_dma2 semaphore(%run_scoped3A : memref<!tpu.dma_semaphore, #tpu.memory_space<semaphore_mem>>) src(%arg9 : memref<128x128xbf16, #tpu.memory_space<vmem>>) dst(%dma_wait3A_98 : memref<128x128xbf16, #tpu.memory_space<hbm>>)
      tpu.yield
    }) : () -> ()
    return
  }
}

#map = affine_map<(d0, d1) -> (0, 0, 0)>
#map1 = affine_map<(d0, d1) -> (0, 0)>
module attributes {stable_mosaic.version = 14 : i64} {
  func.func @body(%arg0: i32, %arg1: i32, %arg2: memref<32x80x128xi32, #tpu.memory_space<hbm>>, %arg3: memref<32x80x128xi32, #tpu.memory_space<hbm>>, %arg4: memref<10240x32xbf16, #tpu.memory_space<hbm>>, %arg5: memref<128x32xbf16, #tpu.memory_space<hbm>>, %arg6: memref<2x10240x32xbf16, #tpu.memory_space<hbm>>, %arg7: memref<80x128xi32, #tpu.memory_space<vmem>>, %arg8: memref<80x128xi32, #tpu.memory_space<vmem>>, %arg9: memref<128x32xbf16, #tpu.memory_space<vmem>>, %arg10: memref<128x32xbf16, #tpu.memory_space<vmem>>, %arg11: memref<128x32xbf16, #tpu.memory_space<vmem>>, %arg12: memref<128x32xbf16, #tpu.memory_space<vmem>>, %arg13: memref<10240x32xbf16, #tpu.memory_space<vmem_shared>>, %arg14: memref<!tpu.dma_semaphore, #tpu.memory_space<semaphore_mem>>, %arg15: memref<!tpu.dma_semaphore, #tpu.memory_space<semaphore_mem>>, %arg16: memref<!tpu.dma_semaphore, #tpu.memory_space<semaphore_mem>>, %arg17: memref<!tpu.dma_semaphore, #tpu.memory_space<semaphore_mem>>, %arg18: memref<!tpu.dma_semaphore, #tpu.memory_space<semaphore_mem>>, %arg19: memref<!tpu.dma_semaphore, #tpu.memory_space<semaphore_mem>>, %arg20: memref<!tpu.dma_semaphore, #tpu.memory_space<semaphore_mem>>, %arg21: memref<!tpu.dma_semaphore, #tpu.memory_space<semaphore_mem>>) attributes {dimension_semantics = [#tpu.dimension_semantics<core_parallel>, #tpu.dimension_semantics<subcore_parallel>], iteration_bounds = array<i64: 2, 16>, scalar_prefetch = 0 : i64, scratch_operands = 15 : i64, tpu.core_type = #tpu.core_type<sc_vector_subcore>, window_params = [{transform_indices = #map}, {transform_indices = #map}, {transform_indices = #map1}, {transform_indices = #map1}, {transform_indices = #map}]} {
    %mul3A = arith.constant 16 : i32
    %mul3A_0 = arith.muli %arg0, %mul3A : i32
    %add3A = arith.addi %mul3A_0, %arg1 : i32
    %mul3A_1 = arith.constant 640 : i32
    %mul3A_2 = arith.muli %arg1, %mul3A_1 : i32
    %dma_start3A = arith.constant 0 : i32
    %dma_start3A_3 = arith.constant 0 : i32
    %dma_start3A_4 = tpu.memref_slice %arg2[%add3A, %dma_start3A, %dma_start3A_3] : memref<32x80x128xi32, #tpu.memory_space<hbm>> -> memref<1x80x128xi32, #tpu.memory_space<hbm>>
    %dma_start3A_5 = tpu.memref_squeeze %dma_start3A_4 : memref<1x80x128xi32, #tpu.memory_space<hbm>> -> memref<80x128xi32, #tpu.memory_space<hbm>>
    %dma_start3A_6 = arith.constant 0 : i32
    %dma_start3A_7 = arith.constant 0 : i32
    %dma_start3A_8 = tpu.memref_slice %arg2[%add3A, %dma_start3A_6, %dma_start3A_7] : memref<32x80x128xi32, #tpu.memory_space<hbm>> -> memref<1x80x128xi32, #tpu.memory_space<hbm>>
    %dma_start3A_9 = tpu.memref_squeeze %dma_start3A_8 : memref<1x80x128xi32, #tpu.memory_space<hbm>> -> memref<80x128xi32, #tpu.memory_space<hbm>>
    tpu.enqueue_dma source(%dma_start3A_9 : memref<80x128xi32, #tpu.memory_space<hbm>>) target(%arg7 : memref<80x128xi32, #tpu.memory_space<vmem>>) target_semaphore(%arg14 : memref<!tpu.dma_semaphore, #tpu.memory_space<semaphore_mem>>)
    %dma_start3A_10 = arith.constant 0 : i32
    %dma_start3A_11 = arith.constant 0 : i32
    %dma_start3A_12 = tpu.memref_slice %arg3[%add3A, %dma_start3A_10, %dma_start3A_11] : memref<32x80x128xi32, #tpu.memory_space<hbm>> -> memref<1x80x128xi32, #tpu.memory_space<hbm>>
    %dma_start3A_13 = tpu.memref_squeeze %dma_start3A_12 : memref<1x80x128xi32, #tpu.memory_space<hbm>> -> memref<80x128xi32, #tpu.memory_space<hbm>>
    %dma_start3A_14 = arith.constant 0 : i32
    %dma_start3A_15 = arith.constant 0 : i32
    %dma_start3A_16 = tpu.memref_slice %arg3[%add3A, %dma_start3A_14, %dma_start3A_15] : memref<32x80x128xi32, #tpu.memory_space<hbm>> -> memref<1x80x128xi32, #tpu.memory_space<hbm>>
    %dma_start3A_17 = tpu.memref_squeeze %dma_start3A_16 : memref<1x80x128xi32, #tpu.memory_space<hbm>> -> memref<80x128xi32, #tpu.memory_space<hbm>>
    tpu.enqueue_dma source(%dma_start3A_17 : memref<80x128xi32, #tpu.memory_space<hbm>>) target(%arg8 : memref<80x128xi32, #tpu.memory_space<vmem>>) target_semaphore(%arg15 : memref<!tpu.dma_semaphore, #tpu.memory_space<semaphore_mem>>)
    "tpu.region"() ({
      %run_scoped3A = tpu.sem_alloc : memref<!tpu.dma_semaphore, #tpu.memory_space<semaphore_mem>>
      tpu.enqueue_dma source(%arg5 : memref<128x32xbf16, #tpu.memory_space<hbm>>) target(%arg9 : memref<128x32xbf16, #tpu.memory_space<vmem>>) target_semaphore(%run_scoped3A : memref<!tpu.dma_semaphore, #tpu.memory_space<semaphore_mem>>)
      tpu.wait_dma2 semaphore(%run_scoped3A : memref<!tpu.dma_semaphore, #tpu.memory_space<semaphore_mem>>) src(%arg5 : memref<128x32xbf16, #tpu.memory_space<hbm>>) dst(%arg9 : memref<128x32xbf16, #tpu.memory_space<vmem>>)
      tpu.yield
    }) : () -> ()
    %add3A_18 = arith.constant 0 : i32
    %add3A_19 = arith.addi %mul3A_2, %add3A_18 : i32
    "tpu.region"() ({
      %run_scoped3A = tpu.sem_alloc : memref<!tpu.dma_semaphore, #tpu.memory_space<semaphore_mem>>
      %dma_start3A_87 = arith.constant 0 : i32
      %dma_start3A_88 = tpu.memref_slice %arg13[%add3A_19, %dma_start3A_87] : memref<10240x32xbf16, #tpu.memory_space<vmem_shared>> -> memref<128x32xbf16, #tpu.memory_space<vmem_shared>>
      %dma_start3A_89 = arith.constant 0 : i32
      %dma_start3A_90 = tpu.memref_slice %arg13[%add3A_19, %dma_start3A_89] : memref<10240x32xbf16, #tpu.memory_space<vmem_shared>> -> memref<128x32xbf16, #tpu.memory_space<vmem_shared>>
      tpu.enqueue_dma source(%arg9 : memref<128x32xbf16, #tpu.memory_space<vmem>>) target(%dma_start3A_90 : memref<128x32xbf16, #tpu.memory_space<vmem_shared>>) target_semaphore(%run_scoped3A : memref<!tpu.dma_semaphore, #tpu.memory_space<semaphore_mem>>)
      %dma_wait3A_91 = arith.constant 0 : i32
      %dma_wait3A_92 = tpu.memref_slice %arg13[%add3A_19, %dma_wait3A_91] : memref<10240x32xbf16, #tpu.memory_space<vmem_shared>> -> memref<128x32xbf16, #tpu.memory_space<vmem_shared>>
      %dma_wait3A_93 = arith.constant 0 : i32
      %dma_wait3A_94 = tpu.memref_slice %arg13[%add3A_19, %dma_wait3A_93] : memref<10240x32xbf16, #tpu.memory_space<vmem_shared>> -> memref<128x32xbf16, #tpu.memory_space<vmem_shared>>
      tpu.wait_dma2 semaphore(%run_scoped3A : memref<!tpu.dma_semaphore, #tpu.memory_space<semaphore_mem>>) src(%arg9 : memref<128x32xbf16, #tpu.memory_space<vmem>>) dst(%dma_wait3A_94 : memref<128x32xbf16, #tpu.memory_space<vmem_shared>>)
      tpu.yield
    }) : () -> ()
    %add3A_20 = arith.constant 128 : i32
    %add3A_21 = arith.addi %mul3A_2, %add3A_20 : i32
    "tpu.region"() ({
      %run_scoped3A = tpu.sem_alloc : memref<!tpu.dma_semaphore, #tpu.memory_space<semaphore_mem>>
      %dma_start3A_87 = arith.constant 0 : i32
      %dma_start3A_88 = tpu.memref_slice %arg13[%add3A_21, %dma_start3A_87] : memref<10240x32xbf16, #tpu.memory_space<vmem_shared>> -> memref<128x32xbf16, #tpu.memory_space<vmem_shared>>
      %dma_start3A_89 = arith.constant 0 : i32
      %dma_start3A_90 = tpu.memref_slice %arg13[%add3A_21, %dma_start3A_89] : memref<10240x32xbf16, #tpu.memory_space<vmem_shared>> -> memref<128x32xbf16, #tpu.memory_space<vmem_shared>>
      tpu.enqueue_dma source(%arg9 : memref<128x32xbf16, #tpu.memory_space<vmem>>) target(%dma_start3A_90 : memref<128x32xbf16, #tpu.memory_space<vmem_shared>>) target_semaphore(%run_scoped3A : memref<!tpu.dma_semaphore, #tpu.memory_space<semaphore_mem>>)
      %dma_wait3A_91 = arith.constant 0 : i32
      %dma_wait3A_92 = tpu.memref_slice %arg13[%add3A_21, %dma_wait3A_91] : memref<10240x32xbf16, #tpu.memory_space<vmem_shared>> -> memref<128x32xbf16, #tpu.memory_space<vmem_shared>>
      %dma_wait3A_93 = arith.constant 0 : i32
      %dma_wait3A_94 = tpu.memref_slice %arg13[%add3A_21, %dma_wait3A_93] : memref<10240x32xbf16, #tpu.memory_space<vmem_shared>> -> memref<128x32xbf16, #tpu.memory_space<vmem_shared>>
      tpu.wait_dma2 semaphore(%run_scoped3A : memref<!tpu.dma_semaphore, #tpu.memory_space<semaphore_mem>>) src(%arg9 : memref<128x32xbf16, #tpu.memory_space<vmem>>) dst(%dma_wait3A_94 : memref<128x32xbf16, #tpu.memory_space<vmem_shared>>)
      tpu.yield
    }) : () -> ()
    %add3A_22 = arith.constant 256 : i32
    %add3A_23 = arith.addi %mul3A_2, %add3A_22 : i32
    "tpu.region"() ({
      %run_scoped3A = tpu.sem_alloc : memref<!tpu.dma_semaphore, #tpu.memory_space<semaphore_mem>>
      %dma_start3A_87 = arith.constant 0 : i32
      %dma_start3A_88 = tpu.memref_slice %arg13[%add3A_23, %dma_start3A_87] : memref<10240x32xbf16, #tpu.memory_space<vmem_shared>> -> memref<128x32xbf16, #tpu.memory_space<vmem_shared>>
      %dma_start3A_89 = arith.constant 0 : i32
      %dma_start3A_90 = tpu.memref_slice %arg13[%add3A_23, %dma_start3A_89] : memref<10240x32xbf16, #tpu.memory_space<vmem_shared>> -> memref<128x32xbf16, #tpu.memory_space<vmem_shared>>
      tpu.enqueue_dma source(%arg9 : memref<128x32xbf16, #tpu.memory_space<vmem>>) target(%dma_start3A_90 : memref<128x32xbf16, #tpu.memory_space<vmem_shared>>) target_semaphore(%run_scoped3A : memref<!tpu.dma_semaphore, #tpu.memory_space<semaphore_mem>>)
      %dma_wait3A_91 = arith.constant 0 : i32
      %dma_wait3A_92 = tpu.memref_slice %arg13[%add3A_23, %dma_wait3A_91] : memref<10240x32xbf16, #tpu.memory_space<vmem_shared>> -> memref<128x32xbf16, #tpu.memory_space<vmem_shared>>
      %dma_wait3A_93 = arith.constant 0 : i32
      %dma_wait3A_94 = tpu.memref_slice %arg13[%add3A_23, %dma_wait3A_93] : memref<10240x32xbf16, #tpu.memory_space<vmem_shared>> -> memref<128x32xbf16, #tpu.memory_space<vmem_shared>>
      tpu.wait_dma2 semaphore(%run_scoped3A : memref<!tpu.dma_semaphore, #tpu.memory_space<semaphore_mem>>) src(%arg9 : memref<128x32xbf16, #tpu.memory_space<vmem>>) dst(%dma_wait3A_94 : memref<128x32xbf16, #tpu.memory_space<vmem_shared>>)
      tpu.yield
    }) : () -> ()
    %add3A_24 = arith.constant 384 : i32
    %add3A_25 = arith.addi %mul3A_2, %add3A_24 : i32
    "tpu.region"() ({
      %run_scoped3A = tpu.sem_alloc : memref<!tpu.dma_semaphore, #tpu.memory_space<semaphore_mem>>
      %dma_start3A_87 = arith.constant 0 : i32
      %dma_start3A_88 = tpu.memref_slice %arg13[%add3A_25, %dma_start3A_87] : memref<10240x32xbf16, #tpu.memory_space<vmem_shared>> -> memref<128x32xbf16, #tpu.memory_space<vmem_shared>>
      %dma_start3A_89 = arith.constant 0 : i32
      %dma_start3A_90 = tpu.memref_slice %arg13[%add3A_25, %dma_start3A_89] : memref<10240x32xbf16, #tpu.memory_space<vmem_shared>> -> memref<128x32xbf16, #tpu.memory_space<vmem_shared>>
      tpu.enqueue_dma source(%arg9 : memref<128x32xbf16, #tpu.memory_space<vmem>>) target(%dma_start3A_90 : memref<128x32xbf16, #tpu.memory_space<vmem_shared>>) target_semaphore(%run_scoped3A : memref<!tpu.dma_semaphore, #tpu.memory_space<semaphore_mem>>)
      %dma_wait3A_91 = arith.constant 0 : i32
      %dma_wait3A_92 = tpu.memref_slice %arg13[%add3A_25, %dma_wait3A_91] : memref<10240x32xbf16, #tpu.memory_space<vmem_shared>> -> memref<128x32xbf16, #tpu.memory_space<vmem_shared>>
      %dma_wait3A_93 = arith.constant 0 : i32
      %dma_wait3A_94 = tpu.memref_slice %arg13[%add3A_25, %dma_wait3A_93] : memref<10240x32xbf16, #tpu.memory_space<vmem_shared>> -> memref<128x32xbf16, #tpu.memory_space<vmem_shared>>
      tpu.wait_dma2 semaphore(%run_scoped3A : memref<!tpu.dma_semaphore, #tpu.memory_space<semaphore_mem>>) src(%arg9 : memref<128x32xbf16, #tpu.memory_space<vmem>>) dst(%dma_wait3A_94 : memref<128x32xbf16, #tpu.memory_space<vmem_shared>>)
      tpu.yield
    }) : () -> ()
    %add3A_26 = arith.constant 512 : i32
    %add3A_27 = arith.addi %mul3A_2, %add3A_26 : i32
    "tpu.region"() ({
      %run_scoped3A = tpu.sem_alloc : memref<!tpu.dma_semaphore, #tpu.memory_space<semaphore_mem>>
      %dma_start3A_87 = arith.constant 0 : i32
      %dma_start3A_88 = tpu.memref_slice %arg13[%add3A_27, %dma_start3A_87] : memref<10240x32xbf16, #tpu.memory_space<vmem_shared>> -> memref<128x32xbf16, #tpu.memory_space<vmem_shared>>
      %dma_start3A_89 = arith.constant 0 : i32
      %dma_start3A_90 = tpu.memref_slice %arg13[%add3A_27, %dma_start3A_89] : memref<10240x32xbf16, #tpu.memory_space<vmem_shared>> -> memref<128x32xbf16, #tpu.memory_space<vmem_shared>>
      tpu.enqueue_dma source(%arg9 : memref<128x32xbf16, #tpu.memory_space<vmem>>) target(%dma_start3A_90 : memref<128x32xbf16, #tpu.memory_space<vmem_shared>>) target_semaphore(%run_scoped3A : memref<!tpu.dma_semaphore, #tpu.memory_space<semaphore_mem>>)
      %dma_wait3A_91 = arith.constant 0 : i32
      %dma_wait3A_92 = tpu.memref_slice %arg13[%add3A_27, %dma_wait3A_91] : memref<10240x32xbf16, #tpu.memory_space<vmem_shared>> -> memref<128x32xbf16, #tpu.memory_space<vmem_shared>>
      %dma_wait3A_93 = arith.constant 0 : i32
      %dma_wait3A_94 = tpu.memref_slice %arg13[%add3A_27, %dma_wait3A_93] : memref<10240x32xbf16, #tpu.memory_space<vmem_shared>> -> memref<128x32xbf16, #tpu.memory_space<vmem_shared>>
      tpu.wait_dma2 semaphore(%run_scoped3A : memref<!tpu.dma_semaphore, #tpu.memory_space<semaphore_mem>>) src(%arg9 : memref<128x32xbf16, #tpu.memory_space<vmem>>) dst(%dma_wait3A_94 : memref<128x32xbf16, #tpu.memory_space<vmem_shared>>)
      tpu.yield
    }) : () -> ()
    %dma_wait3A = arith.constant 0 : i32
    %dma_wait3A_28 = arith.constant 0 : i32
    %dma_wait3A_29 = tpu.memref_slice %arg2[%add3A, %dma_wait3A, %dma_wait3A_28] : memref<32x80x128xi32, #tpu.memory_space<hbm>> -> memref<1x80x128xi32, #tpu.memory_space<hbm>>
    %dma_wait3A_30 = tpu.memref_squeeze %dma_wait3A_29 : memref<1x80x128xi32, #tpu.memory_space<hbm>> -> memref<80x128xi32, #tpu.memory_space<hbm>>
    %dma_wait3A_31 = arith.constant 0 : i32
    %dma_wait3A_32 = arith.constant 0 : i32
    %dma_wait3A_33 = tpu.memref_slice %arg2[%add3A, %dma_wait3A_31, %dma_wait3A_32] : memref<32x80x128xi32, #tpu.memory_space<hbm>> -> memref<1x80x128xi32, #tpu.memory_space<hbm>>
    %dma_wait3A_34 = tpu.memref_squeeze %dma_wait3A_33 : memref<1x80x128xi32, #tpu.memory_space<hbm>> -> memref<80x128xi32, #tpu.memory_space<hbm>>
    tpu.wait_dma2 semaphore(%arg14 : memref<!tpu.dma_semaphore, #tpu.memory_space<semaphore_mem>>) src(%dma_wait3A_34 : memref<80x128xi32, #tpu.memory_space<hbm>>) dst(%arg7 : memref<80x128xi32, #tpu.memory_space<vmem>>)
    %dma_wait3A_35 = arith.constant 0 : i32
    %dma_wait3A_36 = arith.constant 0 : i32
    %dma_wait3A_37 = tpu.memref_slice %arg3[%add3A, %dma_wait3A_35, %dma_wait3A_36] : memref<32x80x128xi32, #tpu.memory_space<hbm>> -> memref<1x80x128xi32, #tpu.memory_space<hbm>>
    %dma_wait3A_38 = tpu.memref_squeeze %dma_wait3A_37 : memref<1x80x128xi32, #tpu.memory_space<hbm>> -> memref<80x128xi32, #tpu.memory_space<hbm>>
    %dma_wait3A_39 = arith.constant 0 : i32
    %dma_wait3A_40 = arith.constant 0 : i32
    %dma_wait3A_41 = tpu.memref_slice %arg3[%add3A, %dma_wait3A_39, %dma_wait3A_40] : memref<32x80x128xi32, #tpu.memory_space<hbm>> -> memref<1x80x128xi32, #tpu.memory_space<hbm>>
    %dma_wait3A_42 = tpu.memref_squeeze %dma_wait3A_41 : memref<1x80x128xi32, #tpu.memory_space<hbm>> -> memref<80x128xi32, #tpu.memory_space<hbm>>
    tpu.wait_dma2 semaphore(%arg15 : memref<!tpu.dma_semaphore, #tpu.memory_space<semaphore_mem>>) src(%dma_wait3A_42 : memref<80x128xi32, #tpu.memory_space<hbm>>) dst(%arg8 : memref<80x128xi32, #tpu.memory_space<vmem>>)
    %barrier3A = arith.constant 0 : index
    tpu.barrier barrier_id(%barrier3A)
    %dma_start3A_43 = arith.constant 0 : i32
    %dma_start3A_44 = arith.constant 0 : i32
    %dma_start3A_45 = tpu.memref_slice %arg7[%dma_start3A_43, %dma_start3A_44] : memref<80x128xi32, #tpu.memory_space<vmem>> -> memref<1x128xi32, #tpu.memory_space<vmem>>
    %dma_start3A_46 = tpu.memref_squeeze %dma_start3A_45 : memref<1x128xi32, #tpu.memory_space<vmem>> -> memref<128xi32, #tpu.memory_space<vmem>>
    %dma_start3A_47 = arith.constant 0 : i32
    %dma_start3A_48 = arith.constant 0 : i32
    %dma_start3A_49 = tpu.memref_slice %arg4[%dma_start3A_47, %dma_start3A_48] : memref<10240x32xbf16, #tpu.memory_space<hbm>> -> memref<10240x32xbf16, #tpu.memory_space<hbm>>
    tpu.enqueue_indirect_dma source(%dma_start3A_49 : memref<10240x32xbf16, #tpu.memory_space<hbm>>) target(%arg9 : memref<128x32xbf16, #tpu.memory_space<vmem>>) offsets(%dma_start3A_46 : memref<128xi32, #tpu.memory_space<vmem>>) semaphore(%arg14 : memref<!tpu.dma_semaphore, #tpu.memory_space<semaphore_mem>>)
    %dma_start3A_50 = arith.constant 1 : i32
    %dma_start3A_51 = arith.constant 0 : i32
    %dma_start3A_52 = tpu.memref_slice %arg7[%dma_start3A_50, %dma_start3A_51] : memref<80x128xi32, #tpu.memory_space<vmem>> -> memref<1x128xi32, #tpu.memory_space<vmem>>
    %dma_start3A_53 = tpu.memref_squeeze %dma_start3A_52 : memref<1x128xi32, #tpu.memory_space<vmem>> -> memref<128xi32, #tpu.memory_space<vmem>>
    %dma_start3A_54 = arith.constant 0 : i32
    %dma_start3A_55 = arith.constant 0 : i32
    %dma_start3A_56 = tpu.memref_slice %arg4[%dma_start3A_54, %dma_start3A_55] : memref<10240x32xbf16, #tpu.memory_space<hbm>> -> memref<10240x32xbf16, #tpu.memory_space<hbm>>
    tpu.enqueue_indirect_dma source(%dma_start3A_56 : memref<10240x32xbf16, #tpu.memory_space<hbm>>) target(%arg10 : memref<128x32xbf16, #tpu.memory_space<vmem>>) offsets(%dma_start3A_53 : memref<128xi32, #tpu.memory_space<vmem>>) semaphore(%arg15 : memref<!tpu.dma_semaphore, #tpu.memory_space<semaphore_mem>>)
    %dma_start3A_57 = arith.constant 2 : i32
    %dma_start3A_58 = arith.constant 0 : i32
    %dma_start3A_59 = tpu.memref_slice %arg7[%dma_start3A_57, %dma_start3A_58] : memref<80x128xi32, #tpu.memory_space<vmem>> -> memref<1x128xi32, #tpu.memory_space<vmem>>
    %dma_start3A_60 = tpu.memref_squeeze %dma_start3A_59 : memref<1x128xi32, #tpu.memory_space<vmem>> -> memref<128xi32, #tpu.memory_space<vmem>>
    %dma_start3A_61 = arith.constant 0 : i32
    %dma_start3A_62 = arith.constant 0 : i32
    %dma_start3A_63 = tpu.memref_slice %arg4[%dma_start3A_61, %dma_start3A_62] : memref<10240x32xbf16, #tpu.memory_space<hbm>> -> memref<10240x32xbf16, #tpu.memory_space<hbm>>
    tpu.enqueue_indirect_dma source(%dma_start3A_63 : memref<10240x32xbf16, #tpu.memory_space<hbm>>) target(%arg11 : memref<128x32xbf16, #tpu.memory_space<vmem>>) offsets(%dma_start3A_60 : memref<128xi32, #tpu.memory_space<vmem>>) semaphore(%arg16 : memref<!tpu.dma_semaphore, #tpu.memory_space<semaphore_mem>>)
    %dma_start3A_64 = arith.constant 3 : i32
    %dma_start3A_65 = arith.constant 0 : i32
    %dma_start3A_66 = tpu.memref_slice %arg7[%dma_start3A_64, %dma_start3A_65] : memref<80x128xi32, #tpu.memory_space<vmem>> -> memref<1x128xi32, #tpu.memory_space<vmem>>
    %dma_start3A_67 = tpu.memref_squeeze %dma_start3A_66 : memref<1x128xi32, #tpu.memory_space<vmem>> -> memref<128xi32, #tpu.memory_space<vmem>>
    %dma_start3A_68 = arith.constant 0 : i32
    %dma_start3A_69 = arith.constant 0 : i32
    %dma_start3A_70 = tpu.memref_slice %arg4[%dma_start3A_68, %dma_start3A_69] : memref<10240x32xbf16, #tpu.memory_space<hbm>> -> memref<10240x32xbf16, #tpu.memory_space<hbm>>
    tpu.enqueue_indirect_dma source(%dma_start3A_70 : memref<10240x32xbf16, #tpu.memory_space<hbm>>) target(%arg12 : memref<128x32xbf16, #tpu.memory_space<vmem>>) offsets(%dma_start3A_67 : memref<128xi32, #tpu.memory_space<vmem>>) semaphore(%arg17 : memref<!tpu.dma_semaphore, #tpu.memory_space<semaphore_mem>>)
    %scan3A = arith.constant 0 : i32
    %scan3A_71 = arith.constant 0 : i32
    %scan3A_72 = arith.constant 20 : i32
    %scan3A_73 = arith.addi %scan3A_71, %scan3A_72 : i32
    %scan3A_74 = arith.constant 1 : i32
    scf.for %scan3A_87 = %scan3A_71 to %scan3A_73 step %scan3A_74  : i32 {
      %mul3A_88 = arith.constant 4 : i32
      %mul3A_89 = arith.muli %mul3A_88, %scan3A_87 : i32
      %add3A_90 = arith.constant 0 : i32
      %add3A_91 = arith.addi %mul3A_89, %add3A_90 : i32
      %dma_wait3A_92 = arith.constant 0 : i32
      %dma_wait3A_93 = tpu.memref_slice %arg7[%add3A_91, %dma_wait3A_92] : memref<80x128xi32, #tpu.memory_space<vmem>> -> memref<1x128xi32, #tpu.memory_space<vmem>>
      %dma_wait3A_94 = tpu.memref_squeeze %dma_wait3A_93 : memref<1x128xi32, #tpu.memory_space<vmem>> -> memref<128xi32, #tpu.memory_space<vmem>>
      %dma_wait3A_95 = arith.constant 0 : i32
      %dma_wait3A_96 = arith.constant 0 : i32
      %dma_wait3A_97 = tpu.memref_slice %arg4[%dma_wait3A_95, %dma_wait3A_96] : memref<10240x32xbf16, #tpu.memory_space<hbm>> -> memref<10240x32xbf16, #tpu.memory_space<hbm>>
      tpu.wait_indirect_dma semaphore(%arg14 : memref<!tpu.dma_semaphore, #tpu.memory_space<semaphore_mem>>) src(%dma_wait3A_97 : memref<10240x32xbf16, #tpu.memory_space<hbm>>) dst(%arg9 : memref<128x32xbf16, #tpu.memory_space<vmem>>)
      %add3A_98 = arith.constant 0 : i32
      %add3A_99 = arith.addi %mul3A_89, %add3A_98 : i32
      %dma_start3A_100 = arith.constant 0 : i32
      %dma_start3A_101 = tpu.memref_slice %arg8[%add3A_99, %dma_start3A_100] : memref<80x128xi32, #tpu.memory_space<vmem>> -> memref<1x128xi32, #tpu.memory_space<vmem>>
      %dma_start3A_102 = tpu.memref_squeeze %dma_start3A_101 : memref<1x128xi32, #tpu.memory_space<vmem>> -> memref<128xi32, #tpu.memory_space<vmem>>
      %dma_start3A_103 = arith.constant 0 : i32
      %dma_start3A_104 = arith.constant 0 : i32
      %dma_start3A_105 = tpu.memref_slice %arg13[%dma_start3A_103, %dma_start3A_104] : memref<10240x32xbf16, #tpu.memory_space<vmem_shared>> -> memref<10240x32xbf16, #tpu.memory_space<vmem_shared>>
      tpu.enqueue_indirect_dma source(%arg9 : memref<128x32xbf16, #tpu.memory_space<vmem>>) target(%dma_start3A_105 : memref<10240x32xbf16, #tpu.memory_space<vmem_shared>>) offsets(%dma_start3A_102 : memref<128xi32, #tpu.memory_space<vmem>>) semaphore(%arg18 : memref<!tpu.dma_semaphore, #tpu.memory_space<semaphore_mem>>) {add = true}
      %add3A_106 = arith.constant 1 : i32
      %add3A_107 = arith.addi %mul3A_89, %add3A_106 : i32
      %dma_wait3A_108 = arith.constant 0 : i32
      %dma_wait3A_109 = tpu.memref_slice %arg7[%add3A_107, %dma_wait3A_108] : memref<80x128xi32, #tpu.memory_space<vmem>> -> memref<1x128xi32, #tpu.memory_space<vmem>>
      %dma_wait3A_110 = tpu.memref_squeeze %dma_wait3A_109 : memref<1x128xi32, #tpu.memory_space<vmem>> -> memref<128xi32, #tpu.memory_space<vmem>>
      %dma_wait3A_111 = arith.constant 0 : i32
      %dma_wait3A_112 = arith.constant 0 : i32
      %dma_wait3A_113 = tpu.memref_slice %arg4[%dma_wait3A_111, %dma_wait3A_112] : memref<10240x32xbf16, #tpu.memory_space<hbm>> -> memref<10240x32xbf16, #tpu.memory_space<hbm>>
      tpu.wait_indirect_dma semaphore(%arg15 : memref<!tpu.dma_semaphore, #tpu.memory_space<semaphore_mem>>) src(%dma_wait3A_113 : memref<10240x32xbf16, #tpu.memory_space<hbm>>) dst(%arg10 : memref<128x32xbf16, #tpu.memory_space<vmem>>)
      %add3A_114 = arith.constant 1 : i32
      %add3A_115 = arith.addi %mul3A_89, %add3A_114 : i32
      %dma_start3A_116 = arith.constant 0 : i32
      %dma_start3A_117 = tpu.memref_slice %arg8[%add3A_115, %dma_start3A_116] : memref<80x128xi32, #tpu.memory_space<vmem>> -> memref<1x128xi32, #tpu.memory_space<vmem>>
      %dma_start3A_118 = tpu.memref_squeeze %dma_start3A_117 : memref<1x128xi32, #tpu.memory_space<vmem>> -> memref<128xi32, #tpu.memory_space<vmem>>
      %dma_start3A_119 = arith.constant 0 : i32
      %dma_start3A_120 = arith.constant 0 : i32
      %dma_start3A_121 = tpu.memref_slice %arg13[%dma_start3A_119, %dma_start3A_120] : memref<10240x32xbf16, #tpu.memory_space<vmem_shared>> -> memref<10240x32xbf16, #tpu.memory_space<vmem_shared>>
      tpu.enqueue_indirect_dma source(%arg10 : memref<128x32xbf16, #tpu.memory_space<vmem>>) target(%dma_start3A_121 : memref<10240x32xbf16, #tpu.memory_space<vmem_shared>>) offsets(%dma_start3A_118 : memref<128xi32, #tpu.memory_space<vmem>>) semaphore(%arg19 : memref<!tpu.dma_semaphore, #tpu.memory_space<semaphore_mem>>) {add = true}
      %add3A_122 = arith.constant 2 : i32
      %add3A_123 = arith.addi %mul3A_89, %add3A_122 : i32
      %dma_wait3A_124 = arith.constant 0 : i32
      %dma_wait3A_125 = tpu.memref_slice %arg7[%add3A_123, %dma_wait3A_124] : memref<80x128xi32, #tpu.memory_space<vmem>> -> memref<1x128xi32, #tpu.memory_space<vmem>>
      %dma_wait3A_126 = tpu.memref_squeeze %dma_wait3A_125 : memref<1x128xi32, #tpu.memory_space<vmem>> -> memref<128xi32, #tpu.memory_space<vmem>>
      %dma_wait3A_127 = arith.constant 0 : i32
      %dma_wait3A_128 = arith.constant 0 : i32
      %dma_wait3A_129 = tpu.memref_slice %arg4[%dma_wait3A_127, %dma_wait3A_128] : memref<10240x32xbf16, #tpu.memory_space<hbm>> -> memref<10240x32xbf16, #tpu.memory_space<hbm>>
      tpu.wait_indirect_dma semaphore(%arg16 : memref<!tpu.dma_semaphore, #tpu.memory_space<semaphore_mem>>) src(%dma_wait3A_129 : memref<10240x32xbf16, #tpu.memory_space<hbm>>) dst(%arg11 : memref<128x32xbf16, #tpu.memory_space<vmem>>)
      %add3A_130 = arith.constant 2 : i32
      %add3A_131 = arith.addi %mul3A_89, %add3A_130 : i32
      %dma_start3A_132 = arith.constant 0 : i32
      %dma_start3A_133 = tpu.memref_slice %arg8[%add3A_131, %dma_start3A_132] : memref<80x128xi32, #tpu.memory_space<vmem>> -> memref<1x128xi32, #tpu.memory_space<vmem>>
      %dma_start3A_134 = tpu.memref_squeeze %dma_start3A_133 : memref<1x128xi32, #tpu.memory_space<vmem>> -> memref<128xi32, #tpu.memory_space<vmem>>
      %dma_start3A_135 = arith.constant 0 : i32
      %dma_start3A_136 = arith.constant 0 : i32
      %dma_start3A_137 = tpu.memref_slice %arg13[%dma_start3A_135, %dma_start3A_136] : memref<10240x32xbf16, #tpu.memory_space<vmem_shared>> -> memref<10240x32xbf16, #tpu.memory_space<vmem_shared>>
      tpu.enqueue_indirect_dma source(%arg11 : memref<128x32xbf16, #tpu.memory_space<vmem>>) target(%dma_start3A_137 : memref<10240x32xbf16, #tpu.memory_space<vmem_shared>>) offsets(%dma_start3A_134 : memref<128xi32, #tpu.memory_space<vmem>>) semaphore(%arg20 : memref<!tpu.dma_semaphore, #tpu.memory_space<semaphore_mem>>) {add = true}
      %add3A_138 = arith.constant 3 : i32
      %add3A_139 = arith.addi %mul3A_89, %add3A_138 : i32
      %dma_wait3A_140 = arith.constant 0 : i32
      %dma_wait3A_141 = tpu.memref_slice %arg7[%add3A_139, %dma_wait3A_140] : memref<80x128xi32, #tpu.memory_space<vmem>> -> memref<1x128xi32, #tpu.memory_space<vmem>>
      %dma_wait3A_142 = tpu.memref_squeeze %dma_wait3A_141 : memref<1x128xi32, #tpu.memory_space<vmem>> -> memref<128xi32, #tpu.memory_space<vmem>>
      %dma_wait3A_143 = arith.constant 0 : i32
      %dma_wait3A_144 = arith.constant 0 : i32
      %dma_wait3A_145 = tpu.memref_slice %arg4[%dma_wait3A_143, %dma_wait3A_144] : memref<10240x32xbf16, #tpu.memory_space<hbm>> -> memref<10240x32xbf16, #tpu.memory_space<hbm>>
      tpu.wait_indirect_dma semaphore(%arg17 : memref<!tpu.dma_semaphore, #tpu.memory_space<semaphore_mem>>) src(%dma_wait3A_145 : memref<10240x32xbf16, #tpu.memory_space<hbm>>) dst(%arg12 : memref<128x32xbf16, #tpu.memory_space<vmem>>)
      %add3A_146 = arith.constant 3 : i32
      %add3A_147 = arith.addi %mul3A_89, %add3A_146 : i32
      %dma_start3A_148 = arith.constant 0 : i32
      %dma_start3A_149 = tpu.memref_slice %arg8[%add3A_147, %dma_start3A_148] : memref<80x128xi32, #tpu.memory_space<vmem>> -> memref<1x128xi32, #tpu.memory_space<vmem>>
      %dma_start3A_150 = tpu.memref_squeeze %dma_start3A_149 : memref<1x128xi32, #tpu.memory_space<vmem>> -> memref<128xi32, #tpu.memory_space<vmem>>
      %dma_start3A_151 = arith.constant 0 : i32
      %dma_start3A_152 = arith.constant 0 : i32
      %dma_start3A_153 = tpu.memref_slice %arg13[%dma_start3A_151, %dma_start3A_152] : memref<10240x32xbf16, #tpu.memory_space<vmem_shared>> -> memref<10240x32xbf16, #tpu.memory_space<vmem_shared>>
      tpu.enqueue_indirect_dma source(%arg12 : memref<128x32xbf16, #tpu.memory_space<vmem>>) target(%dma_start3A_153 : memref<10240x32xbf16, #tpu.memory_space<vmem_shared>>) offsets(%dma_start3A_150 : memref<128xi32, #tpu.memory_space<vmem>>) semaphore(%arg21 : memref<!tpu.dma_semaphore, #tpu.memory_space<semaphore_mem>>) {add = true}
      %add3A_154 = arith.constant 0 : i32
      %add3A_155 = arith.addi %mul3A_89, %add3A_154 : i32
      %dma_wait3A_156 = arith.constant 0 : i32
      %dma_wait3A_157 = tpu.memref_slice %arg8[%add3A_155, %dma_wait3A_156] : memref<80x128xi32, #tpu.memory_space<vmem>> -> memref<1x128xi32, #tpu.memory_space<vmem>>
      %dma_wait3A_158 = tpu.memref_squeeze %dma_wait3A_157 : memref<1x128xi32, #tpu.memory_space<vmem>> -> memref<128xi32, #tpu.memory_space<vmem>>
      %dma_wait3A_159 = arith.constant 0 : i32
      %dma_wait3A_160 = arith.constant 0 : i32
      %dma_wait3A_161 = tpu.memref_slice %arg13[%dma_wait3A_159, %dma_wait3A_160] : memref<10240x32xbf16, #tpu.memory_space<vmem_shared>> -> memref<10240x32xbf16, #tpu.memory_space<vmem_shared>>
      tpu.wait_indirect_dma semaphore(%arg18 : memref<!tpu.dma_semaphore, #tpu.memory_space<semaphore_mem>>) src(%arg9 : memref<128x32xbf16, #tpu.memory_space<vmem>>) dst(%dma_wait3A_161 : memref<10240x32xbf16, #tpu.memory_space<vmem_shared>>)
      %add3A_162 = arith.constant 0 : i32
      %add3A_163 = arith.addi %mul3A_89, %add3A_162 : i32
      %add3A_164 = arith.constant 4 : i32
      %add3A_165 = arith.addi %add3A_163, %add3A_164 : i32
      %lt3A = arith.constant 80 : i32
      %lt3A_166 = arith.cmpi slt, %add3A_165, %lt3A : i32
      %convert_element_type3A = arith.extui %lt3A_166 : i1 to i32
      %cond3A = arith.constant 0 : i32
      %cond3A_167 = arith.cmpi ne, %convert_element_type3A, %cond3A : i32
      scf.if %cond3A_167 {
        %add3A_219 = arith.constant 0 : i32
        %add3A_220 = arith.addi %mul3A_89, %add3A_219 : i32
        %add3A_221 = arith.constant 4 : i32
        %add3A_222 = arith.addi %add3A_220, %add3A_221 : i32
        %dma_start3A_223 = arith.constant 0 : i32
        %dma_start3A_224 = tpu.memref_slice %arg7[%add3A_222, %dma_start3A_223] : memref<80x128xi32, #tpu.memory_space<vmem>> -> memref<1x128xi32, #tpu.memory_space<vmem>>
        %dma_start3A_225 = tpu.memref_squeeze %dma_start3A_224 : memref<1x128xi32, #tpu.memory_space<vmem>> -> memref<128xi32, #tpu.memory_space<vmem>>
        %dma_start3A_226 = arith.constant 0 : i32
        %dma_start3A_227 = arith.constant 0 : i32
        %dma_start3A_228 = tpu.memref_slice %arg4[%dma_start3A_226, %dma_start3A_227] : memref<10240x32xbf16, #tpu.memory_space<hbm>> -> memref<10240x32xbf16, #tpu.memory_space<hbm>>
        tpu.enqueue_indirect_dma source(%dma_start3A_228 : memref<10240x32xbf16, #tpu.memory_space<hbm>>) target(%arg9 : memref<128x32xbf16, #tpu.memory_space<vmem>>) offsets(%dma_start3A_225 : memref<128xi32, #tpu.memory_space<vmem>>) semaphore(%arg14 : memref<!tpu.dma_semaphore, #tpu.memory_space<semaphore_mem>>)
      } else {
      }
      %add3A_168 = arith.constant 1 : i32
      %add3A_169 = arith.addi %mul3A_89, %add3A_168 : i32
      %dma_wait3A_170 = arith.constant 0 : i32
      %dma_wait3A_171 = tpu.memref_slice %arg8[%add3A_169, %dma_wait3A_170] : memref<80x128xi32, #tpu.memory_space<vmem>> -> memref<1x128xi32, #tpu.memory_space<vmem>>
      %dma_wait3A_172 = tpu.memref_squeeze %dma_wait3A_171 : memref<1x128xi32, #tpu.memory_space<vmem>> -> memref<128xi32, #tpu.memory_space<vmem>>
      %dma_wait3A_173 = arith.constant 0 : i32
      %dma_wait3A_174 = arith.constant 0 : i32
      %dma_wait3A_175 = tpu.memref_slice %arg13[%dma_wait3A_173, %dma_wait3A_174] : memref<10240x32xbf16, #tpu.memory_space<vmem_shared>> -> memref<10240x32xbf16, #tpu.memory_space<vmem_shared>>
      tpu.wait_indirect_dma semaphore(%arg19 : memref<!tpu.dma_semaphore, #tpu.memory_space<semaphore_mem>>) src(%arg10 : memref<128x32xbf16, #tpu.memory_space<vmem>>) dst(%dma_wait3A_175 : memref<10240x32xbf16, #tpu.memory_space<vmem_shared>>)
      %add3A_176 = arith.constant 1 : i32
      %add3A_177 = arith.addi %mul3A_89, %add3A_176 : i32
      %add3A_178 = arith.constant 4 : i32
      %add3A_179 = arith.addi %add3A_177, %add3A_178 : i32
      %lt3A_180 = arith.constant 80 : i32
      %lt3A_181 = arith.cmpi slt, %add3A_179, %lt3A_180 : i32
      %convert_element_type3A_182 = arith.extui %lt3A_181 : i1 to i32
      %cond3A_183 = arith.constant 0 : i32
      %cond3A_184 = arith.cmpi ne, %convert_element_type3A_182, %cond3A_183 : i32
      scf.if %cond3A_184 {
        %add3A_219 = arith.constant 1 : i32
        %add3A_220 = arith.addi %mul3A_89, %add3A_219 : i32
        %add3A_221 = arith.constant 4 : i32
        %add3A_222 = arith.addi %add3A_220, %add3A_221 : i32
        %dma_start3A_223 = arith.constant 0 : i32
        %dma_start3A_224 = tpu.memref_slice %arg7[%add3A_222, %dma_start3A_223] : memref<80x128xi32, #tpu.memory_space<vmem>> -> memref<1x128xi32, #tpu.memory_space<vmem>>
        %dma_start3A_225 = tpu.memref_squeeze %dma_start3A_224 : memref<1x128xi32, #tpu.memory_space<vmem>> -> memref<128xi32, #tpu.memory_space<vmem>>
        %dma_start3A_226 = arith.constant 0 : i32
        %dma_start3A_227 = arith.constant 0 : i32
        %dma_start3A_228 = tpu.memref_slice %arg4[%dma_start3A_226, %dma_start3A_227] : memref<10240x32xbf16, #tpu.memory_space<hbm>> -> memref<10240x32xbf16, #tpu.memory_space<hbm>>
        tpu.enqueue_indirect_dma source(%dma_start3A_228 : memref<10240x32xbf16, #tpu.memory_space<hbm>>) target(%arg10 : memref<128x32xbf16, #tpu.memory_space<vmem>>) offsets(%dma_start3A_225 : memref<128xi32, #tpu.memory_space<vmem>>) semaphore(%arg15 : memref<!tpu.dma_semaphore, #tpu.memory_space<semaphore_mem>>)
      } else {
      }
      %add3A_185 = arith.constant 2 : i32
      %add3A_186 = arith.addi %mul3A_89, %add3A_185 : i32
      %dma_wait3A_187 = arith.constant 0 : i32
      %dma_wait3A_188 = tpu.memref_slice %arg8[%add3A_186, %dma_wait3A_187] : memref<80x128xi32, #tpu.memory_space<vmem>> -> memref<1x128xi32, #tpu.memory_space<vmem>>
      %dma_wait3A_189 = tpu.memref_squeeze %dma_wait3A_188 : memref<1x128xi32, #tpu.memory_space<vmem>> -> memref<128xi32, #tpu.memory_space<vmem>>
      %dma_wait3A_190 = arith.constant 0 : i32
      %dma_wait3A_191 = arith.constant 0 : i32
      %dma_wait3A_192 = tpu.memref_slice %arg13[%dma_wait3A_190, %dma_wait3A_191] : memref<10240x32xbf16, #tpu.memory_space<vmem_shared>> -> memref<10240x32xbf16, #tpu.memory_space<vmem_shared>>
      tpu.wait_indirect_dma semaphore(%arg20 : memref<!tpu.dma_semaphore, #tpu.memory_space<semaphore_mem>>) src(%arg11 : memref<128x32xbf16, #tpu.memory_space<vmem>>) dst(%dma_wait3A_192 : memref<10240x32xbf16, #tpu.memory_space<vmem_shared>>)
      %add3A_193 = arith.constant 2 : i32
      %add3A_194 = arith.addi %mul3A_89, %add3A_193 : i32
      %add3A_195 = arith.constant 4 : i32
      %add3A_196 = arith.addi %add3A_194, %add3A_195 : i32
      %lt3A_197 = arith.constant 80 : i32
      %lt3A_198 = arith.cmpi slt, %add3A_196, %lt3A_197 : i32
      %convert_element_type3A_199 = arith.extui %lt3A_198 : i1 to i32
      %cond3A_200 = arith.constant 0 : i32
      %cond3A_201 = arith.cmpi ne, %convert_element_type3A_199, %cond3A_200 : i32
      scf.if %cond3A_201 {
        %add3A_219 = arith.constant 2 : i32
        %add3A_220 = arith.addi %mul3A_89, %add3A_219 : i32
        %add3A_221 = arith.constant 4 : i32
        %add3A_222 = arith.addi %add3A_220, %add3A_221 : i32
        %dma_start3A_223 = arith.constant 0 : i32
        %dma_start3A_224 = tpu.memref_slice %arg7[%add3A_222, %dma_start3A_223] : memref<80x128xi32, #tpu.memory_space<vmem>> -> memref<1x128xi32, #tpu.memory_space<vmem>>
        %dma_start3A_225 = tpu.memref_squeeze %dma_start3A_224 : memref<1x128xi32, #tpu.memory_space<vmem>> -> memref<128xi32, #tpu.memory_space<vmem>>
        %dma_start3A_226 = arith.constant 0 : i32
        %dma_start3A_227 = arith.constant 0 : i32
        %dma_start3A_228 = tpu.memref_slice %arg4[%dma_start3A_226, %dma_start3A_227] : memref<10240x32xbf16, #tpu.memory_space<hbm>> -> memref<10240x32xbf16, #tpu.memory_space<hbm>>
        tpu.enqueue_indirect_dma source(%dma_start3A_228 : memref<10240x32xbf16, #tpu.memory_space<hbm>>) target(%arg11 : memref<128x32xbf16, #tpu.memory_space<vmem>>) offsets(%dma_start3A_225 : memref<128xi32, #tpu.memory_space<vmem>>) semaphore(%arg16 : memref<!tpu.dma_semaphore, #tpu.memory_space<semaphore_mem>>)
      } else {
      }
      %add3A_202 = arith.constant 3 : i32
      %add3A_203 = arith.addi %mul3A_89, %add3A_202 : i32
      %dma_wait3A_204 = arith.constant 0 : i32
      %dma_wait3A_205 = tpu.memref_slice %arg8[%add3A_203, %dma_wait3A_204] : memref<80x128xi32, #tpu.memory_space<vmem>> -> memref<1x128xi32, #tpu.memory_space<vmem>>
      %dma_wait3A_206 = tpu.memref_squeeze %dma_wait3A_205 : memref<1x128xi32, #tpu.memory_space<vmem>> -> memref<128xi32, #tpu.memory_space<vmem>>
      %dma_wait3A_207 = arith.constant 0 : i32
      %dma_wait3A_208 = arith.constant 0 : i32
      %dma_wait3A_209 = tpu.memref_slice %arg13[%dma_wait3A_207, %dma_wait3A_208] : memref<10240x32xbf16, #tpu.memory_space<vmem_shared>> -> memref<10240x32xbf16, #tpu.memory_space<vmem_shared>>
      tpu.wait_indirect_dma semaphore(%arg21 : memref<!tpu.dma_semaphore, #tpu.memory_space<semaphore_mem>>) src(%arg12 : memref<128x32xbf16, #tpu.memory_space<vmem>>) dst(%dma_wait3A_209 : memref<10240x32xbf16, #tpu.memory_space<vmem_shared>>)
      %add3A_210 = arith.constant 3 : i32
      %add3A_211 = arith.addi %mul3A_89, %add3A_210 : i32
      %add3A_212 = arith.constant 4 : i32
      %add3A_213 = arith.addi %add3A_211, %add3A_212 : i32
      %lt3A_214 = arith.constant 80 : i32
      %lt3A_215 = arith.cmpi slt, %add3A_213, %lt3A_214 : i32
      %convert_element_type3A_216 = arith.extui %lt3A_215 : i1 to i32
      %cond3A_217 = arith.constant 0 : i32
      %cond3A_218 = arith.cmpi ne, %convert_element_type3A_216, %cond3A_217 : i32
      scf.if %cond3A_218 {
        %add3A_219 = arith.constant 3 : i32
        %add3A_220 = arith.addi %mul3A_89, %add3A_219 : i32
        %add3A_221 = arith.constant 4 : i32
        %add3A_222 = arith.addi %add3A_220, %add3A_221 : i32
        %dma_start3A_223 = arith.constant 0 : i32
        %dma_start3A_224 = tpu.memref_slice %arg7[%add3A_222, %dma_start3A_223] : memref<80x128xi32, #tpu.memory_space<vmem>> -> memref<1x128xi32, #tpu.memory_space<vmem>>
        %dma_start3A_225 = tpu.memref_squeeze %dma_start3A_224 : memref<1x128xi32, #tpu.memory_space<vmem>> -> memref<128xi32, #tpu.memory_space<vmem>>
        %dma_start3A_226 = arith.constant 0 : i32
        %dma_start3A_227 = arith.constant 0 : i32
        %dma_start3A_228 = tpu.memref_slice %arg4[%dma_start3A_226, %dma_start3A_227] : memref<10240x32xbf16, #tpu.memory_space<hbm>> -> memref<10240x32xbf16, #tpu.memory_space<hbm>>
        tpu.enqueue_indirect_dma source(%dma_start3A_228 : memref<10240x32xbf16, #tpu.memory_space<hbm>>) target(%arg12 : memref<128x32xbf16, #tpu.memory_space<vmem>>) offsets(%dma_start3A_225 : memref<128xi32, #tpu.memory_space<vmem>>) semaphore(%arg17 : memref<!tpu.dma_semaphore, #tpu.memory_space<semaphore_mem>>)
      } else {
      }
    }
    %scan3A_75 = arith.constant 20 : i32
    %barrier3A_76 = arith.constant 0 : index
    tpu.barrier barrier_id(%barrier3A_76)
    %add3A_77 = arith.constant 0 : i32
    %add3A_78 = arith.addi %mul3A_2, %add3A_77 : i32
    "tpu.region"() ({
      %run_scoped3A = tpu.sem_alloc : memref<!tpu.dma_semaphore, #tpu.memory_space<semaphore_mem>>
      %dma_start3A_87 = arith.constant 0 : i32
      %dma_start3A_88 = tpu.memref_slice %arg13[%add3A_78, %dma_start3A_87] : memref<10240x32xbf16, #tpu.memory_space<vmem_shared>> -> memref<128x32xbf16, #tpu.memory_space<vmem_shared>>
      %dma_start3A_89 = arith.constant 0 : i32
      %dma_start3A_90 = tpu.memref_slice %arg13[%add3A_78, %dma_start3A_89] : memref<10240x32xbf16, #tpu.memory_space<vmem_shared>> -> memref<128x32xbf16, #tpu.memory_space<vmem_shared>>
      tpu.enqueue_dma source(%dma_start3A_90 : memref<128x32xbf16, #tpu.memory_space<vmem_shared>>) target(%arg9 : memref<128x32xbf16, #tpu.memory_space<vmem>>) target_semaphore(%run_scoped3A : memref<!tpu.dma_semaphore, #tpu.memory_space<semaphore_mem>>)
      %dma_wait3A_91 = arith.constant 0 : i32
      %dma_wait3A_92 = tpu.memref_slice %arg13[%add3A_78, %dma_wait3A_91] : memref<10240x32xbf16, #tpu.memory_space<vmem_shared>> -> memref<128x32xbf16, #tpu.memory_space<vmem_shared>>
      %dma_wait3A_93 = arith.constant 0 : i32
      %dma_wait3A_94 = tpu.memref_slice %arg13[%add3A_78, %dma_wait3A_93] : memref<10240x32xbf16, #tpu.memory_space<vmem_shared>> -> memref<128x32xbf16, #tpu.memory_space<vmem_shared>>
      tpu.wait_dma2 semaphore(%run_scoped3A : memref<!tpu.dma_semaphore, #tpu.memory_space<semaphore_mem>>) src(%dma_wait3A_94 : memref<128x32xbf16, #tpu.memory_space<vmem_shared>>) dst(%arg9 : memref<128x32xbf16, #tpu.memory_space<vmem>>)
      tpu.yield
    }) : () -> ()
    "tpu.region"() ({
      %run_scoped3A = tpu.sem_alloc : memref<!tpu.dma_semaphore, #tpu.memory_space<semaphore_mem>>
      %dma_start3A_87 = arith.constant 0 : i32
      %dma_start3A_88 = tpu.memref_slice %arg6[%arg0, %add3A_78, %dma_start3A_87] : memref<2x10240x32xbf16, #tpu.memory_space<hbm>> -> memref<1x128x32xbf16, #tpu.memory_space<hbm>>
      %dma_start3A_89 = tpu.memref_squeeze %dma_start3A_88 : memref<1x128x32xbf16, #tpu.memory_space<hbm>> -> memref<128x32xbf16, #tpu.memory_space<hbm>>
      %dma_start3A_90 = arith.constant 0 : i32
      %dma_start3A_91 = tpu.memref_slice %arg6[%arg0, %add3A_78, %dma_start3A_90] : memref<2x10240x32xbf16, #tpu.memory_space<hbm>> -> memref<1x128x32xbf16, #tpu.memory_space<hbm>>
      %dma_start3A_92 = tpu.memref_squeeze %dma_start3A_91 : memref<1x128x32xbf16, #tpu.memory_space<hbm>> -> memref<128x32xbf16, #tpu.memory_space<hbm>>
      tpu.enqueue_dma source(%arg9 : memref<128x32xbf16, #tpu.memory_space<vmem>>) target(%dma_start3A_92 : memref<128x32xbf16, #tpu.memory_space<hbm>>) target_semaphore(%run_scoped3A : memref<!tpu.dma_semaphore, #tpu.memory_space<semaphore_mem>>)
      %dma_wait3A_93 = arith.constant 0 : i32
      %dma_wait3A_94 = tpu.memref_slice %arg6[%arg0, %add3A_78, %dma_wait3A_93] : memref<2x10240x32xbf16, #tpu.memory_space<hbm>> -> memref<1x128x32xbf16, #tpu.memory_space<hbm>>
      %dma_wait3A_95 = tpu.memref_squeeze %dma_wait3A_94 : memref<1x128x32xbf16, #tpu.memory_space<hbm>> -> memref<128x32xbf16, #tpu.memory_space<hbm>>
      %dma_wait3A_96 = arith.constant 0 : i32
      %dma_wait3A_97 = tpu.memref_slice %arg6[%arg0, %add3A_78, %dma_wait3A_96] : memref<2x10240x32xbf16, #tpu.memory_space<hbm>> -> memref<1x128x32xbf16, #tpu.memory_space<hbm>>
      %dma_wait3A_98 = tpu.memref_squeeze %dma_wait3A_97 : memref<1x128x32xbf16, #tpu.memory_space<hbm>> -> memref<128x32xbf16, #tpu.memory_space<hbm>>
      tpu.wait_dma2 semaphore(%run_scoped3A : memref<!tpu.dma_semaphore, #tpu.memory_space<semaphore_mem>>) src(%arg9 : memref<128x32xbf16, #tpu.memory_space<vmem>>) dst(%dma_wait3A_98 : memref<128x32xbf16, #tpu.memory_space<hbm>>)
      tpu.yield
    }) : () -> ()
    %add3A_79 = arith.constant 128 : i32
    %add3A_80 = arith.addi %mul3A_2, %add3A_79 : i32
    "tpu.region"() ({
      %run_scoped3A = tpu.sem_alloc : memref<!tpu.dma_semaphore, #tpu.memory_space<semaphore_mem>>
      %dma_start3A_87 = arith.constant 0 : i32
      %dma_start3A_88 = tpu.memref_slice %arg13[%add3A_80, %dma_start3A_87] : memref<10240x32xbf16, #tpu.memory_space<vmem_shared>> -> memref<128x32xbf16, #tpu.memory_space<vmem_shared>>
      %dma_start3A_89 = arith.constant 0 : i32
      %dma_start3A_90 = tpu.memref_slice %arg13[%add3A_80, %dma_start3A_89] : memref<10240x32xbf16, #tpu.memory_space<vmem_shared>> -> memref<128x32xbf16, #tpu.memory_space<vmem_shared>>
      tpu.enqueue_dma source(%dma_start3A_90 : memref<128x32xbf16, #tpu.memory_space<vmem_shared>>) target(%arg9 : memref<128x32xbf16, #tpu.memory_space<vmem>>) target_semaphore(%run_scoped3A : memref<!tpu.dma_semaphore, #tpu.memory_space<semaphore_mem>>)
      %dma_wait3A_91 = arith.constant 0 : i32
      %dma_wait3A_92 = tpu.memref_slice %arg13[%add3A_80, %dma_wait3A_91] : memref<10240x32xbf16, #tpu.memory_space<vmem_shared>> -> memref<128x32xbf16, #tpu.memory_space<vmem_shared>>
      %dma_wait3A_93 = arith.constant 0 : i32
      %dma_wait3A_94 = tpu.memref_slice %arg13[%add3A_80, %dma_wait3A_93] : memref<10240x32xbf16, #tpu.memory_space<vmem_shared>> -> memref<128x32xbf16, #tpu.memory_space<vmem_shared>>
      tpu.wait_dma2 semaphore(%run_scoped3A : memref<!tpu.dma_semaphore, #tpu.memory_space<semaphore_mem>>) src(%dma_wait3A_94 : memref<128x32xbf16, #tpu.memory_space<vmem_shared>>) dst(%arg9 : memref<128x32xbf16, #tpu.memory_space<vmem>>)
      tpu.yield
    }) : () -> ()
    "tpu.region"() ({
      %run_scoped3A = tpu.sem_alloc : memref<!tpu.dma_semaphore, #tpu.memory_space<semaphore_mem>>
      %dma_start3A_87 = arith.constant 0 : i32
      %dma_start3A_88 = tpu.memref_slice %arg6[%arg0, %add3A_80, %dma_start3A_87] : memref<2x10240x32xbf16, #tpu.memory_space<hbm>> -> memref<1x128x32xbf16, #tpu.memory_space<hbm>>
      %dma_start3A_89 = tpu.memref_squeeze %dma_start3A_88 : memref<1x128x32xbf16, #tpu.memory_space<hbm>> -> memref<128x32xbf16, #tpu.memory_space<hbm>>
      %dma_start3A_90 = arith.constant 0 : i32
      %dma_start3A_91 = tpu.memref_slice %arg6[%arg0, %add3A_80, %dma_start3A_90] : memref<2x10240x32xbf16, #tpu.memory_space<hbm>> -> memref<1x128x32xbf16, #tpu.memory_space<hbm>>
      %dma_start3A_92 = tpu.memref_squeeze %dma_start3A_91 : memref<1x128x32xbf16, #tpu.memory_space<hbm>> -> memref<128x32xbf16, #tpu.memory_space<hbm>>
      tpu.enqueue_dma source(%arg9 : memref<128x32xbf16, #tpu.memory_space<vmem>>) target(%dma_start3A_92 : memref<128x32xbf16, #tpu.memory_space<hbm>>) target_semaphore(%run_scoped3A : memref<!tpu.dma_semaphore, #tpu.memory_space<semaphore_mem>>)
      %dma_wait3A_93 = arith.constant 0 : i32
      %dma_wait3A_94 = tpu.memref_slice %arg6[%arg0, %add3A_80, %dma_wait3A_93] : memref<2x10240x32xbf16, #tpu.memory_space<hbm>> -> memref<1x128x32xbf16, #tpu.memory_space<hbm>>
      %dma_wait3A_95 = tpu.memref_squeeze %dma_wait3A_94 : memref<1x128x32xbf16, #tpu.memory_space<hbm>> -> memref<128x32xbf16, #tpu.memory_space<hbm>>
      %dma_wait3A_96 = arith.constant 0 : i32
      %dma_wait3A_97 = tpu.memref_slice %arg6[%arg0, %add3A_80, %dma_wait3A_96] : memref<2x10240x32xbf16, #tpu.memory_space<hbm>> -> memref<1x128x32xbf16, #tpu.memory_space<hbm>>
      %dma_wait3A_98 = tpu.memref_squeeze %dma_wait3A_97 : memref<1x128x32xbf16, #tpu.memory_space<hbm>> -> memref<128x32xbf16, #tpu.memory_space<hbm>>
      tpu.wait_dma2 semaphore(%run_scoped3A : memref<!tpu.dma_semaphore, #tpu.memory_space<semaphore_mem>>) src(%arg9 : memref<128x32xbf16, #tpu.memory_space<vmem>>) dst(%dma_wait3A_98 : memref<128x32xbf16, #tpu.memory_space<hbm>>)
      tpu.yield
    }) : () -> ()
    %add3A_81 = arith.constant 256 : i32
    %add3A_82 = arith.addi %mul3A_2, %add3A_81 : i32
    "tpu.region"() ({
      %run_scoped3A = tpu.sem_alloc : memref<!tpu.dma_semaphore, #tpu.memory_space<semaphore_mem>>
      %dma_start3A_87 = arith.constant 0 : i32
      %dma_start3A_88 = tpu.memref_slice %arg13[%add3A_82, %dma_start3A_87] : memref<10240x32xbf16, #tpu.memory_space<vmem_shared>> -> memref<128x32xbf16, #tpu.memory_space<vmem_shared>>
      %dma_start3A_89 = arith.constant 0 : i32
      %dma_start3A_90 = tpu.memref_slice %arg13[%add3A_82, %dma_start3A_89] : memref<10240x32xbf16, #tpu.memory_space<vmem_shared>> -> memref<128x32xbf16, #tpu.memory_space<vmem_shared>>
      tpu.enqueue_dma source(%dma_start3A_90 : memref<128x32xbf16, #tpu.memory_space<vmem_shared>>) target(%arg9 : memref<128x32xbf16, #tpu.memory_space<vmem>>) target_semaphore(%run_scoped3A : memref<!tpu.dma_semaphore, #tpu.memory_space<semaphore_mem>>)
      %dma_wait3A_91 = arith.constant 0 : i32
      %dma_wait3A_92 = tpu.memref_slice %arg13[%add3A_82, %dma_wait3A_91] : memref<10240x32xbf16, #tpu.memory_space<vmem_shared>> -> memref<128x32xbf16, #tpu.memory_space<vmem_shared>>
      %dma_wait3A_93 = arith.constant 0 : i32
      %dma_wait3A_94 = tpu.memref_slice %arg13[%add3A_82, %dma_wait3A_93] : memref<10240x32xbf16, #tpu.memory_space<vmem_shared>> -> memref<128x32xbf16, #tpu.memory_space<vmem_shared>>
      tpu.wait_dma2 semaphore(%run_scoped3A : memref<!tpu.dma_semaphore, #tpu.memory_space<semaphore_mem>>) src(%dma_wait3A_94 : memref<128x32xbf16, #tpu.memory_space<vmem_shared>>) dst(%arg9 : memref<128x32xbf16, #tpu.memory_space<vmem>>)
      tpu.yield
    }) : () -> ()
    "tpu.region"() ({
      %run_scoped3A = tpu.sem_alloc : memref<!tpu.dma_semaphore, #tpu.memory_space<semaphore_mem>>
      %dma_start3A_87 = arith.constant 0 : i32
      %dma_start3A_88 = tpu.memref_slice %arg6[%arg0, %add3A_82, %dma_start3A_87] : memref<2x10240x32xbf16, #tpu.memory_space<hbm>> -> memref<1x128x32xbf16, #tpu.memory_space<hbm>>
      %dma_start3A_89 = tpu.memref_squeeze %dma_start3A_88 : memref<1x128x32xbf16, #tpu.memory_space<hbm>> -> memref<128x32xbf16, #tpu.memory_space<hbm>>
      %dma_start3A_90 = arith.constant 0 : i32
      %dma_start3A_91 = tpu.memref_slice %arg6[%arg0, %add3A_82, %dma_start3A_90] : memref<2x10240x32xbf16, #tpu.memory_space<hbm>> -> memref<1x128x32xbf16, #tpu.memory_space<hbm>>
      %dma_start3A_92 = tpu.memref_squeeze %dma_start3A_91 : memref<1x128x32xbf16, #tpu.memory_space<hbm>> -> memref<128x32xbf16, #tpu.memory_space<hbm>>
      tpu.enqueue_dma source(%arg9 : memref<128x32xbf16, #tpu.memory_space<vmem>>) target(%dma_start3A_92 : memref<128x32xbf16, #tpu.memory_space<hbm>>) target_semaphore(%run_scoped3A : memref<!tpu.dma_semaphore, #tpu.memory_space<semaphore_mem>>)
      %dma_wait3A_93 = arith.constant 0 : i32
      %dma_wait3A_94 = tpu.memref_slice %arg6[%arg0, %add3A_82, %dma_wait3A_93] : memref<2x10240x32xbf16, #tpu.memory_space<hbm>> -> memref<1x128x32xbf16, #tpu.memory_space<hbm>>
      %dma_wait3A_95 = tpu.memref_squeeze %dma_wait3A_94 : memref<1x128x32xbf16, #tpu.memory_space<hbm>> -> memref<128x32xbf16, #tpu.memory_space<hbm>>
      %dma_wait3A_96 = arith.constant 0 : i32
      %dma_wait3A_97 = tpu.memref_slice %arg6[%arg0, %add3A_82, %dma_wait3A_96] : memref<2x10240x32xbf16, #tpu.memory_space<hbm>> -> memref<1x128x32xbf16, #tpu.memory_space<hbm>>
      %dma_wait3A_98 = tpu.memref_squeeze %dma_wait3A_97 : memref<1x128x32xbf16, #tpu.memory_space<hbm>> -> memref<128x32xbf16, #tpu.memory_space<hbm>>
      tpu.wait_dma2 semaphore(%run_scoped3A : memref<!tpu.dma_semaphore, #tpu.memory_space<semaphore_mem>>) src(%arg9 : memref<128x32xbf16, #tpu.memory_space<vmem>>) dst(%dma_wait3A_98 : memref<128x32xbf16, #tpu.memory_space<hbm>>)
      tpu.yield
    }) : () -> ()
    %add3A_83 = arith.constant 384 : i32
    %add3A_84 = arith.addi %mul3A_2, %add3A_83 : i32
    "tpu.region"() ({
      %run_scoped3A = tpu.sem_alloc : memref<!tpu.dma_semaphore, #tpu.memory_space<semaphore_mem>>
      %dma_start3A_87 = arith.constant 0 : i32
      %dma_start3A_88 = tpu.memref_slice %arg13[%add3A_84, %dma_start3A_87] : memref<10240x32xbf16, #tpu.memory_space<vmem_shared>> -> memref<128x32xbf16, #tpu.memory_space<vmem_shared>>
      %dma_start3A_89 = arith.constant 0 : i32
      %dma_start3A_90 = tpu.memref_slice %arg13[%add3A_84, %dma_start3A_89] : memref<10240x32xbf16, #tpu.memory_space<vmem_shared>> -> memref<128x32xbf16, #tpu.memory_space<vmem_shared>>
      tpu.enqueue_dma source(%dma_start3A_90 : memref<128x32xbf16, #tpu.memory_space<vmem_shared>>) target(%arg9 : memref<128x32xbf16, #tpu.memory_space<vmem>>) target_semaphore(%run_scoped3A : memref<!tpu.dma_semaphore, #tpu.memory_space<semaphore_mem>>)
      %dma_wait3A_91 = arith.constant 0 : i32
      %dma_wait3A_92 = tpu.memref_slice %arg13[%add3A_84, %dma_wait3A_91] : memref<10240x32xbf16, #tpu.memory_space<vmem_shared>> -> memref<128x32xbf16, #tpu.memory_space<vmem_shared>>
      %dma_wait3A_93 = arith.constant 0 : i32
      %dma_wait3A_94 = tpu.memref_slice %arg13[%add3A_84, %dma_wait3A_93] : memref<10240x32xbf16, #tpu.memory_space<vmem_shared>> -> memref<128x32xbf16, #tpu.memory_space<vmem_shared>>
      tpu.wait_dma2 semaphore(%run_scoped3A : memref<!tpu.dma_semaphore, #tpu.memory_space<semaphore_mem>>) src(%dma_wait3A_94 : memref<128x32xbf16, #tpu.memory_space<vmem_shared>>) dst(%arg9 : memref<128x32xbf16, #tpu.memory_space<vmem>>)
      tpu.yield
    }) : () -> ()
    "tpu.region"() ({
      %run_scoped3A = tpu.sem_alloc : memref<!tpu.dma_semaphore, #tpu.memory_space<semaphore_mem>>
      %dma_start3A_87 = arith.constant 0 : i32
      %dma_start3A_88 = tpu.memref_slice %arg6[%arg0, %add3A_84, %dma_start3A_87] : memref<2x10240x32xbf16, #tpu.memory_space<hbm>> -> memref<1x128x32xbf16, #tpu.memory_space<hbm>>
      %dma_start3A_89 = tpu.memref_squeeze %dma_start3A_88 : memref<1x128x32xbf16, #tpu.memory_space<hbm>> -> memref<128x32xbf16, #tpu.memory_space<hbm>>
      %dma_start3A_90 = arith.constant 0 : i32
      %dma_start3A_91 = tpu.memref_slice %arg6[%arg0, %add3A_84, %dma_start3A_90] : memref<2x10240x32xbf16, #tpu.memory_space<hbm>> -> memref<1x128x32xbf16, #tpu.memory_space<hbm>>
      %dma_start3A_92 = tpu.memref_squeeze %dma_start3A_91 : memref<1x128x32xbf16, #tpu.memory_space<hbm>> -> memref<128x32xbf16, #tpu.memory_space<hbm>>
      tpu.enqueue_dma source(%arg9 : memref<128x32xbf16, #tpu.memory_space<vmem>>) target(%dma_start3A_92 : memref<128x32xbf16, #tpu.memory_space<hbm>>) target_semaphore(%run_scoped3A : memref<!tpu.dma_semaphore, #tpu.memory_space<semaphore_mem>>)
      %dma_wait3A_93 = arith.constant 0 : i32
      %dma_wait3A_94 = tpu.memref_slice %arg6[%arg0, %add3A_84, %dma_wait3A_93] : memref<2x10240x32xbf16, #tpu.memory_space<hbm>> -> memref<1x128x32xbf16, #tpu.memory_space<hbm>>
      %dma_wait3A_95 = tpu.memref_squeeze %dma_wait3A_94 : memref<1x128x32xbf16, #tpu.memory_space<hbm>> -> memref<128x32xbf16, #tpu.memory_space<hbm>>
      %dma_wait3A_96 = arith.constant 0 : i32
      %dma_wait3A_97 = tpu.memref_slice %arg6[%arg0, %add3A_84, %dma_wait3A_96] : memref<2x10240x32xbf16, #tpu.memory_space<hbm>> -> memref<1x128x32xbf16, #tpu.memory_space<hbm>>
      %dma_wait3A_98 = tpu.memref_squeeze %dma_wait3A_97 : memref<1x128x32xbf16, #tpu.memory_space<hbm>> -> memref<128x32xbf16, #tpu.memory_space<hbm>>
      tpu.wait_dma2 semaphore(%run_scoped3A : memref<!tpu.dma_semaphore, #tpu.memory_space<semaphore_mem>>) src(%arg9 : memref<128x32xbf16, #tpu.memory_space<vmem>>) dst(%dma_wait3A_98 : memref<128x32xbf16, #tpu.memory_space<hbm>>)
      tpu.yield
    }) : () -> ()
    %add3A_85 = arith.constant 512 : i32
    %add3A_86 = arith.addi %mul3A_2, %add3A_85 : i32
    "tpu.region"() ({
      %run_scoped3A = tpu.sem_alloc : memref<!tpu.dma_semaphore, #tpu.memory_space<semaphore_mem>>
      %dma_start3A_87 = arith.constant 0 : i32
      %dma_start3A_88 = tpu.memref_slice %arg13[%add3A_86, %dma_start3A_87] : memref<10240x32xbf16, #tpu.memory_space<vmem_shared>> -> memref<128x32xbf16, #tpu.memory_space<vmem_shared>>
      %dma_start3A_89 = arith.constant 0 : i32
      %dma_start3A_90 = tpu.memref_slice %arg13[%add3A_86, %dma_start3A_89] : memref<10240x32xbf16, #tpu.memory_space<vmem_shared>> -> memref<128x32xbf16, #tpu.memory_space<vmem_shared>>
      tpu.enqueue_dma source(%dma_start3A_90 : memref<128x32xbf16, #tpu.memory_space<vmem_shared>>) target(%arg9 : memref<128x32xbf16, #tpu.memory_space<vmem>>) target_semaphore(%run_scoped3A : memref<!tpu.dma_semaphore, #tpu.memory_space<semaphore_mem>>)
      %dma_wait3A_91 = arith.constant 0 : i32
      %dma_wait3A_92 = tpu.memref_slice %arg13[%add3A_86, %dma_wait3A_91] : memref<10240x32xbf16, #tpu.memory_space<vmem_shared>> -> memref<128x32xbf16, #tpu.memory_space<vmem_shared>>
      %dma_wait3A_93 = arith.constant 0 : i32
      %dma_wait3A_94 = tpu.memref_slice %arg13[%add3A_86, %dma_wait3A_93] : memref<10240x32xbf16, #tpu.memory_space<vmem_shared>> -> memref<128x32xbf16, #tpu.memory_space<vmem_shared>>
      tpu.wait_dma2 semaphore(%run_scoped3A : memref<!tpu.dma_semaphore, #tpu.memory_space<semaphore_mem>>) src(%dma_wait3A_94 : memref<128x32xbf16, #tpu.memory_space<vmem_shared>>) dst(%arg9 : memref<128x32xbf16, #tpu.memory_space<vmem>>)
      tpu.yield
    }) : () -> ()
    "tpu.region"() ({
      %run_scoped3A = tpu.sem_alloc : memref<!tpu.dma_semaphore, #tpu.memory_space<semaphore_mem>>
      %dma_start3A_87 = arith.constant 0 : i32
      %dma_start3A_88 = tpu.memref_slice %arg6[%arg0, %add3A_86, %dma_start3A_87] : memref<2x10240x32xbf16, #tpu.memory_space<hbm>> -> memref<1x128x32xbf16, #tpu.memory_space<hbm>>
      %dma_start3A_89 = tpu.memref_squeeze %dma_start3A_88 : memref<1x128x32xbf16, #tpu.memory_space<hbm>> -> memref<128x32xbf16, #tpu.memory_space<hbm>>
      %dma_start3A_90 = arith.constant 0 : i32
      %dma_start3A_91 = tpu.memref_slice %arg6[%arg0, %add3A_86, %dma_start3A_90] : memref<2x10240x32xbf16, #tpu.memory_space<hbm>> -> memref<1x128x32xbf16, #tpu.memory_space<hbm>>
      %dma_start3A_92 = tpu.memref_squeeze %dma_start3A_91 : memref<1x128x32xbf16, #tpu.memory_space<hbm>> -> memref<128x32xbf16, #tpu.memory_space<hbm>>
      tpu.enqueue_dma source(%arg9 : memref<128x32xbf16, #tpu.memory_space<vmem>>) target(%dma_start3A_92 : memref<128x32xbf16, #tpu.memory_space<hbm>>) target_semaphore(%run_scoped3A : memref<!tpu.dma_semaphore, #tpu.memory_space<semaphore_mem>>)
      %dma_wait3A_93 = arith.constant 0 : i32
      %dma_wait3A_94 = tpu.memref_slice %arg6[%arg0, %add3A_86, %dma_wait3A_93] : memref<2x10240x32xbf16, #tpu.memory_space<hbm>> -> memref<1x128x32xbf16, #tpu.memory_space<hbm>>
      %dma_wait3A_95 = tpu.memref_squeeze %dma_wait3A_94 : memref<1x128x32xbf16, #tpu.memory_space<hbm>> -> memref<128x32xbf16, #tpu.memory_space<hbm>>
      %dma_wait3A_96 = arith.constant 0 : i32
      %dma_wait3A_97 = tpu.memref_slice %arg6[%arg0, %add3A_86, %dma_wait3A_96] : memref<2x10240x32xbf16, #tpu.memory_space<hbm>> -> memref<1x128x32xbf16, #tpu.memory_space<hbm>>
      %dma_wait3A_98 = tpu.memref_squeeze %dma_wait3A_97 : memref<1x128x32xbf16, #tpu.memory_space<hbm>> -> memref<128x32xbf16, #tpu.memory_space<hbm>>
      tpu.wait_dma2 semaphore(%run_scoped3A : memref<!tpu.dma_semaphore, #tpu.memory_space<semaphore_mem>>) src(%arg9 : memref<128x32xbf16, #tpu.memory_space<vmem>>) dst(%dma_wait3A_98 : memref<128x32xbf16, #tpu.memory_space<hbm>>)
      tpu.yield
    }) : () -> ()
    return
  }
}

#map = affine_map<(d0, d1) -> (0, 0, 0)>
#map1 = affine_map<(d0, d1) -> (0, 0)>
module attributes {stable_mosaic.version = 14 : i64} {
  func.func @body(%arg0: i32, %arg1: i32, %arg2: memref<32x80x128xi32, #tpu.memory_space<hbm>>, %arg3: memref<32x80x128xi32, #tpu.memory_space<hbm>>, %arg4: memref<10240x128xbf16, #tpu.memory_space<hbm>>, %arg5: memref<128x128xbf16, #tpu.memory_space<hbm>>, %arg6: memref<2x10240x128xbf16, #tpu.memory_space<hbm>>, %arg7: memref<80x128xi32, #tpu.memory_space<vmem>>, %arg8: memref<80x128xi32, #tpu.memory_space<vmem>>, %arg9: memref<128x128xbf16, #tpu.memory_space<vmem>>, %arg10: memref<128x128xbf16, #tpu.memory_space<vmem>>, %arg11: memref<128x128xbf16, #tpu.memory_space<vmem>>, %arg12: memref<128x128xbf16, #tpu.memory_space<vmem>>, %arg13: memref<10240x128xbf16, #tpu.memory_space<vmem_shared>>, %arg14: memref<!tpu.dma_semaphore, #tpu.memory_space<semaphore_mem>>, %arg15: memref<!tpu.dma_semaphore, #tpu.memory_space<semaphore_mem>>, %arg16: memref<!tpu.dma_semaphore, #tpu.memory_space<semaphore_mem>>, %arg17: memref<!tpu.dma_semaphore, #tpu.memory_space<semaphore_mem>>, %arg18: memref<!tpu.dma_semaphore, #tpu.memory_space<semaphore_mem>>, %arg19: memref<!tpu.dma_semaphore, #tpu.memory_space<semaphore_mem>>, %arg20: memref<!tpu.dma_semaphore, #tpu.memory_space<semaphore_mem>>, %arg21: memref<!tpu.dma_semaphore, #tpu.memory_space<semaphore_mem>>) attributes {dimension_semantics = [#tpu.dimension_semantics<core_parallel>, #tpu.dimension_semantics<subcore_parallel>], iteration_bounds = array<i64: 2, 16>, scalar_prefetch = 0 : i64, scratch_operands = 15 : i64, tpu.core_type = #tpu.core_type<sc_vector_subcore>, window_params = [{transform_indices = #map}, {transform_indices = #map}, {transform_indices = #map1}, {transform_indices = #map1}, {transform_indices = #map}]} {
    %mul3A = arith.constant 16 : i32
    %mul3A_0 = arith.muli %arg0, %mul3A : i32
    %add3A = arith.addi %mul3A_0, %arg1 : i32
    %mul3A_1 = arith.constant 640 : i32
    %mul3A_2 = arith.muli %arg1, %mul3A_1 : i32
    %dma_start3A = arith.constant 0 : i32
    %dma_start3A_3 = arith.constant 0 : i32
    %dma_start3A_4 = tpu.memref_slice %arg2[%add3A, %dma_start3A, %dma_start3A_3] : memref<32x80x128xi32, #tpu.memory_space<hbm>> -> memref<1x80x128xi32, #tpu.memory_space<hbm>>
    %dma_start3A_5 = tpu.memref_squeeze %dma_start3A_4 : memref<1x80x128xi32, #tpu.memory_space<hbm>> -> memref<80x128xi32, #tpu.memory_space<hbm>>
    %dma_start3A_6 = arith.constant 0 : i32
    %dma_start3A_7 = arith.constant 0 : i32
    %dma_start3A_8 = tpu.memref_slice %arg2[%add3A, %dma_start3A_6, %dma_start3A_7] : memref<32x80x128xi32, #tpu.memory_space<hbm>> -> memref<1x80x128xi32, #tpu.memory_space<hbm>>
    %dma_start3A_9 = tpu.memref_squeeze %dma_start3A_8 : memref<1x80x128xi32, #tpu.memory_space<hbm>> -> memref<80x128xi32, #tpu.memory_space<hbm>>
    tpu.enqueue_dma source(%dma_start3A_9 : memref<80x128xi32, #tpu.memory_space<hbm>>) target(%arg7 : memref<80x128xi32, #tpu.memory_space<vmem>>) target_semaphore(%arg14 : memref<!tpu.dma_semaphore, #tpu.memory_space<semaphore_mem>>)
    %dma_start3A_10 = arith.constant 0 : i32
    %dma_start3A_11 = arith.constant 0 : i32
    %dma_start3A_12 = tpu.memref_slice %arg3[%add3A, %dma_start3A_10, %dma_start3A_11] : memref<32x80x128xi32, #tpu.memory_space<hbm>> -> memref<1x80x128xi32, #tpu.memory_space<hbm>>
    %dma_start3A_13 = tpu.memref_squeeze %dma_start3A_12 : memref<1x80x128xi32, #tpu.memory_space<hbm>> -> memref<80x128xi32, #tpu.memory_space<hbm>>
    %dma_start3A_14 = arith.constant 0 : i32
    %dma_start3A_15 = arith.constant 0 : i32
    %dma_start3A_16 = tpu.memref_slice %arg3[%add3A, %dma_start3A_14, %dma_start3A_15] : memref<32x80x128xi32, #tpu.memory_space<hbm>> -> memref<1x80x128xi32, #tpu.memory_space<hbm>>
    %dma_start3A_17 = tpu.memref_squeeze %dma_start3A_16 : memref<1x80x128xi32, #tpu.memory_space<hbm>> -> memref<80x128xi32, #tpu.memory_space<hbm>>
    tpu.enqueue_dma source(%dma_start3A_17 : memref<80x128xi32, #tpu.memory_space<hbm>>) target(%arg8 : memref<80x128xi32, #tpu.memory_space<vmem>>) target_semaphore(%arg15 : memref<!tpu.dma_semaphore, #tpu.memory_space<semaphore_mem>>)
    "tpu.region"() ({
      %run_scoped3A = tpu.sem_alloc : memref<!tpu.dma_semaphore, #tpu.memory_space<semaphore_mem>>
      tpu.enqueue_dma source(%arg5 : memref<128x128xbf16, #tpu.memory_space<hbm>>) target(%arg9 : memref<128x128xbf16, #tpu.memory_space<vmem>>) target_semaphore(%run_scoped3A : memref<!tpu.dma_semaphore, #tpu.memory_space<semaphore_mem>>)
      tpu.wait_dma2 semaphore(%run_scoped3A : memref<!tpu.dma_semaphore, #tpu.memory_space<semaphore_mem>>) src(%arg5 : memref<128x128xbf16, #tpu.memory_space<hbm>>) dst(%arg9 : memref<128x128xbf16, #tpu.memory_space<vmem>>)
      tpu.yield
    }) : () -> ()
    %add3A_18 = arith.constant 0 : i32
    %add3A_19 = arith.addi %mul3A_2, %add3A_18 : i32
    "tpu.region"() ({
      %run_scoped3A = tpu.sem_alloc : memref<!tpu.dma_semaphore, #tpu.memory_space<semaphore_mem>>
      %dma_start3A_87 = arith.constant 0 : i32
      %dma_start3A_88 = tpu.memref_slice %arg13[%add3A_19, %dma_start3A_87] : memref<10240x128xbf16, #tpu.memory_space<vmem_shared>> -> memref<128x128xbf16, #tpu.memory_space<vmem_shared>>
      %dma_start3A_89 = arith.constant 0 : i32
      %dma_start3A_90 = tpu.memref_slice %arg13[%add3A_19, %dma_start3A_89] : memref<10240x128xbf16, #tpu.memory_space<vmem_shared>> -> memref<128x128xbf16, #tpu.memory_space<vmem_shared>>
      tpu.enqueue_dma source(%arg9 : memref<128x128xbf16, #tpu.memory_space<vmem>>) target(%dma_start3A_90 : memref<128x128xbf16, #tpu.memory_space<vmem_shared>>) target_semaphore(%run_scoped3A : memref<!tpu.dma_semaphore, #tpu.memory_space<semaphore_mem>>)
      %dma_wait3A_91 = arith.constant 0 : i32
      %dma_wait3A_92 = tpu.memref_slice %arg13[%add3A_19, %dma_wait3A_91] : memref<10240x128xbf16, #tpu.memory_space<vmem_shared>> -> memref<128x128xbf16, #tpu.memory_space<vmem_shared>>
      %dma_wait3A_93 = arith.constant 0 : i32
      %dma_wait3A_94 = tpu.memref_slice %arg13[%add3A_19, %dma_wait3A_93] : memref<10240x128xbf16, #tpu.memory_space<vmem_shared>> -> memref<128x128xbf16, #tpu.memory_space<vmem_shared>>
      tpu.wait_dma2 semaphore(%run_scoped3A : memref<!tpu.dma_semaphore, #tpu.memory_space<semaphore_mem>>) src(%arg9 : memref<128x128xbf16, #tpu.memory_space<vmem>>) dst(%dma_wait3A_94 : memref<128x128xbf16, #tpu.memory_space<vmem_shared>>)
      tpu.yield
    }) : () -> ()
    %add3A_20 = arith.constant 128 : i32
    %add3A_21 = arith.addi %mul3A_2, %add3A_20 : i32
    "tpu.region"() ({
      %run_scoped3A = tpu.sem_alloc : memref<!tpu.dma_semaphore, #tpu.memory_space<semaphore_mem>>
      %dma_start3A_87 = arith.constant 0 : i32
      %dma_start3A_88 = tpu.memref_slice %arg13[%add3A_21, %dma_start3A_87] : memref<10240x128xbf16, #tpu.memory_space<vmem_shared>> -> memref<128x128xbf16, #tpu.memory_space<vmem_shared>>
      %dma_start3A_89 = arith.constant 0 : i32
      %dma_start3A_90 = tpu.memref_slice %arg13[%add3A_21, %dma_start3A_89] : memref<10240x128xbf16, #tpu.memory_space<vmem_shared>> -> memref<128x128xbf16, #tpu.memory_space<vmem_shared>>
      tpu.enqueue_dma source(%arg9 : memref<128x128xbf16, #tpu.memory_space<vmem>>) target(%dma_start3A_90 : memref<128x128xbf16, #tpu.memory_space<vmem_shared>>) target_semaphore(%run_scoped3A : memref<!tpu.dma_semaphore, #tpu.memory_space<semaphore_mem>>)
      %dma_wait3A_91 = arith.constant 0 : i32
      %dma_wait3A_92 = tpu.memref_slice %arg13[%add3A_21, %dma_wait3A_91] : memref<10240x128xbf16, #tpu.memory_space<vmem_shared>> -> memref<128x128xbf16, #tpu.memory_space<vmem_shared>>
      %dma_wait3A_93 = arith.constant 0 : i32
      %dma_wait3A_94 = tpu.memref_slice %arg13[%add3A_21, %dma_wait3A_93] : memref<10240x128xbf16, #tpu.memory_space<vmem_shared>> -> memref<128x128xbf16, #tpu.memory_space<vmem_shared>>
      tpu.wait_dma2 semaphore(%run_scoped3A : memref<!tpu.dma_semaphore, #tpu.memory_space<semaphore_mem>>) src(%arg9 : memref<128x128xbf16, #tpu.memory_space<vmem>>) dst(%dma_wait3A_94 : memref<128x128xbf16, #tpu.memory_space<vmem_shared>>)
      tpu.yield
    }) : () -> ()
    %add3A_22 = arith.constant 256 : i32
    %add3A_23 = arith.addi %mul3A_2, %add3A_22 : i32
    "tpu.region"() ({
      %run_scoped3A = tpu.sem_alloc : memref<!tpu.dma_semaphore, #tpu.memory_space<semaphore_mem>>
      %dma_start3A_87 = arith.constant 0 : i32
      %dma_start3A_88 = tpu.memref_slice %arg13[%add3A_23, %dma_start3A_87] : memref<10240x128xbf16, #tpu.memory_space<vmem_shared>> -> memref<128x128xbf16, #tpu.memory_space<vmem_shared>>
      %dma_start3A_89 = arith.constant 0 : i32
      %dma_start3A_90 = tpu.memref_slice %arg13[%add3A_23, %dma_start3A_89] : memref<10240x128xbf16, #tpu.memory_space<vmem_shared>> -> memref<128x128xbf16, #tpu.memory_space<vmem_shared>>
      tpu.enqueue_dma source(%arg9 : memref<128x128xbf16, #tpu.memory_space<vmem>>) target(%dma_start3A_90 : memref<128x128xbf16, #tpu.memory_space<vmem_shared>>) target_semaphore(%run_scoped3A : memref<!tpu.dma_semaphore, #tpu.memory_space<semaphore_mem>>)
      %dma_wait3A_91 = arith.constant 0 : i32
      %dma_wait3A_92 = tpu.memref_slice %arg13[%add3A_23, %dma_wait3A_91] : memref<10240x128xbf16, #tpu.memory_space<vmem_shared>> -> memref<128x128xbf16, #tpu.memory_space<vmem_shared>>
      %dma_wait3A_93 = arith.constant 0 : i32
      %dma_wait3A_94 = tpu.memref_slice %arg13[%add3A_23, %dma_wait3A_93] : memref<10240x128xbf16, #tpu.memory_space<vmem_shared>> -> memref<128x128xbf16, #tpu.memory_space<vmem_shared>>
      tpu.wait_dma2 semaphore(%run_scoped3A : memref<!tpu.dma_semaphore, #tpu.memory_space<semaphore_mem>>) src(%arg9 : memref<128x128xbf16, #tpu.memory_space<vmem>>) dst(%dma_wait3A_94 : memref<128x128xbf16, #tpu.memory_space<vmem_shared>>)
      tpu.yield
    }) : () -> ()
    %add3A_24 = arith.constant 384 : i32
    %add3A_25 = arith.addi %mul3A_2, %add3A_24 : i32
    "tpu.region"() ({
      %run_scoped3A = tpu.sem_alloc : memref<!tpu.dma_semaphore, #tpu.memory_space<semaphore_mem>>
      %dma_start3A_87 = arith.constant 0 : i32
      %dma_start3A_88 = tpu.memref_slice %arg13[%add3A_25, %dma_start3A_87] : memref<10240x128xbf16, #tpu.memory_space<vmem_shared>> -> memref<128x128xbf16, #tpu.memory_space<vmem_shared>>
      %dma_start3A_89 = arith.constant 0 : i32
      %dma_start3A_90 = tpu.memref_slice %arg13[%add3A_25, %dma_start3A_89] : memref<10240x128xbf16, #tpu.memory_space<vmem_shared>> -> memref<128x128xbf16, #tpu.memory_space<vmem_shared>>
      tpu.enqueue_dma source(%arg9 : memref<128x128xbf16, #tpu.memory_space<vmem>>) target(%dma_start3A_90 : memref<128x128xbf16, #tpu.memory_space<vmem_shared>>) target_semaphore(%run_scoped3A : memref<!tpu.dma_semaphore, #tpu.memory_space<semaphore_mem>>)
      %dma_wait3A_91 = arith.constant 0 : i32
      %dma_wait3A_92 = tpu.memref_slice %arg13[%add3A_25, %dma_wait3A_91] : memref<10240x128xbf16, #tpu.memory_space<vmem_shared>> -> memref<128x128xbf16, #tpu.memory_space<vmem_shared>>
      %dma_wait3A_93 = arith.constant 0 : i32
      %dma_wait3A_94 = tpu.memref_slice %arg13[%add3A_25, %dma_wait3A_93] : memref<10240x128xbf16, #tpu.memory_space<vmem_shared>> -> memref<128x128xbf16, #tpu.memory_space<vmem_shared>>
      tpu.wait_dma2 semaphore(%run_scoped3A : memref<!tpu.dma_semaphore, #tpu.memory_space<semaphore_mem>>) src(%arg9 : memref<128x128xbf16, #tpu.memory_space<vmem>>) dst(%dma_wait3A_94 : memref<128x128xbf16, #tpu.memory_space<vmem_shared>>)
      tpu.yield
    }) : () -> ()
    %add3A_26 = arith.constant 512 : i32
    %add3A_27 = arith.addi %mul3A_2, %add3A_26 : i32
    "tpu.region"() ({
      %run_scoped3A = tpu.sem_alloc : memref<!tpu.dma_semaphore, #tpu.memory_space<semaphore_mem>>
      %dma_start3A_87 = arith.constant 0 : i32
      %dma_start3A_88 = tpu.memref_slice %arg13[%add3A_27, %dma_start3A_87] : memref<10240x128xbf16, #tpu.memory_space<vmem_shared>> -> memref<128x128xbf16, #tpu.memory_space<vmem_shared>>
      %dma_start3A_89 = arith.constant 0 : i32
      %dma_start3A_90 = tpu.memref_slice %arg13[%add3A_27, %dma_start3A_89] : memref<10240x128xbf16, #tpu.memory_space<vmem_shared>> -> memref<128x128xbf16, #tpu.memory_space<vmem_shared>>
      tpu.enqueue_dma source(%arg9 : memref<128x128xbf16, #tpu.memory_space<vmem>>) target(%dma_start3A_90 : memref<128x128xbf16, #tpu.memory_space<vmem_shared>>) target_semaphore(%run_scoped3A : memref<!tpu.dma_semaphore, #tpu.memory_space<semaphore_mem>>)
      %dma_wait3A_91 = arith.constant 0 : i32
      %dma_wait3A_92 = tpu.memref_slice %arg13[%add3A_27, %dma_wait3A_91] : memref<10240x128xbf16, #tpu.memory_space<vmem_shared>> -> memref<128x128xbf16, #tpu.memory_space<vmem_shared>>
      %dma_wait3A_93 = arith.constant 0 : i32
      %dma_wait3A_94 = tpu.memref_slice %arg13[%add3A_27, %dma_wait3A_93] : memref<10240x128xbf16, #tpu.memory_space<vmem_shared>> -> memref<128x128xbf16, #tpu.memory_space<vmem_shared>>
      tpu.wait_dma2 semaphore(%run_scoped3A : memref<!tpu.dma_semaphore, #tpu.memory_space<semaphore_mem>>) src(%arg9 : memref<128x128xbf16, #tpu.memory_space<vmem>>) dst(%dma_wait3A_94 : memref<128x128xbf16, #tpu.memory_space<vmem_shared>>)
      tpu.yield
    }) : () -> ()
    %dma_wait3A = arith.constant 0 : i32
    %dma_wait3A_28 = arith.constant 0 : i32
    %dma_wait3A_29 = tpu.memref_slice %arg2[%add3A, %dma_wait3A, %dma_wait3A_28] : memref<32x80x128xi32, #tpu.memory_space<hbm>> -> memref<1x80x128xi32, #tpu.memory_space<hbm>>
    %dma_wait3A_30 = tpu.memref_squeeze %dma_wait3A_29 : memref<1x80x128xi32, #tpu.memory_space<hbm>> -> memref<80x128xi32, #tpu.memory_space<hbm>>
    %dma_wait3A_31 = arith.constant 0 : i32
    %dma_wait3A_32 = arith.constant 0 : i32
    %dma_wait3A_33 = tpu.memref_slice %arg2[%add3A, %dma_wait3A_31, %dma_wait3A_32] : memref<32x80x128xi32, #tpu.memory_space<hbm>> -> memref<1x80x128xi32, #tpu.memory_space<hbm>>
    %dma_wait3A_34 = tpu.memref_squeeze %dma_wait3A_33 : memref<1x80x128xi32, #tpu.memory_space<hbm>> -> memref<80x128xi32, #tpu.memory_space<hbm>>
    tpu.wait_dma2 semaphore(%arg14 : memref<!tpu.dma_semaphore, #tpu.memory_space<semaphore_mem>>) src(%dma_wait3A_34 : memref<80x128xi32, #tpu.memory_space<hbm>>) dst(%arg7 : memref<80x128xi32, #tpu.memory_space<vmem>>)
    %dma_wait3A_35 = arith.constant 0 : i32
    %dma_wait3A_36 = arith.constant 0 : i32
    %dma_wait3A_37 = tpu.memref_slice %arg3[%add3A, %dma_wait3A_35, %dma_wait3A_36] : memref<32x80x128xi32, #tpu.memory_space<hbm>> -> memref<1x80x128xi32, #tpu.memory_space<hbm>>
    %dma_wait3A_38 = tpu.memref_squeeze %dma_wait3A_37 : memref<1x80x128xi32, #tpu.memory_space<hbm>> -> memref<80x128xi32, #tpu.memory_space<hbm>>
    %dma_wait3A_39 = arith.constant 0 : i32
    %dma_wait3A_40 = arith.constant 0 : i32
    %dma_wait3A_41 = tpu.memref_slice %arg3[%add3A, %dma_wait3A_39, %dma_wait3A_40] : memref<32x80x128xi32, #tpu.memory_space<hbm>> -> memref<1x80x128xi32, #tpu.memory_space<hbm>>
    %dma_wait3A_42 = tpu.memref_squeeze %dma_wait3A_41 : memref<1x80x128xi32, #tpu.memory_space<hbm>> -> memref<80x128xi32, #tpu.memory_space<hbm>>
    tpu.wait_dma2 semaphore(%arg15 : memref<!tpu.dma_semaphore, #tpu.memory_space<semaphore_mem>>) src(%dma_wait3A_42 : memref<80x128xi32, #tpu.memory_space<hbm>>) dst(%arg8 : memref<80x128xi32, #tpu.memory_space<vmem>>)
    %barrier3A = arith.constant 0 : index
    tpu.barrier barrier_id(%barrier3A)
    %dma_start3A_43 = arith.constant 0 : i32
    %dma_start3A_44 = arith.constant 0 : i32
    %dma_start3A_45 = tpu.memref_slice %arg7[%dma_start3A_43, %dma_start3A_44] : memref<80x128xi32, #tpu.memory_space<vmem>> -> memref<1x128xi32, #tpu.memory_space<vmem>>
    %dma_start3A_46 = tpu.memref_squeeze %dma_start3A_45 : memref<1x128xi32, #tpu.memory_space<vmem>> -> memref<128xi32, #tpu.memory_space<vmem>>
    %dma_start3A_47 = arith.constant 0 : i32
    %dma_start3A_48 = arith.constant 0 : i32
    %dma_start3A_49 = tpu.memref_slice %arg4[%dma_start3A_47, %dma_start3A_48] : memref<10240x128xbf16, #tpu.memory_space<hbm>> -> memref<10240x128xbf16, #tpu.memory_space<hbm>>
    tpu.enqueue_indirect_dma source(%dma_start3A_49 : memref<10240x128xbf16, #tpu.memory_space<hbm>>) target(%arg9 : memref<128x128xbf16, #tpu.memory_space<vmem>>) offsets(%dma_start3A_46 : memref<128xi32, #tpu.memory_space<vmem>>) semaphore(%arg14 : memref<!tpu.dma_semaphore, #tpu.memory_space<semaphore_mem>>)
    %dma_start3A_50 = arith.constant 1 : i32
    %dma_start3A_51 = arith.constant 0 : i32
    %dma_start3A_52 = tpu.memref_slice %arg7[%dma_start3A_50, %dma_start3A_51] : memref<80x128xi32, #tpu.memory_space<vmem>> -> memref<1x128xi32, #tpu.memory_space<vmem>>
    %dma_start3A_53 = tpu.memref_squeeze %dma_start3A_52 : memref<1x128xi32, #tpu.memory_space<vmem>> -> memref<128xi32, #tpu.memory_space<vmem>>
    %dma_start3A_54 = arith.constant 0 : i32
    %dma_start3A_55 = arith.constant 0 : i32
    %dma_start3A_56 = tpu.memref_slice %arg4[%dma_start3A_54, %dma_start3A_55] : memref<10240x128xbf16, #tpu.memory_space<hbm>> -> memref<10240x128xbf16, #tpu.memory_space<hbm>>
    tpu.enqueue_indirect_dma source(%dma_start3A_56 : memref<10240x128xbf16, #tpu.memory_space<hbm>>) target(%arg10 : memref<128x128xbf16, #tpu.memory_space<vmem>>) offsets(%dma_start3A_53 : memref<128xi32, #tpu.memory_space<vmem>>) semaphore(%arg15 : memref<!tpu.dma_semaphore, #tpu.memory_space<semaphore_mem>>)
    %dma_start3A_57 = arith.constant 2 : i32
    %dma_start3A_58 = arith.constant 0 : i32
    %dma_start3A_59 = tpu.memref_slice %arg7[%dma_start3A_57, %dma_start3A_58] : memref<80x128xi32, #tpu.memory_space<vmem>> -> memref<1x128xi32, #tpu.memory_space<vmem>>
    %dma_start3A_60 = tpu.memref_squeeze %dma_start3A_59 : memref<1x128xi32, #tpu.memory_space<vmem>> -> memref<128xi32, #tpu.memory_space<vmem>>
    %dma_start3A_61 = arith.constant 0 : i32
    %dma_start3A_62 = arith.constant 0 : i32
    %dma_start3A_63 = tpu.memref_slice %arg4[%dma_start3A_61, %dma_start3A_62] : memref<10240x128xbf16, #tpu.memory_space<hbm>> -> memref<10240x128xbf16, #tpu.memory_space<hbm>>
    tpu.enqueue_indirect_dma source(%dma_start3A_63 : memref<10240x128xbf16, #tpu.memory_space<hbm>>) target(%arg11 : memref<128x128xbf16, #tpu.memory_space<vmem>>) offsets(%dma_start3A_60 : memref<128xi32, #tpu.memory_space<vmem>>) semaphore(%arg16 : memref<!tpu.dma_semaphore, #tpu.memory_space<semaphore_mem>>)
    %dma_start3A_64 = arith.constant 3 : i32
    %dma_start3A_65 = arith.constant 0 : i32
    %dma_start3A_66 = tpu.memref_slice %arg7[%dma_start3A_64, %dma_start3A_65] : memref<80x128xi32, #tpu.memory_space<vmem>> -> memref<1x128xi32, #tpu.memory_space<vmem>>
    %dma_start3A_67 = tpu.memref_squeeze %dma_start3A_66 : memref<1x128xi32, #tpu.memory_space<vmem>> -> memref<128xi32, #tpu.memory_space<vmem>>
    %dma_start3A_68 = arith.constant 0 : i32
    %dma_start3A_69 = arith.constant 0 : i32
    %dma_start3A_70 = tpu.memref_slice %arg4[%dma_start3A_68, %dma_start3A_69] : memref<10240x128xbf16, #tpu.memory_space<hbm>> -> memref<10240x128xbf16, #tpu.memory_space<hbm>>
    tpu.enqueue_indirect_dma source(%dma_start3A_70 : memref<10240x128xbf16, #tpu.memory_space<hbm>>) target(%arg12 : memref<128x128xbf16, #tpu.memory_space<vmem>>) offsets(%dma_start3A_67 : memref<128xi32, #tpu.memory_space<vmem>>) semaphore(%arg17 : memref<!tpu.dma_semaphore, #tpu.memory_space<semaphore_mem>>)
    %scan3A = arith.constant 0 : i32
    %scan3A_71 = arith.constant 0 : i32
    %scan3A_72 = arith.constant 20 : i32
    %scan3A_73 = arith.addi %scan3A_71, %scan3A_72 : i32
    %scan3A_74 = arith.constant 1 : i32
    scf.for %scan3A_87 = %scan3A_71 to %scan3A_73 step %scan3A_74  : i32 {
      %mul3A_88 = arith.constant 4 : i32
      %mul3A_89 = arith.muli %mul3A_88, %scan3A_87 : i32
      %add3A_90 = arith.constant 0 : i32
      %add3A_91 = arith.addi %mul3A_89, %add3A_90 : i32
      %dma_wait3A_92 = arith.constant 0 : i32
      %dma_wait3A_93 = tpu.memref_slice %arg7[%add3A_91, %dma_wait3A_92] : memref<80x128xi32, #tpu.memory_space<vmem>> -> memref<1x128xi32, #tpu.memory_space<vmem>>
      %dma_wait3A_94 = tpu.memref_squeeze %dma_wait3A_93 : memref<1x128xi32, #tpu.memory_space<vmem>> -> memref<128xi32, #tpu.memory_space<vmem>>
      %dma_wait3A_95 = arith.constant 0 : i32
      %dma_wait3A_96 = arith.constant 0 : i32
      %dma_wait3A_97 = tpu.memref_slice %arg4[%dma_wait3A_95, %dma_wait3A_96] : memref<10240x128xbf16, #tpu.memory_space<hbm>> -> memref<10240x128xbf16, #tpu.memory_space<hbm>>
      tpu.wait_indirect_dma semaphore(%arg14 : memref<!tpu.dma_semaphore, #tpu.memory_space<semaphore_mem>>) src(%dma_wait3A_97 : memref<10240x128xbf16, #tpu.memory_space<hbm>>) dst(%arg9 : memref<128x128xbf16, #tpu.memory_space<vmem>>)
      %add3A_98 = arith.constant 0 : i32
      %add3A_99 = arith.addi %mul3A_89, %add3A_98 : i32
      %dma_start3A_100 = arith.constant 0 : i32
      %dma_start3A_101 = tpu.memref_slice %arg8[%add3A_99, %dma_start3A_100] : memref<80x128xi32, #tpu.memory_space<vmem>> -> memref<1x128xi32, #tpu.memory_space<vmem>>
      %dma_start3A_102 = tpu.memref_squeeze %dma_start3A_101 : memref<1x128xi32, #tpu.memory_space<vmem>> -> memref<128xi32, #tpu.memory_space<vmem>>
      %dma_start3A_103 = arith.constant 0 : i32
      %dma_start3A_104 = arith.constant 0 : i32
      %dma_start3A_105 = tpu.memref_slice %arg13[%dma_start3A_103, %dma_start3A_104] : memref<10240x128xbf16, #tpu.memory_space<vmem_shared>> -> memref<10240x128xbf16, #tpu.memory_space<vmem_shared>>
      tpu.enqueue_indirect_dma source(%arg9 : memref<128x128xbf16, #tpu.memory_space<vmem>>) target(%dma_start3A_105 : memref<10240x128xbf16, #tpu.memory_space<vmem_shared>>) offsets(%dma_start3A_102 : memref<128xi32, #tpu.memory_space<vmem>>) semaphore(%arg18 : memref<!tpu.dma_semaphore, #tpu.memory_space<semaphore_mem>>) {add = true}
      %add3A_106 = arith.constant 1 : i32
      %add3A_107 = arith.addi %mul3A_89, %add3A_106 : i32
      %dma_wait3A_108 = arith.constant 0 : i32
      %dma_wait3A_109 = tpu.memref_slice %arg7[%add3A_107, %dma_wait3A_108] : memref<80x128xi32, #tpu.memory_space<vmem>> -> memref<1x128xi32, #tpu.memory_space<vmem>>
      %dma_wait3A_110 = tpu.memref_squeeze %dma_wait3A_109 : memref<1x128xi32, #tpu.memory_space<vmem>> -> memref<128xi32, #tpu.memory_space<vmem>>
      %dma_wait3A_111 = arith.constant 0 : i32
      %dma_wait3A_112 = arith.constant 0 : i32
      %dma_wait3A_113 = tpu.memref_slice %arg4[%dma_wait3A_111, %dma_wait3A_112] : memref<10240x128xbf16, #tpu.memory_space<hbm>> -> memref<10240x128xbf16, #tpu.memory_space<hbm>>
      tpu.wait_indirect_dma semaphore(%arg15 : memref<!tpu.dma_semaphore, #tpu.memory_space<semaphore_mem>>) src(%dma_wait3A_113 : memref<10240x128xbf16, #tpu.memory_space<hbm>>) dst(%arg10 : memref<128x128xbf16, #tpu.memory_space<vmem>>)
      %add3A_114 = arith.constant 1 : i32
      %add3A_115 = arith.addi %mul3A_89, %add3A_114 : i32
      %dma_start3A_116 = arith.constant 0 : i32
      %dma_start3A_117 = tpu.memref_slice %arg8[%add3A_115, %dma_start3A_116] : memref<80x128xi32, #tpu.memory_space<vmem>> -> memref<1x128xi32, #tpu.memory_space<vmem>>
      %dma_start3A_118 = tpu.memref_squeeze %dma_start3A_117 : memref<1x128xi32, #tpu.memory_space<vmem>> -> memref<128xi32, #tpu.memory_space<vmem>>
      %dma_start3A_119 = arith.constant 0 : i32
      %dma_start3A_120 = arith.constant 0 : i32
      %dma_start3A_121 = tpu.memref_slice %arg13[%dma_start3A_119, %dma_start3A_120] : memref<10240x128xbf16, #tpu.memory_space<vmem_shared>> -> memref<10240x128xbf16, #tpu.memory_space<vmem_shared>>
      tpu.enqueue_indirect_dma source(%arg10 : memref<128x128xbf16, #tpu.memory_space<vmem>>) target(%dma_start3A_121 : memref<10240x128xbf16, #tpu.memory_space<vmem_shared>>) offsets(%dma_start3A_118 : memref<128xi32, #tpu.memory_space<vmem>>) semaphore(%arg19 : memref<!tpu.dma_semaphore, #tpu.memory_space<semaphore_mem>>) {add = true}
      %add3A_122 = arith.constant 2 : i32
      %add3A_123 = arith.addi %mul3A_89, %add3A_122 : i32
      %dma_wait3A_124 = arith.constant 0 : i32
      %dma_wait3A_125 = tpu.memref_slice %arg7[%add3A_123, %dma_wait3A_124] : memref<80x128xi32, #tpu.memory_space<vmem>> -> memref<1x128xi32, #tpu.memory_space<vmem>>
      %dma_wait3A_126 = tpu.memref_squeeze %dma_wait3A_125 : memref<1x128xi32, #tpu.memory_space<vmem>> -> memref<128xi32, #tpu.memory_space<vmem>>
      %dma_wait3A_127 = arith.constant 0 : i32
      %dma_wait3A_128 = arith.constant 0 : i32
      %dma_wait3A_129 = tpu.memref_slice %arg4[%dma_wait3A_127, %dma_wait3A_128] : memref<10240x128xbf16, #tpu.memory_space<hbm>> -> memref<10240x128xbf16, #tpu.memory_space<hbm>>
      tpu.wait_indirect_dma semaphore(%arg16 : memref<!tpu.dma_semaphore, #tpu.memory_space<semaphore_mem>>) src(%dma_wait3A_129 : memref<10240x128xbf16, #tpu.memory_space<hbm>>) dst(%arg11 : memref<128x128xbf16, #tpu.memory_space<vmem>>)
      %add3A_130 = arith.constant 2 : i32
      %add3A_131 = arith.addi %mul3A_89, %add3A_130 : i32
      %dma_start3A_132 = arith.constant 0 : i32
      %dma_start3A_133 = tpu.memref_slice %arg8[%add3A_131, %dma_start3A_132] : memref<80x128xi32, #tpu.memory_space<vmem>> -> memref<1x128xi32, #tpu.memory_space<vmem>>
      %dma_start3A_134 = tpu.memref_squeeze %dma_start3A_133 : memref<1x128xi32, #tpu.memory_space<vmem>> -> memref<128xi32, #tpu.memory_space<vmem>>
      %dma_start3A_135 = arith.constant 0 : i32
      %dma_start3A_136 = arith.constant 0 : i32
      %dma_start3A_137 = tpu.memref_slice %arg13[%dma_start3A_135, %dma_start3A_136] : memref<10240x128xbf16, #tpu.memory_space<vmem_shared>> -> memref<10240x128xbf16, #tpu.memory_space<vmem_shared>>
      tpu.enqueue_indirect_dma source(%arg11 : memref<128x128xbf16, #tpu.memory_space<vmem>>) target(%dma_start3A_137 : memref<10240x128xbf16, #tpu.memory_space<vmem_shared>>) offsets(%dma_start3A_134 : memref<128xi32, #tpu.memory_space<vmem>>) semaphore(%arg20 : memref<!tpu.dma_semaphore, #tpu.memory_space<semaphore_mem>>) {add = true}
      %add3A_138 = arith.constant 3 : i32
      %add3A_139 = arith.addi %mul3A_89, %add3A_138 : i32
      %dma_wait3A_140 = arith.constant 0 : i32
      %dma_wait3A_141 = tpu.memref_slice %arg7[%add3A_139, %dma_wait3A_140] : memref<80x128xi32, #tpu.memory_space<vmem>> -> memref<1x128xi32, #tpu.memory_space<vmem>>
      %dma_wait3A_142 = tpu.memref_squeeze %dma_wait3A_141 : memref<1x128xi32, #tpu.memory_space<vmem>> -> memref<128xi32, #tpu.memory_space<vmem>>
      %dma_wait3A_143 = arith.constant 0 : i32
      %dma_wait3A_144 = arith.constant 0 : i32
      %dma_wait3A_145 = tpu.memref_slice %arg4[%dma_wait3A_143, %dma_wait3A_144] : memref<10240x128xbf16, #tpu.memory_space<hbm>> -> memref<10240x128xbf16, #tpu.memory_space<hbm>>
      tpu.wait_indirect_dma semaphore(%arg17 : memref<!tpu.dma_semaphore, #tpu.memory_space<semaphore_mem>>) src(%dma_wait3A_145 : memref<10240x128xbf16, #tpu.memory_space<hbm>>) dst(%arg12 : memref<128x128xbf16, #tpu.memory_space<vmem>>)
      %add3A_146 = arith.constant 3 : i32
      %add3A_147 = arith.addi %mul3A_89, %add3A_146 : i32
      %dma_start3A_148 = arith.constant 0 : i32
      %dma_start3A_149 = tpu.memref_slice %arg8[%add3A_147, %dma_start3A_148] : memref<80x128xi32, #tpu.memory_space<vmem>> -> memref<1x128xi32, #tpu.memory_space<vmem>>
      %dma_start3A_150 = tpu.memref_squeeze %dma_start3A_149 : memref<1x128xi32, #tpu.memory_space<vmem>> -> memref<128xi32, #tpu.memory_space<vmem>>
      %dma_start3A_151 = arith.constant 0 : i32
      %dma_start3A_152 = arith.constant 0 : i32
      %dma_start3A_153 = tpu.memref_slice %arg13[%dma_start3A_151, %dma_start3A_152] : memref<10240x128xbf16, #tpu.memory_space<vmem_shared>> -> memref<10240x128xbf16, #tpu.memory_space<vmem_shared>>
      tpu.enqueue_indirect_dma source(%arg12 : memref<128x128xbf16, #tpu.memory_space<vmem>>) target(%dma_start3A_153 : memref<10240x128xbf16, #tpu.memory_space<vmem_shared>>) offsets(%dma_start3A_150 : memref<128xi32, #tpu.memory_space<vmem>>) semaphore(%arg21 : memref<!tpu.dma_semaphore, #tpu.memory_space<semaphore_mem>>) {add = true}
      %add3A_154 = arith.constant 0 : i32
      %add3A_155 = arith.addi %mul3A_89, %add3A_154 : i32
      %dma_wait3A_156 = arith.constant 0 : i32
      %dma_wait3A_157 = tpu.memref_slice %arg8[%add3A_155, %dma_wait3A_156] : memref<80x128xi32, #tpu.memory_space<vmem>> -> memref<1x128xi32, #tpu.memory_space<vmem>>
      %dma_wait3A_158 = tpu.memref_squeeze %dma_wait3A_157 : memref<1x128xi32, #tpu.memory_space<vmem>> -> memref<128xi32, #tpu.memory_space<vmem>>
      %dma_wait3A_159 = arith.constant 0 : i32
      %dma_wait3A_160 = arith.constant 0 : i32
      %dma_wait3A_161 = tpu.memref_slice %arg13[%dma_wait3A_159, %dma_wait3A_160] : memref<10240x128xbf16, #tpu.memory_space<vmem_shared>> -> memref<10240x128xbf16, #tpu.memory_space<vmem_shared>>
      tpu.wait_indirect_dma semaphore(%arg18 : memref<!tpu.dma_semaphore, #tpu.memory_space<semaphore_mem>>) src(%arg9 : memref<128x128xbf16, #tpu.memory_space<vmem>>) dst(%dma_wait3A_161 : memref<10240x128xbf16, #tpu.memory_space<vmem_shared>>)
      %add3A_162 = arith.constant 0 : i32
      %add3A_163 = arith.addi %mul3A_89, %add3A_162 : i32
      %add3A_164 = arith.constant 4 : i32
      %add3A_165 = arith.addi %add3A_163, %add3A_164 : i32
      %lt3A = arith.constant 80 : i32
      %lt3A_166 = arith.cmpi slt, %add3A_165, %lt3A : i32
      %convert_element_type3A = arith.extui %lt3A_166 : i1 to i32
      %cond3A = arith.constant 0 : i32
      %cond3A_167 = arith.cmpi ne, %convert_element_type3A, %cond3A : i32
      scf.if %cond3A_167 {
        %add3A_219 = arith.constant 0 : i32
        %add3A_220 = arith.addi %mul3A_89, %add3A_219 : i32
        %add3A_221 = arith.constant 4 : i32
        %add3A_222 = arith.addi %add3A_220, %add3A_221 : i32
        %dma_start3A_223 = arith.constant 0 : i32
        %dma_start3A_224 = tpu.memref_slice %arg7[%add3A_222, %dma_start3A_223] : memref<80x128xi32, #tpu.memory_space<vmem>> -> memref<1x128xi32, #tpu.memory_space<vmem>>
        %dma_start3A_225 = tpu.memref_squeeze %dma_start3A_224 : memref<1x128xi32, #tpu.memory_space<vmem>> -> memref<128xi32, #tpu.memory_space<vmem>>
        %dma_start3A_226 = arith.constant 0 : i32
        %dma_start3A_227 = arith.constant 0 : i32
        %dma_start3A_228 = tpu.memref_slice %arg4[%dma_start3A_226, %dma_start3A_227] : memref<10240x128xbf16, #tpu.memory_space<hbm>> -> memref<10240x128xbf16, #tpu.memory_space<hbm>>
        tpu.enqueue_indirect_dma source(%dma_start3A_228 : memref<10240x128xbf16, #tpu.memory_space<hbm>>) target(%arg9 : memref<128x128xbf16, #tpu.memory_space<vmem>>) offsets(%dma_start3A_225 : memref<128xi32, #tpu.memory_space<vmem>>) semaphore(%arg14 : memref<!tpu.dma_semaphore, #tpu.memory_space<semaphore_mem>>)
      } else {
      }
      %add3A_168 = arith.constant 1 : i32
      %add3A_169 = arith.addi %mul3A_89, %add3A_168 : i32
      %dma_wait3A_170 = arith.constant 0 : i32
      %dma_wait3A_171 = tpu.memref_slice %arg8[%add3A_169, %dma_wait3A_170] : memref<80x128xi32, #tpu.memory_space<vmem>> -> memref<1x128xi32, #tpu.memory_space<vmem>>
      %dma_wait3A_172 = tpu.memref_squeeze %dma_wait3A_171 : memref<1x128xi32, #tpu.memory_space<vmem>> -> memref<128xi32, #tpu.memory_space<vmem>>
      %dma_wait3A_173 = arith.constant 0 : i32
      %dma_wait3A_174 = arith.constant 0 : i32
      %dma_wait3A_175 = tpu.memref_slice %arg13[%dma_wait3A_173, %dma_wait3A_174] : memref<10240x128xbf16, #tpu.memory_space<vmem_shared>> -> memref<10240x128xbf16, #tpu.memory_space<vmem_shared>>
      tpu.wait_indirect_dma semaphore(%arg19 : memref<!tpu.dma_semaphore, #tpu.memory_space<semaphore_mem>>) src(%arg10 : memref<128x128xbf16, #tpu.memory_space<vmem>>) dst(%dma_wait3A_175 : memref<10240x128xbf16, #tpu.memory_space<vmem_shared>>)
      %add3A_176 = arith.constant 1 : i32
      %add3A_177 = arith.addi %mul3A_89, %add3A_176 : i32
      %add3A_178 = arith.constant 4 : i32
      %add3A_179 = arith.addi %add3A_177, %add3A_178 : i32
      %lt3A_180 = arith.constant 80 : i32
      %lt3A_181 = arith.cmpi slt, %add3A_179, %lt3A_180 : i32
      %convert_element_type3A_182 = arith.extui %lt3A_181 : i1 to i32
      %cond3A_183 = arith.constant 0 : i32
      %cond3A_184 = arith.cmpi ne, %convert_element_type3A_182, %cond3A_183 : i32
      scf.if %cond3A_184 {
        %add3A_219 = arith.constant 1 : i32
        %add3A_220 = arith.addi %mul3A_89, %add3A_219 : i32
        %add3A_221 = arith.constant 4 : i32
        %add3A_222 = arith.addi %add3A_220, %add3A_221 : i32
        %dma_start3A_223 = arith.constant 0 : i32
        %dma_start3A_224 = tpu.memref_slice %arg7[%add3A_222, %dma_start3A_223] : memref<80x128xi32, #tpu.memory_space<vmem>> -> memref<1x128xi32, #tpu.memory_space<vmem>>
        %dma_start3A_225 = tpu.memref_squeeze %dma_start3A_224 : memref<1x128xi32, #tpu.memory_space<vmem>> -> memref<128xi32, #tpu.memory_space<vmem>>
        %dma_start3A_226 = arith.constant 0 : i32
        %dma_start3A_227 = arith.constant 0 : i32
        %dma_start3A_228 = tpu.memref_slice %arg4[%dma_start3A_226, %dma_start3A_227] : memref<10240x128xbf16, #tpu.memory_space<hbm>> -> memref<10240x128xbf16, #tpu.memory_space<hbm>>
        tpu.enqueue_indirect_dma source(%dma_start3A_228 : memref<10240x128xbf16, #tpu.memory_space<hbm>>) target(%arg10 : memref<128x128xbf16, #tpu.memory_space<vmem>>) offsets(%dma_start3A_225 : memref<128xi32, #tpu.memory_space<vmem>>) semaphore(%arg15 : memref<!tpu.dma_semaphore, #tpu.memory_space<semaphore_mem>>)
      } else {
      }
      %add3A_185 = arith.constant 2 : i32
      %add3A_186 = arith.addi %mul3A_89, %add3A_185 : i32
      %dma_wait3A_187 = arith.constant 0 : i32
      %dma_wait3A_188 = tpu.memref_slice %arg8[%add3A_186, %dma_wait3A_187] : memref<80x128xi32, #tpu.memory_space<vmem>> -> memref<1x128xi32, #tpu.memory_space<vmem>>
      %dma_wait3A_189 = tpu.memref_squeeze %dma_wait3A_188 : memref<1x128xi32, #tpu.memory_space<vmem>> -> memref<128xi32, #tpu.memory_space<vmem>>
      %dma_wait3A_190 = arith.constant 0 : i32
      %dma_wait3A_191 = arith.constant 0 : i32
      %dma_wait3A_192 = tpu.memref_slice %arg13[%dma_wait3A_190, %dma_wait3A_191] : memref<10240x128xbf16, #tpu.memory_space<vmem_shared>> -> memref<10240x128xbf16, #tpu.memory_space<vmem_shared>>
      tpu.wait_indirect_dma semaphore(%arg20 : memref<!tpu.dma_semaphore, #tpu.memory_space<semaphore_mem>>) src(%arg11 : memref<128x128xbf16, #tpu.memory_space<vmem>>) dst(%dma_wait3A_192 : memref<10240x128xbf16, #tpu.memory_space<vmem_shared>>)
      %add3A_193 = arith.constant 2 : i32
      %add3A_194 = arith.addi %mul3A_89, %add3A_193 : i32
      %add3A_195 = arith.constant 4 : i32
      %add3A_196 = arith.addi %add3A_194, %add3A_195 : i32
      %lt3A_197 = arith.constant 80 : i32
      %lt3A_198 = arith.cmpi slt, %add3A_196, %lt3A_197 : i32
      %convert_element_type3A_199 = arith.extui %lt3A_198 : i1 to i32
      %cond3A_200 = arith.constant 0 : i32
      %cond3A_201 = arith.cmpi ne, %convert_element_type3A_199, %cond3A_200 : i32
      scf.if %cond3A_201 {
        %add3A_219 = arith.constant 2 : i32
        %add3A_220 = arith.addi %mul3A_89, %add3A_219 : i32
        %add3A_221 = arith.constant 4 : i32
        %add3A_222 = arith.addi %add3A_220, %add3A_221 : i32
        %dma_start3A_223 = arith.constant 0 : i32
        %dma_start3A_224 = tpu.memref_slice %arg7[%add3A_222, %dma_start3A_223] : memref<80x128xi32, #tpu.memory_space<vmem>> -> memref<1x128xi32, #tpu.memory_space<vmem>>
        %dma_start3A_225 = tpu.memref_squeeze %dma_start3A_224 : memref<1x128xi32, #tpu.memory_space<vmem>> -> memref<128xi32, #tpu.memory_space<vmem>>
        %dma_start3A_226 = arith.constant 0 : i32
        %dma_start3A_227 = arith.constant 0 : i32
        %dma_start3A_228 = tpu.memref_slice %arg4[%dma_start3A_226, %dma_start3A_227] : memref<10240x128xbf16, #tpu.memory_space<hbm>> -> memref<10240x128xbf16, #tpu.memory_space<hbm>>
        tpu.enqueue_indirect_dma source(%dma_start3A_228 : memref<10240x128xbf16, #tpu.memory_space<hbm>>) target(%arg11 : memref<128x128xbf16, #tpu.memory_space<vmem>>) offsets(%dma_start3A_225 : memref<128xi32, #tpu.memory_space<vmem>>) semaphore(%arg16 : memref<!tpu.dma_semaphore, #tpu.memory_space<semaphore_mem>>)
      } else {
      }
      %add3A_202 = arith.constant 3 : i32
      %add3A_203 = arith.addi %mul3A_89, %add3A_202 : i32
      %dma_wait3A_204 = arith.constant 0 : i32
      %dma_wait3A_205 = tpu.memref_slice %arg8[%add3A_203, %dma_wait3A_204] : memref<80x128xi32, #tpu.memory_space<vmem>> -> memref<1x128xi32, #tpu.memory_space<vmem>>
      %dma_wait3A_206 = tpu.memref_squeeze %dma_wait3A_205 : memref<1x128xi32, #tpu.memory_space<vmem>> -> memref<128xi32, #tpu.memory_space<vmem>>
      %dma_wait3A_207 = arith.constant 0 : i32
      %dma_wait3A_208 = arith.constant 0 : i32
      %dma_wait3A_209 = tpu.memref_slice %arg13[%dma_wait3A_207, %dma_wait3A_208] : memref<10240x128xbf16, #tpu.memory_space<vmem_shared>> -> memref<10240x128xbf16, #tpu.memory_space<vmem_shared>>
      tpu.wait_indirect_dma semaphore(%arg21 : memref<!tpu.dma_semaphore, #tpu.memory_space<semaphore_mem>>) src(%arg12 : memref<128x128xbf16, #tpu.memory_space<vmem>>) dst(%dma_wait3A_209 : memref<10240x128xbf16, #tpu.memory_space<vmem_shared>>)
      %add3A_210 = arith.constant 3 : i32
      %add3A_211 = arith.addi %mul3A_89, %add3A_210 : i32
      %add3A_212 = arith.constant 4 : i32
      %add3A_213 = arith.addi %add3A_211, %add3A_212 : i32
      %lt3A_214 = arith.constant 80 : i32
      %lt3A_215 = arith.cmpi slt, %add3A_213, %lt3A_214 : i32
      %convert_element_type3A_216 = arith.extui %lt3A_215 : i1 to i32
      %cond3A_217 = arith.constant 0 : i32
      %cond3A_218 = arith.cmpi ne, %convert_element_type3A_216, %cond3A_217 : i32
      scf.if %cond3A_218 {
        %add3A_219 = arith.constant 3 : i32
        %add3A_220 = arith.addi %mul3A_89, %add3A_219 : i32
        %add3A_221 = arith.constant 4 : i32
        %add3A_222 = arith.addi %add3A_220, %add3A_221 : i32
        %dma_start3A_223 = arith.constant 0 : i32
        %dma_start3A_224 = tpu.memref_slice %arg7[%add3A_222, %dma_start3A_223] : memref<80x128xi32, #tpu.memory_space<vmem>> -> memref<1x128xi32, #tpu.memory_space<vmem>>
        %dma_start3A_225 = tpu.memref_squeeze %dma_start3A_224 : memref<1x128xi32, #tpu.memory_space<vmem>> -> memref<128xi32, #tpu.memory_space<vmem>>
        %dma_start3A_226 = arith.constant 0 : i32
        %dma_start3A_227 = arith.constant 0 : i32
        %dma_start3A_228 = tpu.memref_slice %arg4[%dma_start3A_226, %dma_start3A_227] : memref<10240x128xbf16, #tpu.memory_space<hbm>> -> memref<10240x128xbf16, #tpu.memory_space<hbm>>
        tpu.enqueue_indirect_dma source(%dma_start3A_228 : memref<10240x128xbf16, #tpu.memory_space<hbm>>) target(%arg12 : memref<128x128xbf16, #tpu.memory_space<vmem>>) offsets(%dma_start3A_225 : memref<128xi32, #tpu.memory_space<vmem>>) semaphore(%arg17 : memref<!tpu.dma_semaphore, #tpu.memory_space<semaphore_mem>>)
      } else {
      }
    }
    %scan3A_75 = arith.constant 20 : i32
    %barrier3A_76 = arith.constant 0 : index
    tpu.barrier barrier_id(%barrier3A_76)
    %add3A_77 = arith.constant 0 : i32
    %add3A_78 = arith.addi %mul3A_2, %add3A_77 : i32
    "tpu.region"() ({
      %run_scoped3A = tpu.sem_alloc : memref<!tpu.dma_semaphore, #tpu.memory_space<semaphore_mem>>
      %dma_start3A_87 = arith.constant 0 : i32
      %dma_start3A_88 = tpu.memref_slice %arg13[%add3A_78, %dma_start3A_87] : memref<10240x128xbf16, #tpu.memory_space<vmem_shared>> -> memref<128x128xbf16, #tpu.memory_space<vmem_shared>>
      %dma_start3A_89 = arith.constant 0 : i32
      %dma_start3A_90 = tpu.memref_slice %arg13[%add3A_78, %dma_start3A_89] : memref<10240x128xbf16, #tpu.memory_space<vmem_shared>> -> memref<128x128xbf16, #tpu.memory_space<vmem_shared>>
      tpu.enqueue_dma source(%dma_start3A_90 : memref<128x128xbf16, #tpu.memory_space<vmem_shared>>) target(%arg9 : memref<128x128xbf16, #tpu.memory_space<vmem>>) target_semaphore(%run_scoped3A : memref<!tpu.dma_semaphore, #tpu.memory_space<semaphore_mem>>)
      %dma_wait3A_91 = arith.constant 0 : i32
      %dma_wait3A_92 = tpu.memref_slice %arg13[%add3A_78, %dma_wait3A_91] : memref<10240x128xbf16, #tpu.memory_space<vmem_shared>> -> memref<128x128xbf16, #tpu.memory_space<vmem_shared>>
      %dma_wait3A_93 = arith.constant 0 : i32
      %dma_wait3A_94 = tpu.memref_slice %arg13[%add3A_78, %dma_wait3A_93] : memref<10240x128xbf16, #tpu.memory_space<vmem_shared>> -> memref<128x128xbf16, #tpu.memory_space<vmem_shared>>
      tpu.wait_dma2 semaphore(%run_scoped3A : memref<!tpu.dma_semaphore, #tpu.memory_space<semaphore_mem>>) src(%dma_wait3A_94 : memref<128x128xbf16, #tpu.memory_space<vmem_shared>>) dst(%arg9 : memref<128x128xbf16, #tpu.memory_space<vmem>>)
      tpu.yield
    }) : () -> ()
    "tpu.region"() ({
      %run_scoped3A = tpu.sem_alloc : memref<!tpu.dma_semaphore, #tpu.memory_space<semaphore_mem>>
      %dma_start3A_87 = arith.constant 0 : i32
      %dma_start3A_88 = tpu.memref_slice %arg6[%arg0, %add3A_78, %dma_start3A_87] : memref<2x10240x128xbf16, #tpu.memory_space<hbm>> -> memref<1x128x128xbf16, #tpu.memory_space<hbm>>
      %dma_start3A_89 = tpu.memref_squeeze %dma_start3A_88 : memref<1x128x128xbf16, #tpu.memory_space<hbm>> -> memref<128x128xbf16, #tpu.memory_space<hbm>>
      %dma_start3A_90 = arith.constant 0 : i32
      %dma_start3A_91 = tpu.memref_slice %arg6[%arg0, %add3A_78, %dma_start3A_90] : memref<2x10240x128xbf16, #tpu.memory_space<hbm>> -> memref<1x128x128xbf16, #tpu.memory_space<hbm>>
      %dma_start3A_92 = tpu.memref_squeeze %dma_start3A_91 : memref<1x128x128xbf16, #tpu.memory_space<hbm>> -> memref<128x128xbf16, #tpu.memory_space<hbm>>
      tpu.enqueue_dma source(%arg9 : memref<128x128xbf16, #tpu.memory_space<vmem>>) target(%dma_start3A_92 : memref<128x128xbf16, #tpu.memory_space<hbm>>) target_semaphore(%run_scoped3A : memref<!tpu.dma_semaphore, #tpu.memory_space<semaphore_mem>>)
      %dma_wait3A_93 = arith.constant 0 : i32
      %dma_wait3A_94 = tpu.memref_slice %arg6[%arg0, %add3A_78, %dma_wait3A_93] : memref<2x10240x128xbf16, #tpu.memory_space<hbm>> -> memref<1x128x128xbf16, #tpu.memory_space<hbm>>
      %dma_wait3A_95 = tpu.memref_squeeze %dma_wait3A_94 : memref<1x128x128xbf16, #tpu.memory_space<hbm>> -> memref<128x128xbf16, #tpu.memory_space<hbm>>
      %dma_wait3A_96 = arith.constant 0 : i32
      %dma_wait3A_97 = tpu.memref_slice %arg6[%arg0, %add3A_78, %dma_wait3A_96] : memref<2x10240x128xbf16, #tpu.memory_space<hbm>> -> memref<1x128x128xbf16, #tpu.memory_space<hbm>>
      %dma_wait3A_98 = tpu.memref_squeeze %dma_wait3A_97 : memref<1x128x128xbf16, #tpu.memory_space<hbm>> -> memref<128x128xbf16, #tpu.memory_space<hbm>>
      tpu.wait_dma2 semaphore(%run_scoped3A : memref<!tpu.dma_semaphore, #tpu.memory_space<semaphore_mem>>) src(%arg9 : memref<128x128xbf16, #tpu.memory_space<vmem>>) dst(%dma_wait3A_98 : memref<128x128xbf16, #tpu.memory_space<hbm>>)
      tpu.yield
    }) : () -> ()
    %add3A_79 = arith.constant 128 : i32
    %add3A_80 = arith.addi %mul3A_2, %add3A_79 : i32
    "tpu.region"() ({
      %run_scoped3A = tpu.sem_alloc : memref<!tpu.dma_semaphore, #tpu.memory_space<semaphore_mem>>
      %dma_start3A_87 = arith.constant 0 : i32
      %dma_start3A_88 = tpu.memref_slice %arg13[%add3A_80, %dma_start3A_87] : memref<10240x128xbf16, #tpu.memory_space<vmem_shared>> -> memref<128x128xbf16, #tpu.memory_space<vmem_shared>>
      %dma_start3A_89 = arith.constant 0 : i32
      %dma_start3A_90 = tpu.memref_slice %arg13[%add3A_80, %dma_start3A_89] : memref<10240x128xbf16, #tpu.memory_space<vmem_shared>> -> memref<128x128xbf16, #tpu.memory_space<vmem_shared>>
      tpu.enqueue_dma source(%dma_start3A_90 : memref<128x128xbf16, #tpu.memory_space<vmem_shared>>) target(%arg9 : memref<128x128xbf16, #tpu.memory_space<vmem>>) target_semaphore(%run_scoped3A : memref<!tpu.dma_semaphore, #tpu.memory_space<semaphore_mem>>)
      %dma_wait3A_91 = arith.constant 0 : i32
      %dma_wait3A_92 = tpu.memref_slice %arg13[%add3A_80, %dma_wait3A_91] : memref<10240x128xbf16, #tpu.memory_space<vmem_shared>> -> memref<128x128xbf16, #tpu.memory_space<vmem_shared>>
      %dma_wait3A_93 = arith.constant 0 : i32
      %dma_wait3A_94 = tpu.memref_slice %arg13[%add3A_80, %dma_wait3A_93] : memref<10240x128xbf16, #tpu.memory_space<vmem_shared>> -> memref<128x128xbf16, #tpu.memory_space<vmem_shared>>
      tpu.wait_dma2 semaphore(%run_scoped3A : memref<!tpu.dma_semaphore, #tpu.memory_space<semaphore_mem>>) src(%dma_wait3A_94 : memref<128x128xbf16, #tpu.memory_space<vmem_shared>>) dst(%arg9 : memref<128x128xbf16, #tpu.memory_space<vmem>>)
      tpu.yield
    }) : () -> ()
    "tpu.region"() ({
      %run_scoped3A = tpu.sem_alloc : memref<!tpu.dma_semaphore, #tpu.memory_space<semaphore_mem>>
      %dma_start3A_87 = arith.constant 0 : i32
      %dma_start3A_88 = tpu.memref_slice %arg6[%arg0, %add3A_80, %dma_start3A_87] : memref<2x10240x128xbf16, #tpu.memory_space<hbm>> -> memref<1x128x128xbf16, #tpu.memory_space<hbm>>
      %dma_start3A_89 = tpu.memref_squeeze %dma_start3A_88 : memref<1x128x128xbf16, #tpu.memory_space<hbm>> -> memref<128x128xbf16, #tpu.memory_space<hbm>>
      %dma_start3A_90 = arith.constant 0 : i32
      %dma_start3A_91 = tpu.memref_slice %arg6[%arg0, %add3A_80, %dma_start3A_90] : memref<2x10240x128xbf16, #tpu.memory_space<hbm>> -> memref<1x128x128xbf16, #tpu.memory_space<hbm>>
      %dma_start3A_92 = tpu.memref_squeeze %dma_start3A_91 : memref<1x128x128xbf16, #tpu.memory_space<hbm>> -> memref<128x128xbf16, #tpu.memory_space<hbm>>
      tpu.enqueue_dma source(%arg9 : memref<128x128xbf16, #tpu.memory_space<vmem>>) target(%dma_start3A_92 : memref<128x128xbf16, #tpu.memory_space<hbm>>) target_semaphore(%run_scoped3A : memref<!tpu.dma_semaphore, #tpu.memory_space<semaphore_mem>>)
      %dma_wait3A_93 = arith.constant 0 : i32
      %dma_wait3A_94 = tpu.memref_slice %arg6[%arg0, %add3A_80, %dma_wait3A_93] : memref<2x10240x128xbf16, #tpu.memory_space<hbm>> -> memref<1x128x128xbf16, #tpu.memory_space<hbm>>
      %dma_wait3A_95 = tpu.memref_squeeze %dma_wait3A_94 : memref<1x128x128xbf16, #tpu.memory_space<hbm>> -> memref<128x128xbf16, #tpu.memory_space<hbm>>
      %dma_wait3A_96 = arith.constant 0 : i32
      %dma_wait3A_97 = tpu.memref_slice %arg6[%arg0, %add3A_80, %dma_wait3A_96] : memref<2x10240x128xbf16, #tpu.memory_space<hbm>> -> memref<1x128x128xbf16, #tpu.memory_space<hbm>>
      %dma_wait3A_98 = tpu.memref_squeeze %dma_wait3A_97 : memref<1x128x128xbf16, #tpu.memory_space<hbm>> -> memref<128x128xbf16, #tpu.memory_space<hbm>>
      tpu.wait_dma2 semaphore(%run_scoped3A : memref<!tpu.dma_semaphore, #tpu.memory_space<semaphore_mem>>) src(%arg9 : memref<128x128xbf16, #tpu.memory_space<vmem>>) dst(%dma_wait3A_98 : memref<128x128xbf16, #tpu.memory_space<hbm>>)
      tpu.yield
    }) : () -> ()
    %add3A_81 = arith.constant 256 : i32
    %add3A_82 = arith.addi %mul3A_2, %add3A_81 : i32
    "tpu.region"() ({
      %run_scoped3A = tpu.sem_alloc : memref<!tpu.dma_semaphore, #tpu.memory_space<semaphore_mem>>
      %dma_start3A_87 = arith.constant 0 : i32
      %dma_start3A_88 = tpu.memref_slice %arg13[%add3A_82, %dma_start3A_87] : memref<10240x128xbf16, #tpu.memory_space<vmem_shared>> -> memref<128x128xbf16, #tpu.memory_space<vmem_shared>>
      %dma_start3A_89 = arith.constant 0 : i32
      %dma_start3A_90 = tpu.memref_slice %arg13[%add3A_82, %dma_start3A_89] : memref<10240x128xbf16, #tpu.memory_space<vmem_shared>> -> memref<128x128xbf16, #tpu.memory_space<vmem_shared>>
      tpu.enqueue_dma source(%dma_start3A_90 : memref<128x128xbf16, #tpu.memory_space<vmem_shared>>) target(%arg9 : memref<128x128xbf16, #tpu.memory_space<vmem>>) target_semaphore(%run_scoped3A : memref<!tpu.dma_semaphore, #tpu.memory_space<semaphore_mem>>)
      %dma_wait3A_91 = arith.constant 0 : i32
      %dma_wait3A_92 = tpu.memref_slice %arg13[%add3A_82, %dma_wait3A_91] : memref<10240x128xbf16, #tpu.memory_space<vmem_shared>> -> memref<128x128xbf16, #tpu.memory_space<vmem_shared>>
      %dma_wait3A_93 = arith.constant 0 : i32
      %dma_wait3A_94 = tpu.memref_slice %arg13[%add3A_82, %dma_wait3A_93] : memref<10240x128xbf16, #tpu.memory_space<vmem_shared>> -> memref<128x128xbf16, #tpu.memory_space<vmem_shared>>
      tpu.wait_dma2 semaphore(%run_scoped3A : memref<!tpu.dma_semaphore, #tpu.memory_space<semaphore_mem>>) src(%dma_wait3A_94 : memref<128x128xbf16, #tpu.memory_space<vmem_shared>>) dst(%arg9 : memref<128x128xbf16, #tpu.memory_space<vmem>>)
      tpu.yield
    }) : () -> ()
    "tpu.region"() ({
      %run_scoped3A = tpu.sem_alloc : memref<!tpu.dma_semaphore, #tpu.memory_space<semaphore_mem>>
      %dma_start3A_87 = arith.constant 0 : i32
      %dma_start3A_88 = tpu.memref_slice %arg6[%arg0, %add3A_82, %dma_start3A_87] : memref<2x10240x128xbf16, #tpu.memory_space<hbm>> -> memref<1x128x128xbf16, #tpu.memory_space<hbm>>
      %dma_start3A_89 = tpu.memref_squeeze %dma_start3A_88 : memref<1x128x128xbf16, #tpu.memory_space<hbm>> -> memref<128x128xbf16, #tpu.memory_space<hbm>>
      %dma_start3A_90 = arith.constant 0 : i32
      %dma_start3A_91 = tpu.memref_slice %arg6[%arg0, %add3A_82, %dma_start3A_90] : memref<2x10240x128xbf16, #tpu.memory_space<hbm>> -> memref<1x128x128xbf16, #tpu.memory_space<hbm>>
      %dma_start3A_92 = tpu.memref_squeeze %dma_start3A_91 : memref<1x128x128xbf16, #tpu.memory_space<hbm>> -> memref<128x128xbf16, #tpu.memory_space<hbm>>
      tpu.enqueue_dma source(%arg9 : memref<128x128xbf16, #tpu.memory_space<vmem>>) target(%dma_start3A_92 : memref<128x128xbf16, #tpu.memory_space<hbm>>) target_semaphore(%run_scoped3A : memref<!tpu.dma_semaphore, #tpu.memory_space<semaphore_mem>>)
      %dma_wait3A_93 = arith.constant 0 : i32
      %dma_wait3A_94 = tpu.memref_slice %arg6[%arg0, %add3A_82, %dma_wait3A_93] : memref<2x10240x128xbf16, #tpu.memory_space<hbm>> -> memref<1x128x128xbf16, #tpu.memory_space<hbm>>
      %dma_wait3A_95 = tpu.memref_squeeze %dma_wait3A_94 : memref<1x128x128xbf16, #tpu.memory_space<hbm>> -> memref<128x128xbf16, #tpu.memory_space<hbm>>
      %dma_wait3A_96 = arith.constant 0 : i32
      %dma_wait3A_97 = tpu.memref_slice %arg6[%arg0, %add3A_82, %dma_wait3A_96] : memref<2x10240x128xbf16, #tpu.memory_space<hbm>> -> memref<1x128x128xbf16, #tpu.memory_space<hbm>>
      %dma_wait3A_98 = tpu.memref_squeeze %dma_wait3A_97 : memref<1x128x128xbf16, #tpu.memory_space<hbm>> -> memref<128x128xbf16, #tpu.memory_space<hbm>>
      tpu.wait_dma2 semaphore(%run_scoped3A : memref<!tpu.dma_semaphore, #tpu.memory_space<semaphore_mem>>) src(%arg9 : memref<128x128xbf16, #tpu.memory_space<vmem>>) dst(%dma_wait3A_98 : memref<128x128xbf16, #tpu.memory_space<hbm>>)
      tpu.yield
    }) : () -> ()
    %add3A_83 = arith.constant 384 : i32
    %add3A_84 = arith.addi %mul3A_2, %add3A_83 : i32
    "tpu.region"() ({
      %run_scoped3A = tpu.sem_alloc : memref<!tpu.dma_semaphore, #tpu.memory_space<semaphore_mem>>
      %dma_start3A_87 = arith.constant 0 : i32
      %dma_start3A_88 = tpu.memref_slice %arg13[%add3A_84, %dma_start3A_87] : memref<10240x128xbf16, #tpu.memory_space<vmem_shared>> -> memref<128x128xbf16, #tpu.memory_space<vmem_shared>>
      %dma_start3A_89 = arith.constant 0 : i32
      %dma_start3A_90 = tpu.memref_slice %arg13[%add3A_84, %dma_start3A_89] : memref<10240x128xbf16, #tpu.memory_space<vmem_shared>> -> memref<128x128xbf16, #tpu.memory_space<vmem_shared>>
      tpu.enqueue_dma source(%dma_start3A_90 : memref<128x128xbf16, #tpu.memory_space<vmem_shared>>) target(%arg9 : memref<128x128xbf16, #tpu.memory_space<vmem>>) target_semaphore(%run_scoped3A : memref<!tpu.dma_semaphore, #tpu.memory_space<semaphore_mem>>)
      %dma_wait3A_91 = arith.constant 0 : i32
      %dma_wait3A_92 = tpu.memref_slice %arg13[%add3A_84, %dma_wait3A_91] : memref<10240x128xbf16, #tpu.memory_space<vmem_shared>> -> memref<128x128xbf16, #tpu.memory_space<vmem_shared>>
      %dma_wait3A_93 = arith.constant 0 : i32
      %dma_wait3A_94 = tpu.memref_slice %arg13[%add3A_84, %dma_wait3A_93] : memref<10240x128xbf16, #tpu.memory_space<vmem_shared>> -> memref<128x128xbf16, #tpu.memory_space<vmem_shared>>
      tpu.wait_dma2 semaphore(%run_scoped3A : memref<!tpu.dma_semaphore, #tpu.memory_space<semaphore_mem>>) src(%dma_wait3A_94 : memref<128x128xbf16, #tpu.memory_space<vmem_shared>>) dst(%arg9 : memref<128x128xbf16, #tpu.memory_space<vmem>>)
      tpu.yield
    }) : () -> ()
    "tpu.region"() ({
      %run_scoped3A = tpu.sem_alloc : memref<!tpu.dma_semaphore, #tpu.memory_space<semaphore_mem>>
      %dma_start3A_87 = arith.constant 0 : i32
      %dma_start3A_88 = tpu.memref_slice %arg6[%arg0, %add3A_84, %dma_start3A_87] : memref<2x10240x128xbf16, #tpu.memory_space<hbm>> -> memref<1x128x128xbf16, #tpu.memory_space<hbm>>
      %dma_start3A_89 = tpu.memref_squeeze %dma_start3A_88 : memref<1x128x128xbf16, #tpu.memory_space<hbm>> -> memref<128x128xbf16, #tpu.memory_space<hbm>>
      %dma_start3A_90 = arith.constant 0 : i32
      %dma_start3A_91 = tpu.memref_slice %arg6[%arg0, %add3A_84, %dma_start3A_90] : memref<2x10240x128xbf16, #tpu.memory_space<hbm>> -> memref<1x128x128xbf16, #tpu.memory_space<hbm>>
      %dma_start3A_92 = tpu.memref_squeeze %dma_start3A_91 : memref<1x128x128xbf16, #tpu.memory_space<hbm>> -> memref<128x128xbf16, #tpu.memory_space<hbm>>
      tpu.enqueue_dma source(%arg9 : memref<128x128xbf16, #tpu.memory_space<vmem>>) target(%dma_start3A_92 : memref<128x128xbf16, #tpu.memory_space<hbm>>) target_semaphore(%run_scoped3A : memref<!tpu.dma_semaphore, #tpu.memory_space<semaphore_mem>>)
      %dma_wait3A_93 = arith.constant 0 : i32
      %dma_wait3A_94 = tpu.memref_slice %arg6[%arg0, %add3A_84, %dma_wait3A_93] : memref<2x10240x128xbf16, #tpu.memory_space<hbm>> -> memref<1x128x128xbf16, #tpu.memory_space<hbm>>
      %dma_wait3A_95 = tpu.memref_squeeze %dma_wait3A_94 : memref<1x128x128xbf16, #tpu.memory_space<hbm>> -> memref<128x128xbf16, #tpu.memory_space<hbm>>
      %dma_wait3A_96 = arith.constant 0 : i32
      %dma_wait3A_97 = tpu.memref_slice %arg6[%arg0, %add3A_84, %dma_wait3A_96] : memref<2x10240x128xbf16, #tpu.memory_space<hbm>> -> memref<1x128x128xbf16, #tpu.memory_space<hbm>>
      %dma_wait3A_98 = tpu.memref_squeeze %dma_wait3A_97 : memref<1x128x128xbf16, #tpu.memory_space<hbm>> -> memref<128x128xbf16, #tpu.memory_space<hbm>>
      tpu.wait_dma2 semaphore(%run_scoped3A : memref<!tpu.dma_semaphore, #tpu.memory_space<semaphore_mem>>) src(%arg9 : memref<128x128xbf16, #tpu.memory_space<vmem>>) dst(%dma_wait3A_98 : memref<128x128xbf16, #tpu.memory_space<hbm>>)
      tpu.yield
    }) : () -> ()
    %add3A_85 = arith.constant 512 : i32
    %add3A_86 = arith.addi %mul3A_2, %add3A_85 : i32
    "tpu.region"() ({
      %run_scoped3A = tpu.sem_alloc : memref<!tpu.dma_semaphore, #tpu.memory_space<semaphore_mem>>
      %dma_start3A_87 = arith.constant 0 : i32
      %dma_start3A_88 = tpu.memref_slice %arg13[%add3A_86, %dma_start3A_87] : memref<10240x128xbf16, #tpu.memory_space<vmem_shared>> -> memref<128x128xbf16, #tpu.memory_space<vmem_shared>>
      %dma_start3A_89 = arith.constant 0 : i32
      %dma_start3A_90 = tpu.memref_slice %arg13[%add3A_86, %dma_start3A_89] : memref<10240x128xbf16, #tpu.memory_space<vmem_shared>> -> memref<128x128xbf16, #tpu.memory_space<vmem_shared>>
      tpu.enqueue_dma source(%dma_start3A_90 : memref<128x128xbf16, #tpu.memory_space<vmem_shared>>) target(%arg9 : memref<128x128xbf16, #tpu.memory_space<vmem>>) target_semaphore(%run_scoped3A : memref<!tpu.dma_semaphore, #tpu.memory_space<semaphore_mem>>)
      %dma_wait3A_91 = arith.constant 0 : i32
      %dma_wait3A_92 = tpu.memref_slice %arg13[%add3A_86, %dma_wait3A_91] : memref<10240x128xbf16, #tpu.memory_space<vmem_shared>> -> memref<128x128xbf16, #tpu.memory_space<vmem_shared>>
      %dma_wait3A_93 = arith.constant 0 : i32
      %dma_wait3A_94 = tpu.memref_slice %arg13[%add3A_86, %dma_wait3A_93] : memref<10240x128xbf16, #tpu.memory_space<vmem_shared>> -> memref<128x128xbf16, #tpu.memory_space<vmem_shared>>
      tpu.wait_dma2 semaphore(%run_scoped3A : memref<!tpu.dma_semaphore, #tpu.memory_space<semaphore_mem>>) src(%dma_wait3A_94 : memref<128x128xbf16, #tpu.memory_space<vmem_shared>>) dst(%arg9 : memref<128x128xbf16, #tpu.memory_space<vmem>>)
      tpu.yield
    }) : () -> ()
    "tpu.region"() ({
      %run_scoped3A = tpu.sem_alloc : memref<!tpu.dma_semaphore, #tpu.memory_space<semaphore_mem>>
      %dma_start3A_87 = arith.constant 0 : i32
      %dma_start3A_88 = tpu.memref_slice %arg6[%arg0, %add3A_86, %dma_start3A_87] : memref<2x10240x128xbf16, #tpu.memory_space<hbm>> -> memref<1x128x128xbf16, #tpu.memory_space<hbm>>
      %dma_start3A_89 = tpu.memref_squeeze %dma_start3A_88 : memref<1x128x128xbf16, #tpu.memory_space<hbm>> -> memref<128x128xbf16, #tpu.memory_space<hbm>>
      %dma_start3A_90 = arith.constant 0 : i32
      %dma_start3A_91 = tpu.memref_slice %arg6[%arg0, %add3A_86, %dma_start3A_90] : memref<2x10240x128xbf16, #tpu.memory_space<hbm>> -> memref<1x128x128xbf16, #tpu.memory_space<hbm>>
      %dma_start3A_92 = tpu.memref_squeeze %dma_start3A_91 : memref<1x128x128xbf16, #tpu.memory_space<hbm>> -> memref<128x128xbf16, #tpu.memory_space<hbm>>
      tpu.enqueue_dma source(%arg9 : memref<128x128xbf16, #tpu.memory_space<vmem>>) target(%dma_start3A_92 : memref<128x128xbf16, #tpu.memory_space<hbm>>) target_semaphore(%run_scoped3A : memref<!tpu.dma_semaphore, #tpu.memory_space<semaphore_mem>>)
      %dma_wait3A_93 = arith.constant 0 : i32
      %dma_wait3A_94 = tpu.memref_slice %arg6[%arg0, %add3A_86, %dma_wait3A_93] : memref<2x10240x128xbf16, #tpu.memory_space<hbm>> -> memref<1x128x128xbf16, #tpu.memory_space<hbm>>
      %dma_wait3A_95 = tpu.memref_squeeze %dma_wait3A_94 : memref<1x128x128xbf16, #tpu.memory_space<hbm>> -> memref<128x128xbf16, #tpu.memory_space<hbm>>
      %dma_wait3A_96 = arith.constant 0 : i32
      %dma_wait3A_97 = tpu.memref_slice %arg6[%arg0, %add3A_86, %dma_wait3A_96] : memref<2x10240x128xbf16, #tpu.memory_space<hbm>> -> memref<1x128x128xbf16, #tpu.memory_space<hbm>>
      %dma_wait3A_98 = tpu.memref_squeeze %dma_wait3A_97 : memref<1x128x128xbf16, #tpu.memory_space<hbm>> -> memref<128x128xbf16, #tpu.memory_space<hbm>>
      tpu.wait_dma2 semaphore(%run_scoped3A : memref<!tpu.dma_semaphore, #tpu.memory_space<semaphore_mem>>) src(%arg9 : memref<128x128xbf16, #tpu.memory_space<vmem>>) dst(%dma_wait3A_98 : memref<128x128xbf16, #tpu.memory_space<hbm>>)
      tpu.yield
    }) : () -> ()
    return
  }
}

module attributes {stable_mosaic.version = 14 : i64} {
  func.func @_tc_b_body(%arg0: i32, %arg1: memref<2x1024x32xbf16, #tpu.memory_space<vmem>>, %arg2: memref<1024x128xf32, #tpu.memory_space<vmem>>, %arg3: memref<256x128xf32, #tpu.memory_space<vmem>>, %arg4: memref<16x128xf32, #tpu.memory_space<vmem>>, %arg5: memref<8x128xf32, #tpu.memory_space<vmem>>, %arg6: memref<1024x128xbf16, #tpu.memory_space<vmem>>) attributes {dimension_semantics = [#tpu.dimension_semantics<arbitrary>], iteration_bounds = array<i64: 10>, scalar_prefetch = 0 : i64, scratch_operands = 0 : i64, tpu.core_type = #tpu.core_type<tc>, window_params = [{transform_indices = @transform_0, window_bounds = array<i64: 2, 1024, 32>}, {transform_indices = @transform_1, window_bounds = array<i64: 1024, 128>}, {pipeline_mode = #tpu.pipeline_mode<synchronous>, transform_indices = @transform_2, window_bounds = array<i64: 256, 128>}, {pipeline_mode = #tpu.pipeline_mode<synchronous>, transform_indices = @transform_3, window_bounds = array<i64: 16, 128>}, {pipeline_mode = #tpu.pipeline_mode<synchronous>, transform_indices = @transform_4, window_bounds = array<i64: 8, 128>}, {transform_indices = @transform_5, window_bounds = array<i64: 1024, 128>}]} {
    %get3A = arith.constant 0 : index
    %get3A_0 = arith.constant 0 : index
    %get3A_1 = arith.constant 0 : index
    %get3A_2 = vector.load %arg1[%get3A, %get3A_0, %get3A_1] : memref<2x1024x32xbf16, #tpu.memory_space<vmem>>, vector<1x1024x32xbf16>
    %get3A_3 = vector.shape_cast %get3A_2 : vector<1x1024x32xbf16> to vector<1024x32xbf16>
    %convert_element_type3A = arith.extf %get3A_3 : vector<1024x32xbf16> to vector<1024x32xf32>
    %get3A_4 = arith.constant 1 : index
    %get3A_5 = arith.constant 0 : index
    %get3A_6 = arith.constant 0 : index
    %get3A_7 = vector.load %arg1[%get3A_4, %get3A_5, %get3A_6] : memref<2x1024x32xbf16, #tpu.memory_space<vmem>>, vector<1x1024x32xbf16>
    %get3A_8 = vector.shape_cast %get3A_7 : vector<1x1024x32xbf16> to vector<1024x32xbf16>
    %convert_element_type3A_9 = arith.extf %get3A_8 : vector<1024x32xbf16> to vector<1024x32xf32>
    %add3A = arith.addf %convert_element_type3A, %convert_element_type3A_9 : vector<1024x32xf32>
    %slice3A = vector.extract_strided_slice %add3A {offsets = [0, 16], sizes = [1024, 1], strides = [1, 1]} : vector<1024x32xf32> to vector<1024x1xf32>
    %max3A = arith.constant 1.000000e+00 : f32
    %max3A_10 = vector.broadcast %max3A : f32 to vector<1024x1xf32>
    %max3A_11 = arith.maximumf %slice3A, %max3A_10 : vector<1024x1xf32>
    %div3A = arith.constant 1.000000e+00 : f32
    %div3A_12 = vector.broadcast %div3A : f32 to vector<1024x1xf32>
    %div3A_13 = arith.divf %div3A_12, %max3A_11 : vector<1024x1xf32>
    %slice3A_14 = vector.extract_strided_slice %add3A {offsets = [0, 0], sizes = [1024, 16], strides = [1, 1]} : vector<1024x32xf32> to vector<1024x16xf32>
    %mul3A = vector.broadcast %div3A_13 : vector<1024x1xf32> to vector<1024x16xf32>
    %mul3A_15 = arith.mulf %slice3A_14, %mul3A : vector<1024x16xf32>
    %get3A_16 = arith.constant 0 : index
    %get3A_17 = arith.constant 0 : index
    %get3A_18 = vector.load %arg3[%get3A_16, %get3A_17] : memref<256x128xf32, #tpu.memory_space<vmem>>, vector<128x128xf32>
    %get3A_19 = arith.constant 128 : index
    %get3A_20 = arith.constant 0 : index
    %get3A_21 = vector.load %arg3[%get3A_19, %get3A_20] : memref<256x128xf32, #tpu.memory_space<vmem>>, vector<128x128xf32>
    %get3A_22 = arith.constant 0 : index
    %get3A_23 = arith.constant 0 : index
    %get3A_24 = vector.load %arg4[%get3A_22, %get3A_23] : memref<16x128xf32, #tpu.memory_space<vmem>>, vector<16x128xf32>
    %dot_general3A = arith.constant dense<0.000000e+00> : vector<16x128xf32>
    %dot_general3A_25 = tpu.matmul %get3A_24, %get3A_21, %dot_general3A {dimension_numbers = #tpu.dot_dimension_numbers<[1], [0], [0], [1], [0, 0, 1, 1], [], []>, transpose_lhs_hint = false} : vector<16x128xf32>, vector<128x128xf32>, vector<16x128xf32> -> vector<16x128xf32>
    %get3A_26 = arith.constant 0 : index
    %get3A_27 = arith.constant 0 : index
    %get3A_28 = vector.load %arg5[%get3A_26, %get3A_27] : memref<8x128xf32, #tpu.memory_space<vmem>>, vector<1x128xf32>
    %dot_general3A_29 = arith.constant dense<0.000000e+00> : vector<1x128xf32>
    %dot_general3A_30 = tpu.matmul %get3A_28, %get3A_21, %dot_general3A_29 {dimension_numbers = #tpu.dot_dimension_numbers<[1], [0], [0], [1], [0, 0, 1, 1], [], []>, transpose_lhs_hint = false} : vector<1x128xf32>, vector<128x128xf32>, vector<1x128xf32> -> vector<1x128xf32>
    %get3A_31 = arith.constant 0 : index
    %get3A_32 = arith.constant 0 : index
    %get3A_33 = vector.load %arg2[%get3A_31, %get3A_32] : memref<1024x128xf32, #tpu.memory_space<vmem>>, vector<1024x128xf32>
    %dot_general3A_34 = arith.constant dense<0.000000e+00> : vector<1024x128xf32>
    %dot_general3A_35 = tpu.matmul %get3A_33, %get3A_18, %dot_general3A_34 {dimension_numbers = #tpu.dot_dimension_numbers<[1], [0], [0], [1], [0, 0, 1, 1], [], []>, transpose_lhs_hint = false} : vector<1024x128xf32>, vector<128x128xf32>, vector<1024x128xf32> -> vector<1024x128xf32>
    %dot_general3A_36 = arith.constant dense<0.000000e+00> : vector<1024x128xf32>
    %dot_general3A_37 = tpu.matmul %mul3A_15, %dot_general3A_25, %dot_general3A_36 {dimension_numbers = #tpu.dot_dimension_numbers<[1], [0], [0], [1], [0, 0, 1, 1], [], []>, transpose_lhs_hint = false} : vector<1024x16xf32>, vector<16x128xf32>, vector<1024x128xf32> -> vector<1024x128xf32>
    %add3A_38 = arith.addf %dot_general3A_35, %dot_general3A_37 : vector<1024x128xf32>
    %add3A_39 = vector.broadcast %dot_general3A_30 : vector<1x128xf32> to vector<1024x128xf32>
    %add3A_40 = arith.addf %add3A_38, %add3A_39 : vector<1024x128xf32>
    %convert_element_type3A_41 = arith.truncf %add3A_40 : vector<1024x128xf32> to vector<1024x128xbf16>
    %swap3A = arith.constant 0 : index
    %swap3A_42 = arith.constant 0 : index
    %swap3A_43 = vector.load %arg6[%swap3A, %swap3A_42] : memref<1024x128xbf16, #tpu.memory_space<vmem>>, vector<1024x128xbf16>
    tpu.vector_store %arg6[%swap3A, %swap3A_42], %convert_element_type3A_41 {strides = array<i32>} : memref<1024x128xbf16, #tpu.memory_space<vmem>>, vector<1024x128xbf16>,
    return
  }
  func.func @transform_0(%arg0: i32) -> (i32, i32, i32) {
    %c0_i32 = arith.constant 0 : i32
    %c0_i32_0 = arith.constant 0 : i32
    %c0_i32_1 = arith.constant 0 : i32
    return %c0_i32, %arg0, %c0_i32_0 : i32, i32, i32
  }
  func.func @transform_1(%arg0: i32) -> (i32, i32) {
    %c0_i32 = arith.constant 0 : i32
    %c0_i32_0 = arith.constant 0 : i32
    return %arg0, %c0_i32 : i32, i32
  }
  func.func @transform_2(%arg0: i32) -> (i32, i32) {
    %c0_i32 = arith.constant 0 : i32
    %c0_i32_0 = arith.constant 0 : i32
    %c0_i32_1 = arith.constant 0 : i32
    return %c0_i32, %c0_i32_0 : i32, i32
  }
  func.func @transform_3(%arg0: i32) -> (i32, i32) {
    %c0_i32 = arith.constant 0 : i32
    %c0_i32_0 = arith.constant 0 : i32
    %c0_i32_1 = arith.constant 0 : i32
    return %c0_i32, %c0_i32_0 : i32, i32
  }
  func.func @transform_4(%arg0: i32) -> (i32, i32) {
    %c0_i32 = arith.constant 0 : i32
    %c0_i32_0 = arith.constant 0 : i32
    %c0_i32_1 = arith.constant 0 : i32
    return %c0_i32, %c0_i32_0 : i32, i32
  }
  func.func @transform_5(%arg0: i32) -> (i32, i32) {
    %c0_i32 = arith.constant 0 : i32
    %c0_i32_0 = arith.constant 0 : i32
    return %arg0, %c0_i32 : i32, i32
  }
}

module attributes {stable_mosaic.version = 14 : i64} {
  func.func @_tc_d_body(%arg0: i32, %arg1: memref<2x1024x128xbf16, #tpu.memory_space<vmem>>, %arg2: memref<2x1024x32xbf16, #tpu.memory_space<vmem>>, %arg3: memref<128x128xf32, #tpu.memory_space<vmem>>, %arg4: memref<128x128xf32, #tpu.memory_space<vmem>>, %arg5: memref<1024x128xbf16, #tpu.memory_space<vmem>>) attributes {dimension_semantics = [#tpu.dimension_semantics<arbitrary>], iteration_bounds = array<i64: 10>, scalar_prefetch = 0 : i64, scratch_operands = 0 : i64, tpu.core_type = #tpu.core_type<tc>, window_params = [{transform_indices = @transform_0, window_bounds = array<i64: 2, 1024, 128>}, {transform_indices = @transform_1, window_bounds = array<i64: 2, 1024, 32>}, {pipeline_mode = #tpu.pipeline_mode<synchronous>, transform_indices = @transform_2, window_bounds = array<i64: 128, 128>}, {pipeline_mode = #tpu.pipeline_mode<synchronous>, transform_indices = @transform_3, window_bounds = array<i64: 128, 128>}, {transform_indices = @transform_4, window_bounds = array<i64: 1024, 128>}]} {
    %get3A = arith.constant 0 : index
    %get3A_0 = arith.constant 0 : index
    %get3A_1 = arith.constant 0 : index
    %get3A_2 = vector.load %arg1[%get3A, %get3A_0, %get3A_1] : memref<2x1024x128xbf16, #tpu.memory_space<vmem>>, vector<1x1024x128xbf16>
    %get3A_3 = vector.shape_cast %get3A_2 : vector<1x1024x128xbf16> to vector<1024x128xbf16>
    %convert_element_type3A = arith.extf %get3A_3 : vector<1024x128xbf16> to vector<1024x128xf32>
    %get3A_4 = arith.constant 1 : index
    %get3A_5 = arith.constant 0 : index
    %get3A_6 = arith.constant 0 : index
    %get3A_7 = vector.load %arg1[%get3A_4, %get3A_5, %get3A_6] : memref<2x1024x128xbf16, #tpu.memory_space<vmem>>, vector<1x1024x128xbf16>
    %get3A_8 = vector.shape_cast %get3A_7 : vector<1x1024x128xbf16> to vector<1024x128xbf16>
    %convert_element_type3A_9 = arith.extf %get3A_8 : vector<1024x128xbf16> to vector<1024x128xf32>
    %add3A = arith.addf %convert_element_type3A, %convert_element_type3A_9 : vector<1024x128xf32>
    %get3A_10 = arith.constant 0 : index
    %get3A_11 = arith.constant 0 : index
    %get3A_12 = arith.constant 16 : index
    %get3A_13 = vector.load %arg2[%get3A_10, %get3A_11, %get3A_12] : memref<2x1024x32xbf16, #tpu.memory_space<vmem>>, vector<1x1024x1xbf16>
    %get3A_14 = vector.shape_cast %get3A_13 : vector<1x1024x1xbf16> to vector<1024x1xbf16>
    %convert_element_type3A_15 = arith.extf %get3A_14 : vector<1024x1xbf16> to vector<1024x1xf32>
    %get3A_16 = arith.constant 1 : index
    %get3A_17 = arith.constant 0 : index
    %get3A_18 = arith.constant 16 : index
    %get3A_19 = vector.load %arg2[%get3A_16, %get3A_17, %get3A_18] : memref<2x1024x32xbf16, #tpu.memory_space<vmem>>, vector<1x1024x1xbf16>
    %get3A_20 = vector.shape_cast %get3A_19 : vector<1x1024x1xbf16> to vector<1024x1xbf16>
    %convert_element_type3A_21 = arith.extf %get3A_20 : vector<1024x1xbf16> to vector<1024x1xf32>
    %add3A_22 = arith.addf %convert_element_type3A_15, %convert_element_type3A_21 : vector<1024x1xf32>
    %max3A = arith.constant 1.000000e+00 : f32
    %max3A_23 = vector.broadcast %max3A : f32 to vector<1024x1xf32>
    %max3A_24 = arith.maximumf %add3A_22, %max3A_23 : vector<1024x1xf32>
    %div3A = arith.constant 1.000000e+00 : f32
    %div3A_25 = vector.broadcast %div3A : f32 to vector<1024x1xf32>
    %div3A_26 = arith.divf %div3A_25, %max3A_24 : vector<1024x1xf32>
    %mul3A = vector.broadcast %div3A_26 : vector<1024x1xf32> to vector<1024x128xf32>
    %mul3A_27 = arith.mulf %add3A, %mul3A : vector<1024x128xf32>
    %max3A_28 = arith.constant 0.000000e+00 : f32
    %max3A_29 = vector.broadcast %max3A_28 : f32 to vector<1024x128xf32>
    %max3A_30 = arith.maximumf %mul3A_27, %max3A_29 : vector<1024x128xf32>
    %get3A_31 = arith.constant 0 : index
    %get3A_32 = arith.constant 0 : index
    %get3A_33 = vector.load %arg3[%get3A_31, %get3A_32] : memref<128x128xf32, #tpu.memory_space<vmem>>, vector<128x128xf32>
    %get3A_34 = arith.constant 0 : index
    %get3A_35 = arith.constant 0 : index
    %get3A_36 = vector.load %arg4[%get3A_34, %get3A_35] : memref<128x128xf32, #tpu.memory_space<vmem>>, vector<128x128xf32>
    %dot_general3A = arith.constant dense<0.000000e+00> : vector<128x128xf32>
    %dot_general3A_37 = tpu.matmul %get3A_33, %get3A_36, %dot_general3A {dimension_numbers = #tpu.dot_dimension_numbers<[1], [0], [0], [1], [0, 0, 1, 1], [], []>, transpose_lhs_hint = false} : vector<128x128xf32>, vector<128x128xf32>, vector<128x128xf32> -> vector<128x128xf32>
    %dot_general3A_38 = arith.constant dense<0.000000e+00> : vector<1024x128xf32>
    %dot_general3A_39 = tpu.matmul %max3A_30, %dot_general3A_37, %dot_general3A_38 {dimension_numbers = #tpu.dot_dimension_numbers<[1], [0], [0], [1], [0, 0, 1, 1], [], []>, transpose_lhs_hint = false} : vector<1024x128xf32>, vector<128x128xf32>, vector<1024x128xf32> -> vector<1024x128xf32>
    %convert_element_type3A_40 = arith.truncf %dot_general3A_39 : vector<1024x128xf32> to vector<1024x128xbf16>
    %swap3A = arith.constant 0 : index
    %swap3A_41 = arith.constant 0 : index
    %swap3A_42 = vector.load %arg5[%swap3A, %swap3A_41] : memref<1024x128xbf16, #tpu.memory_space<vmem>>, vector<1024x128xbf16>
    tpu.vector_store %arg5[%swap3A, %swap3A_41], %convert_element_type3A_40 {strides = array<i32>} : memref<1024x128xbf16, #tpu.memory_space<vmem>>, vector<1024x128xbf16>,
    return
  }
  func.func @transform_0(%arg0: i32) -> (i32, i32, i32) {
    %c0_i32 = arith.constant 0 : i32
    %c0_i32_0 = arith.constant 0 : i32
    %c0_i32_1 = arith.constant 0 : i32
    return %c0_i32, %arg0, %c0_i32_0 : i32, i32, i32
  }
  func.func @transform_1(%arg0: i32) -> (i32, i32, i32) {
    %c0_i32 = arith.constant 0 : i32
    %c0_i32_0 = arith.constant 0 : i32
    %c0_i32_1 = arith.constant 0 : i32
    return %c0_i32, %arg0, %c0_i32_0 : i32, i32, i32
  }
  func.func @transform_2(%arg0: i32) -> (i32, i32) {
    %c0_i32 = arith.constant 0 : i32
    %c0_i32_0 = arith.constant 0 : i32
    %c0_i32_1 = arith.constant 0 : i32
    return %c0_i32, %c0_i32_0 : i32, i32
  }
  func.func @transform_3(%arg0: i32) -> (i32, i32) {
    %c0_i32 = arith.constant 0 : i32
    %c0_i32_0 = arith.constant 0 : i32
    %c0_i32_1 = arith.constant 0 : i32
    return %c0_i32, %c0_i32_0 : i32, i32
  }
  func.func @transform_4(%arg0: i32) -> (i32, i32) {
    %c0_i32 = arith.constant 0 : i32
    %c0_i32_0 = arith.constant 0 : i32
    return %arg0, %c0_i32 : i32, i32
  }
}

module attributes {stable_mosaic.version = 14 : i64} {
  func.func @_tc_f_body(%arg0: i32, %arg1: memref<2x1024x128xbf16, #tpu.memory_space<vmem>>, %arg2: memref<2x1024x32xbf16, #tpu.memory_space<vmem>>, %arg3: memref<8x128xf32, #tpu.memory_space<vmem>>, %arg4: memref<1x128xf32, #tpu.memory_space<vmem>>) attributes {dimension_semantics = [#tpu.dimension_semantics<arbitrary>], iteration_bounds = array<i64: 10>, scalar_prefetch = 0 : i64, scratch_operands = 0 : i64, tpu.core_type = #tpu.core_type<tc>, window_params = [{transform_indices = @transform_0, window_bounds = array<i64: 2, 1024, 128>}, {transform_indices = @transform_1, window_bounds = array<i64: 2, 1024, 32>}, {pipeline_mode = #tpu.pipeline_mode<synchronous>, transform_indices = @transform_2, window_bounds = array<i64: 8, 128>}, {pipeline_mode = #tpu.pipeline_mode<synchronous>, transform_indices = @transform_3, window_bounds = array<i64: 1, 128>}]} {
    %get3A = arith.constant 0 : index
    %get3A_0 = arith.constant 0 : index
    %get3A_1 = arith.constant 0 : index
    %get3A_2 = vector.load %arg1[%get3A, %get3A_0, %get3A_1] : memref<2x1024x128xbf16, #tpu.memory_space<vmem>>, vector<1x1024x128xbf16>
    %get3A_3 = vector.shape_cast %get3A_2 : vector<1x1024x128xbf16> to vector<1024x128xbf16>
    %convert_element_type3A = arith.extf %get3A_3 : vector<1024x128xbf16> to vector<1024x128xf32>
    %get3A_4 = arith.constant 1 : index
    %get3A_5 = arith.constant 0 : index
    %get3A_6 = arith.constant 0 : index
    %get3A_7 = vector.load %arg1[%get3A_4, %get3A_5, %get3A_6] : memref<2x1024x128xbf16, #tpu.memory_space<vmem>>, vector<1x1024x128xbf16>
    %get3A_8 = vector.shape_cast %get3A_7 : vector<1x1024x128xbf16> to vector<1024x128xbf16>
    %convert_element_type3A_9 = arith.extf %get3A_8 : vector<1024x128xbf16> to vector<1024x128xf32>
    %add3A = arith.addf %convert_element_type3A, %convert_element_type3A_9 : vector<1024x128xf32>
    %get3A_10 = arith.constant 0 : index
    %get3A_11 = arith.constant 0 : index
    %get3A_12 = arith.constant 16 : index
    %get3A_13 = vector.load %arg2[%get3A_10, %get3A_11, %get3A_12] : memref<2x1024x32xbf16, #tpu.memory_space<vmem>>, vector<1x1024x1xbf16>
    %get3A_14 = vector.shape_cast %get3A_13 : vector<1x1024x1xbf16> to vector<1024x1xbf16>
    %convert_element_type3A_15 = arith.extf %get3A_14 : vector<1024x1xbf16> to vector<1024x1xf32>
    %get3A_16 = arith.constant 1 : index
    %get3A_17 = arith.constant 0 : index
    %get3A_18 = arith.constant 16 : index
    %get3A_19 = vector.load %arg2[%get3A_16, %get3A_17, %get3A_18] : memref<2x1024x32xbf16, #tpu.memory_space<vmem>>, vector<1x1024x1xbf16>
    %get3A_20 = vector.shape_cast %get3A_19 : vector<1x1024x1xbf16> to vector<1024x1xbf16>
    %convert_element_type3A_21 = arith.extf %get3A_20 : vector<1024x1xbf16> to vector<1024x1xf32>
    %add3A_22 = arith.addf %convert_element_type3A_15, %convert_element_type3A_21 : vector<1024x1xf32>
    %max3A = arith.constant 1.000000e+00 : f32
    %max3A_23 = vector.broadcast %max3A : f32 to vector<1024x1xf32>
    %max3A_24 = arith.maximumf %add3A_22, %max3A_23 : vector<1024x1xf32>
    %div3A = arith.constant 1.000000e+00 : f32
    %div3A_25 = vector.broadcast %div3A : f32 to vector<1024x1xf32>
    %div3A_26 = arith.divf %div3A_25, %max3A_24 : vector<1024x1xf32>
    %mul3A = vector.broadcast %div3A_26 : vector<1024x1xf32> to vector<1024x128xf32>
    %mul3A_27 = arith.mulf %add3A, %mul3A : vector<1024x128xf32>
    %get3A_28 = arith.constant 0 : index
    %get3A_29 = arith.constant 0 : index
    %get3A_30 = vector.load %arg3[%get3A_28, %get3A_29] : memref<8x128xf32, #tpu.memory_space<vmem>>, vector<1x128xf32>
    %add3A_31 = vector.broadcast %get3A_30 : vector<1x128xf32> to vector<1024x128xf32>
    %add3A_32 = arith.addf %mul3A_27, %add3A_31 : vector<1024x128xf32>
    %max3A_33 = arith.constant 0.000000e+00 : f32
    %max3A_34 = vector.broadcast %max3A_33 : f32 to vector<1024x128xf32>
    %max3A_35 = arith.maximumf %add3A_32, %max3A_34 : vector<1024x128xf32>
    %iota3A = tpu.iota {dimensions = array<i32: 0>} : vector<1024x1xi32>
    %mul3A_36 = arith.constant 1024 : i32
    %mul3A_37 = arith.muli %arg0, %mul3A_36 : i32
    %add3A_38 = vector.broadcast %mul3A_37 : i32 to vector<1024x1xi32>
    %add3A_39 = arith.addi %iota3A, %add3A_38 : vector<1024x1xi32>
    %lt3A = arith.constant 10000 : i32
    %lt3A_40 = vector.broadcast %lt3A : i32 to vector<1024x1xi32>
    %lt3A_41 = arith.cmpi slt, %add3A_39, %lt3A_40 : vector<1024x1xi32>
    %jit3A = arith.constant 0.000000e+00 : f32
    %broadcast_in_dim3A = vector.shape_cast %lt3A_41 : vector<1024x1xi1> to vector<1024x1xi1>
    %broadcast_in_dim3A_42 = vector.broadcast %broadcast_in_dim3A : vector<1024x1xi1> to vector<1024x128xi1>
    %broadcast_in_dim3A_43 = vector.broadcast %jit3A : f32 to vector<1024x128xf32>
    %select_n3A = arith.select %broadcast_in_dim3A_42, %max3A_35, %broadcast_in_dim3A_43 : vector<1024x128xi1>, vector<1024x128xf32>
    %reduce_sum3A = arith.constant dense<0.000000e+00> : vector<128xf32>
    %reduce_sum3A_44 = vector.multi_reduction <add>, %select_n3A, %reduce_sum3A [0] : vector<1024x128xf32> to vector<128xf32>
    %broadcast_in_dim3A_45 = vector.shape_cast %reduce_sum3A_44 : vector<128xf32> to vector<1x128xf32>
    %eq3A = arith.constant 0 : i32
    %eq3A_46 = arith.cmpi eq, %arg0, %eq3A : i32
    %convert_element_type3A_47 = arith.extui %eq3A_46 : i1 to i32
    %cond3A = arith.constant 0 : i32
    %cond3A_48 = arith.cmpi ne, %convert_element_type3A_47, %cond3A : i32
    scf.if %cond3A_48 {
      %broadcast_in_dim3A_60 = arith.constant 0.000000e+00 : f32
      %broadcast_in_dim3A_61 = vector.broadcast %broadcast_in_dim3A_60 : f32 to vector<1x128xf32>
      %swap3A_62 = arith.constant 0 : index
      %swap3A_63 = arith.constant 0 : index
      %swap3A_64 = vector.load %arg4[%swap3A_62, %swap3A_63] : memref<1x128xf32, #tpu.memory_space<vmem>>, vector<1x128xf32>
      tpu.vector_store %arg4[%swap3A_62, %swap3A_63], %broadcast_in_dim3A_61 {strides = array<i32>} : memref<1x128xf32, #tpu.memory_space<vmem>>, vector<1x128xf32>,
    } else {
    }
    %get3A_49 = arith.constant 0 : index
    %get3A_50 = arith.constant 0 : index
    %get3A_51 = vector.load %arg4[%get3A_49, %get3A_50] : memref<1x128xf32, #tpu.memory_space<vmem>>, vector<1x128xf32>
    %add3A_52 = arith.addf %get3A_51, %broadcast_in_dim3A_45 : vector<1x128xf32>
    %swap3A = arith.constant 0 : index
    %swap3A_53 = arith.constant 0 : index
    %swap3A_54 = vector.load %arg4[%swap3A, %swap3A_53] : memref<1x128xf32, #tpu.memory_space<vmem>>, vector<1x128xf32>
    tpu.vector_store %arg4[%swap3A, %swap3A_53], %add3A_52 {strides = array<i32>} : memref<1x128xf32, #tpu.memory_space<vmem>>, vector<1x128xf32>,
    %eq3A_55 = arith.constant 9 : i32
    %eq3A_56 = arith.cmpi eq, %arg0, %eq3A_55 : i32
    %convert_element_type3A_57 = arith.extui %eq3A_56 : i1 to i32
    %cond3A_58 = arith.constant 0 : i32
    %cond3A_59 = arith.cmpi ne, %convert_element_type3A_57, %cond3A_58 : i32
    scf.if %cond3A_59 {
      %get3A_60 = arith.constant 0 : index
      %get3A_61 = arith.constant 0 : index
      %get3A_62 = vector.load %arg4[%get3A_60, %get3A_61] : memref<1x128xf32, #tpu.memory_space<vmem>>, vector<1x128xf32>
      %mul3A_63 = arith.constant 9.99999974E-5 : f32
      %mul3A_64 = vector.broadcast %mul3A_63 : f32 to vector<1x128xf32>
      %mul3A_65 = arith.mulf %get3A_62, %mul3A_64 : vector<1x128xf32>
      %swap3A_66 = arith.constant 0 : index
      %swap3A_67 = arith.constant 0 : index
      %swap3A_68 = vector.load %arg4[%swap3A_66, %swap3A_67] : memref<1x128xf32, #tpu.memory_space<vmem>>, vector<1x128xf32>
      tpu.vector_store %arg4[%swap3A_66, %swap3A_67], %mul3A_65 {strides = array<i32>} : memref<1x128xf32, #tpu.memory_space<vmem>>, vector<1x128xf32>,
    } else {
    }
    return
  }
  func.func @transform_0(%arg0: i32) -> (i32, i32, i32) {
    %c0_i32 = arith.constant 0 : i32
    %c0_i32_0 = arith.constant 0 : i32
    %c0_i32_1 = arith.constant 0 : i32
    return %c0_i32, %arg0, %c0_i32_0 : i32, i32, i32
  }
  func.func @transform_1(%arg0: i32) -> (i32, i32, i32) {
    %c0_i32 = arith.constant 0 : i32
    %c0_i32_0 = arith.constant 0 : i32
    %c0_i32_1 = arith.constant 0 : i32
    return %c0_i32, %arg0, %c0_i32_0 : i32, i32, i32
  }
  func.func @transform_2(%arg0: i32) -> (i32, i32) {
    %c0_i32 = arith.constant 0 : i32
    %c0_i32_0 = arith.constant 0 : i32
    %c0_i32_1 = arith.constant 0 : i32
    return %c0_i32, %c0_i32_0 : i32, i32
  }
  func.func @transform_3(%arg0: i32) -> (i32, i32) {
    %c0_i32 = arith.constant 0 : i32
    %c0_i32_0 = arith.constant 0 : i32
    %c0_i32_1 = arith.constant 0 : i32
    return %c0_i32, %c0_i32_0 : i32, i32
  }
}

</mosaic_0001>

<sc_bundles>
// kernel: kernel.11.cloned.1.call-start
scs
__scs_entry_jumppad:
0x0: {  	(pc) =	sbr.rel $0x88, $3  }
0x1: {  	(tag) =	ssettag $0x0;
	lr =	simm.s32 $0x1  }
0x2: {  	[smem:$0x3F98] =	sst lr;
	_ =	strace $0xD0000000  }
0x3: {  	_ = 	snop  }
0x4: {  	_ = 	snop  }
0x5: {  	_ = 	snop  }
0x6: {  	_ = 	snop  }
0x7: {  	_ = 	snop  }
__scs_overlays_trampoline_lowered:
0x8: {  	[smem:$0x3FA7] =	sst s0  }
0x9: {  	[smem:$0x3FA8] =	sst s1  }
0xa: {  	[smem:$0x3FA9] =	sst s2  }
0xb: {  	[smem:$0x3FAA] =	sst s3  }
0xc: {  	[smem:$0x3FAB] =	sst s4  }
0xd: {  	[smem:$0x3FAC] =	sst s5  }
0xe: {  	[smem:$0x3FAD] =	sst s6  }
0xf: {  	[smem:$0x3FAE] =	sst s7  }
0x10: {  	[smem:$0x3FAF] =	sst s8  }
0x11: {  	[smem:$0x3FB0] =	sst s9;
	s0 =	simm.s32 @!p0 $0x0  }
0x12: {  	s1 =	sld [smem:$0x3F96];
	s0 =	simm.s32 @p0 $0x1  }
0x13: {  	[smem:$0x3FB1] =	sst s0;
	s0 =	simm.s32 @!p1 $0x0  }
0x14: {  	s2 =	sld [smem:$0x3F95];
	s0 =	simm.s32 @p1 $0x1  }
0x15: {  	[smem:$0x3FB2] =	sst s0;
	s0 =	simm.s32 @!p2 $0x0  }
0x16: {  	s3 =	sld [smem:$0x3FDB];
	s0 =	simm.s32 @p2 $0x1  }
0x17: {  	s4 =	simm.s32 $0x1BF5;
	[smem:$0x3FB4] =	sst s0  }
0x18: {  	s0 =	sld [smem:$0x3F97];
	_ =	swait.ge [sflag:s4], $0x0  }
0x19: {  	s7 =	sld [smem:$0x3F98]  }
0x1a: {  	s8 =	sadd.s32 $0xFFFFE003, lr  }
0x1b: {  	s9 =	sadd.s32 $0xFFFFFEF7, lr;
	s5 =	simm.s32 $0xFFFFFFFF;
	p2 =	slt.u32 s8, $0xFFFFF086  }
0x1c: {  	p1 =	slt.u32 s9, $0xF7A;
	s5 =	simm.s32 @!p2 $0x0  }
0x1d: {  	s5 =	simm.s32 @p1 $0x1;
	p0 =	seq.s32 s7, s2  }
0x1e: {  	s7 =	smul.u32 @!p0 $0xF7A, s2;
	p2 =	seq.s32 @!p0 s5, $0x0  }
0x1f: {  	s9 =	smul.u32 $0xF7A, s1;
	s8 =	simm.s32 @!p0 $0x1BF5;
	p2 =	por !p2, p0  }
0x20: {  	[sflag:s8] =	ssyncset.s32 @!p0 $0xFFFFF086;
	s6 =	sadd.s32 @!p0 s3, s7;
	s7 =	simm.s32 @!p0 $0x108  }
0x21: {  	s3 =	sadd.s32 s3, s9;
	s6 =	sadd.s32 @!p0 $0x88, s6;
	s7 =	simm.s32 @p2 $0x1082  }
0x22: {  	[simem:s7], [sflag:s8] =	dma.local @!p0 [hbm:s6], $0xF7A  }
0x23: {  	s9 =	sor.u32 $0xD0000000, s2;
	s6 =	simm.s32 $0x108;
	_ =	swait.ge @!p0 [sflag:s8], $0x0  }
0x24: {  	s3 =	sadd.s32 $0x88, s3;
	s6 =	simm.s32 @!p1 $0x1082;
	[sflag:s4] =	ssyncset.s32 $0xFFFFF086  }
0x25: {  	[simem:s6], [sflag:s4] =	dma.local [hbm:s3], $0xF7A  }
0x26: {  	[smem:$0x3F98] =	sst s1;
	(tag) =	ssettag s2;
	_ =	strace s9  }
0x27: {  	s1 =	sld [smem:$0x3FA8]  }
0x28: {  	s2 =	sld [smem:$0x3FA9]  }
0x29: {  	s4 =	sld [smem:$0x3FAB]  }
0x2a: {  	p0 =	seq.s32 s5, $0x0;
	s5 =	sld [smem:$0x3FAC]  }
0x2b: {  	s6 =	sld [smem:$0x3FAD]  }
0x2c: {  	s7 =	sld [smem:$0x3FAE]  }
0x2d: {  	s3 =	simm.s32 $0x108;
	s8 =	sld [smem:$0x3FAF]  }
0x2e: {  	s3 =	simm.s32 @!p0 $0x1082;
	s9 =	sld [smem:$0x3FB0]  }
0x2f: {  	lr =	sadd.s32 s0, s3;
	s0 =	sld [smem:$0x3FA7]  }
0x30: {  	s3 =	sld [smem:$0x3FAA]  }
0x31: {  	[smem:$0x3FB3] =	sst s10  }
0x32: {  	s10 =	sld [smem:$0x3FB1];
	_ =	sdelay $0x3  }
0x33: {  	p0 =	seq.s32 s10, $0x1;
	s10 =	sld [smem:$0x3FB3];
	_ =	sdelay $0x3  }
0x34: {  	[smem:$0x3FB3] =	sst s10  }
0x35: {  	s10 =	sld [smem:$0x3FB2];
	_ =	sdelay $0x3  }
0x36: {  	p1 =	seq.s32 s10, $0x1;
	s10 =	sld [smem:$0x3FB3];
	_ =	sdelay $0x3  }
0x37: {  	[smem:$0x3FB3] =	sst s10  }
0x38: {  	s10 =	sld [smem:$0x3FB4]  }
0x39: {  	_ = 	snop;
	(pc) =	sbr.ind lr, $3  }
0x3a: {  	_ = 	snop  }
0x3b: {  	_ = 	snop  }
0x3c: {  	p2 =	seq.s32 s10, $0x1;
	s10 =	sld [smem:$0x3FB3]  }
0x3d: {  	_ =	shalt  }
0x3e: {  	_ =	shalt  }
0x3f: {  	_ =	shalt  }
0x40: {  	_ =	shalt  }
0x41: {  	_ =	shalt  }
0x42: {  	_ =	shalt  }
0x43: {  	_ =	shalt  }
0x44: {  	_ =	shalt  }
0x45: {  	_ =	shalt  }
0x46: {  	_ =	shalt  }
0x47: {  	_ =	shalt  }
0x48: {  	_ =	shalt  }
0x49: {  	_ =	shalt  }
0x4a: {  	_ =	shalt  }
0x4b: {  	_ =	shalt  }
0x4c: {  	_ =	shalt  }
0x4d: {  	_ =	shalt  }
0x4e: {  	_ =	shalt  }
0x4f: {  	_ =	shalt  }
0x50: {  	_ =	shalt  }
0x51: {  	_ =	shalt  }
0x52: {  	_ =	shalt  }
0x53: {  	_ =	shalt  }
0x54: {  	_ =	shalt  }
0x55: {  	_ =	shalt  }
0x56: {  	_ =	shalt  }
0x57: {  	_ =	shalt  }
0x58: {  	_ =	shalt  }
0x59: {  	_ =	shalt  }
0x5a: {  	_ =	shalt  }
0x5b: {  	_ =	shalt  }
0x5c: {  	_ =	shalt  }
0x5d: {  	_ =	shalt  }
0x5e: {  	_ =	shalt  }
0x5f: {  	_ =	shalt  }
0x60: {  	_ =	shalt  }
0x61: {  	_ =	shalt  }
0x62: {  	_ =	shalt  }
0x63: {  	_ =	shalt  }
0x64: {  	_ =	shalt  }
0x65: {  	_ =	shalt  }
0x66: {  	_ =	shalt  }
0x67: {  	_ =	shalt  }
0x68: {  	_ =	shalt  }
0x69: {  	_ =	shalt  }
0x6a: {  	_ =	shalt  }
0x6b: {  	_ =	shalt  }
0x6c: {  	_ =	shalt  }
0x6d: {  	_ =	shalt  }
0x6e: {  	_ =	shalt  }
0x6f: {  	_ =	shalt  }
0x70: {  	_ =	shalt  }
0x71: {  	_ =	shalt  }
0x72: {  	_ =	shalt  }
0x73: {  	_ =	shalt  }
0x74: {  	_ =	shalt  }
0x75: {  	_ =	shalt  }
0x76: {  	_ =	shalt  }
0x77: {  	_ =	shalt  }
0x78: {  	_ =	shalt  }
0x79: {  	_ =	shalt  }
0x7a: {  	_ =	shalt  }
0x7b: {  	_ =	shalt  }
0x7c: {  	_ =	shalt  }
0x7d: {  	_ =	shalt  }
0x7e: {  	_ =	shalt  }
0x7f: {  	_ =	shalt  }
0x80: {  	_ =	shalt  }
0x81: {  	_ =	shalt  }
0x82: {  	_ =	shalt  }
0x83: {  	_ =	shalt  }
0x84: {  	_ =	shalt  }
0x85: {  	_ =	shalt  }
0x86: {  	_ =	shalt  }
0x87: {  	_ =	shalt  }
.Lfunc_end0:
.L_simem_size_0:
called_computation.1_lowered:
.L_overlay_start_0:
0x88: {  	s2 =	sld [smem:$0x3FD9]  }
0x89: {  	s3 =	sld [smem:$0x3FFE];
	_ =	sdelay $0x1  }
0x8a: {  	s1 =	srdreg.scid  }
0x8b: {  	s0 =	sand.u32 $0x1, s1  }
0x8c: {  	s16 =	sshll.u32 s0, $0xA;
	s2 =	sadd.s32 s3, s2  }
0x8d: {  	s2 =	sadd.s32 s2, s16  }
0x8e: {  	[smem:$0x3FBF] =	sst s2  }
0x8f: {  	_ = 	snop  }
0x90: {  	(tm) =	ssettm $0x1  }
0x91: {  	s17 =	sld [smem:$0x3FFB];
	_ =	sdelay $0x3  }
0x92: {  	_ =	strace s17  }
0x93: {  	s2 =	sld [smem:$0x3FFC];
	_ =	sdelay $0x3  }
0x94: {  	_ =	strace s2  }
0x95: {  	s2 =	sld [smem:$0x3FFD];
	_ =	sdelay $0x3  }
0x96: {  	_ =	strace s2  }
0x97: {  	_ =	strace $0x8FFFFFFF  }
0x98: {  	s18 =	sld [smem:$0x3FDB];
	_ =	sdelay $0x1  }
0x99: {  	s19 =	simm.s32 $_scs_section_size  }
0x9a: {  	s4 =	simm.s32 $_size__tile_overlayer_lowered;
	s5 =	simm.s32 $_tile_overlayer_lowered  }
0x9b: {  	s22 =	simm.s32 $0x1BFF;
	s21 =	sshll.u32 s5, $0x1;
	s2 =	sadd.s32 s19, s18  }
0x9c: {  	s6 =	simm.s32 $0x0;
	s20 =	sshll.u32 s4, $0x1;
	s4 =	sadd.s32 s21, s2  }
0x9d: {  	[timem:s6], [sflag:s22] =	dma.local [hbm:s4], s20  }
0x9e: {  	_ =	swait.ge [sflag:s22], s20  }
0x9f: {  	s3 =	ssub.s32 $0x0, s20;
	[sflag:s22] =	ssyncset.done $0x0  }
0xa0: {  	[sflag:s22] =	ssyncadd.s32 s3;
	_ =	sdelay $0x1  }
0xa1: {  	s23 =	simm.s32 $0x1B8B  }
0xa2: {  	_ =	swait.ge [sflag:s23], $0x1  }
0xa3: {  	[sflag:s23] =	ssyncset.done $0x0  }
0xa4: {  	s25 =	simm.s32 $0x1B8E;
	s24 =	sld [smem:$0x3FFE];
	[sflag:s23] =	ssyncadd.s32 $0xFFFFFFFF  }
0xa5: {  	s26 =	simm.s32 $execute0_lowered;
	[smem:$0x3FD2] =	sst s25  }
0xa6: {  	s4 =	sshll.u32 s26, $0x1;
	_ =	strace $0x80000049;
	[dreg:$0x1] =	wrdreg $0xFFFFFFFF  }
0xa7: {  	s28 =	simm.s32 $_size_execute0_lowered;
	s2 =	sadd.s32 s2, s4;
	[dreg:$0x0] =	wrdreg $0x0  }
0xa8: {  	s4 =	sshll.u32 s28, $0x1;
	[dreg:$0x2] =	wrdreg s2  }
0xa9: {  	[dreg:$0x3] =	wrdreg s4  }
0xaa: {  	[dreg:$0x4] =	wrdreg $0xC0  }
0xab: {  	_ =	task [dreg:s6], $0x5FFFF  }
0xac: {  	[dreg:$0x1] =	wrdreg $0xFFFFFFFF  }
0xad: {  	[dreg:$0x0] =	wrdreg $0x60  }
0xae: {  	[dreg:$0x2] =	wrdreg s24  }
0xaf: {  	[dreg:$0x3] =	wrdreg $0xD0000  }
0xb0: {  	[dreg:$0x4] =	wrdreg $0x9  }
0xb1: {  	_ =	task.clear_ibuf [dreg:s6], $0x5FFFF;
	_ =	strace $0x90000049  }
0xb2: {  	s29 =	simm.s32 $0x9;
	_ =	strace $0x8000004B  }
0xb3: {  	_ =	swait.ge [sflag:s29], $0x1  }
0xb4: {  	[sflag:s29] =	ssyncadd.s32 $0xFFFFFFFF  }
0xb5: {  	_ =	strace $0x9000004B  }
0xb6: {  	_ =	sfence  }
0xb7: {  	s30 =	sld [smem:$0x0];
	_ =	sdelay $0x2  }
0xb8: {  	s31 =	sshll.u32 s1, $0xD;
	s1 =	sshrl.u32 s1, $0x2  }
0xb9: {  	s3 =	sand.u32 $0x4000, s31;
	s1 =	sadd.s32 s1, s30  }
0xba: {  	s0 =	sor.u32 s3, s0;
	s1 =	sshll.u32 s1, $0x11  }
0xbb: {  	s0 =	sor.u32 s1, s0  }
0xbc: {  	s0 =	sadd.s32 $0x8F2B, s0  }
0xbd: {  	[sflag:s0] =	ssyncadd.remote.s32 $0x1  }
0xbe: {  	_ =	sfence.sel $0xFFFF  }
0xbf: {  	[dreg:$0x0] =	wrdreg $0xFFFFFFFF;
	(pc) =	sbr.abs _section_cstart, $3  }
0xc0: {  	[dreg:$0x1] =	wrdreg $0xFFFFFFFF  }
0xc1: {  	_ =	task.clear_ibuf [dreg:s6], $0x2FFFF;
	_ =	strace $0x9FFFFFFF  }
0xc2: {  	(tm) =	ssettm $0x7FFFFFFF  }
0xc3: {  	_ =	shalt  }
tec
execute0_lowered:
.L_overlay_start_1:
0x0: {  	(tag) =	ssettag $0x1  }
0x1: {  	s0 =	srdreg.scid;
	s1 =	rddreg [dreg:$0x0]  }
0x2: {  	s2 =	rddreg [dreg:$0x1];
	s8 =	stileid.u32;
	s3 =	simm.s32 $0x0  }
0x3: {  	s28 =	simm.s32 $0x9000;
	s30 =	simm.s32 $0xB000;
	s31 =	simm.s32 $0x3  }
0x4: {  	s29 =	simm.s32 $0x8;
	s0 =	sand.u32 $0x1, s0;
	[smem:$0x7FF] =	sst s3  }
0x5: {  	s7 =	sadd.s32 $0x24C00, s1;
	s12 =	smul.u32 $0x14000, s8;
	s4 =	sshll.u32 s0, $0x4  }
0x6: {  	_ =	strace $0x8000004A;
	s6 =	ssub.s32 $0x2, s0;
	[dreg:$0x3] =	wrdreg s7  }
0x7: {  	s0 =	smul.u32 $0x140000, s0;
	s4 =	sor.u32 s8, s4;
	s17 =	sshrl.u32 s6, $0x1  }
0x8: {  	s19 =	sshrl.u32 s12, $0x1;
	s20 =	sadd.s32 $0x4000, s12;
	s15 =	sadd.s32 $0x8000, s12  }
0x9: {  	s16 =	sadd.s32 $0xC000, s12;
	s23 =	sadd.s32 $0x10000, s12;
	s4 =	smul.u32 $0x500, s4  }
0xa: {  	s6 =	ssub.s32 s6, s17;
	s8 =	sadd.s32 s19, s2;
	s21 =	sshrl.u32 s20, $0x1  }
0xb: {  	s10 =	sshrl.u32 s15, $0x1;
	s22 =	sshrl.u32 s16, $0x1;
	s12 =	sadd.s32 s12, s0  }
0xc: {  	s13 =	sshrl.u32 s23, $0x1;
	s7 =	sadd.s32 s0, s20;
	s25 =	sadd.s32 s0, s15  }
0xd: {  	s26 =	sadd.s32 s0, s16;
	s0 =	sadd.s32 s0, s23;
	s20 =	simm.s32 $0x5000  }
0xe: {  	s23 =	simm.s32 $0x2;
	s19 =	simm.s32 $0x6;
	s9 =	sadd.s32 s21, s2  }
0xf: {  	s10 =	sadd.s32 s10, s2;
	s11 =	sadd.s32 s22, s2;
	s14 =	sshrl.u32 s12, $0x4  }
0x10: {  	s12 =	sadd.s32 s13, s2;
	s7 =	sshrl.u32 s7, $0x4;
	s16 =	sshrl.u32 s26, $0x4  }
0x11: {  	s0 =	sshrl.u32 s0, $0x4;
	s21 =	simm.s32 $0x9;
	s22 =	simm.s32 $0x1  }
0x12: {  	s26 =	simm.s32 $0x7;
	s5 =	sadd.s32 s4, s1;
	s4 =	sadd.s32 $0x25000, s1  }
0x13: {  	s1 =	sadd.s32 $0x39000, s1;
	s18 =	sadd.s32 $0x10C00, s5;
	s5 =	sadd.s32 $0x6C00, s5  }
0x14: {  	s24 =	sadd.s32 s1, s14;
	s14 =	sadd.s32 s1, s7;
	s7 =	sshrl.u32 s25, $0x4  }
0x15: {  	s16 =	sadd.s32 s1, s16;
	s17 =	sadd.s32 s1, s0;
	[dreg:$0x4] =	wrdreg s18  }
0x16: {  	s25 =	simm.s32 $0x7000;
	s0 =	simm.s32 $0x4;
	[dreg:$0x5] =	wrdreg s5  }
0x17: {  	[dreg:$0x6] =	wrdreg s24;
	s15 =	sadd.s32 s1, s7;
	s18 =	smax.u32 s6, $0x1  }
0x18: {  	s24 =	simm.s32 $0x80;
	s1 =	simm.s32 $0x5;
	s5 =	simm.s32 $0x0  }
.LBB2_1:
0x19: {  	s6 =	rddreg [dreg:$0x4]  }
0x1a: {  	[tilespmem:s3], [sflag:$0x1] =	stream.linear.gather [hbm4b:s6+s3], $0x2800, $0x38;
	[tilespmem:$0x17000] =	vst v63  }
0x1b: {  	s13 =	rddreg [dreg:$0x5];
	s7 =	simm.s32 $0x2800  }
0x1c: {  	[tilespmem:s7], [sflag:$0x2] =	stream.linear.gather [hbm4b:s13+s3], $0x2800, $0x38;
	[tilespmem:$0x17000] =	vst v63  }
0x1d: {  	s7 =	rddreg [dreg:$0x3]  }
0x1e: {  	[tilespmem:s20], [sflag:$0x9] =	stream.linear.gather [hbm4b:s7+s3], $0x2000, $0x38;
	[tilespmem:$0x17000] =	vst v63  }
0x1f: {  	_ =	swait.ge [sflag:s21], $0x2000  }
0x20: {  	[sflag:s21] =	ssyncset.done $0x0  }
0x21: {  	[sflag:s21] =	ssyncadd.s32 $0xFFFFE000  }
0x22: {  	[spmem:s8] =	stream.linear.scatter [tilespmem:s20], [sflag:$0x9], $0x2000, $0x38;
	[tilespmem:$0x17000] =	vst v63  }
0x23: {  	_ =	swait.ge [sflag:s21], $0x2000  }
0x24: {  	[sflag:s21] =	ssyncset.done $0x0  }
0x25: {  	[sflag:s21] =	ssyncadd.s32 $0xFFFFE000  }
0x26: {  	[spmem:s9] =	stream.linear.scatter [tilespmem:s20], [sflag:$0x9], $0x2000, $0x38;
	[tilespmem:$0x17000] =	vst v63  }
0x27: {  	_ =	swait.ge [sflag:s21], $0x2000  }
0x28: {  	[sflag:s21] =	ssyncset.done $0x0  }
0x29: {  	[sflag:s21] =	ssyncadd.s32 $0xFFFFE000  }
0x2a: {  	[spmem:s10] =	stream.linear.scatter [tilespmem:s20], [sflag:$0x9], $0x2000, $0x38;
	[tilespmem:$0x17000] =	vst v63  }
0x2b: {  	_ =	swait.ge [sflag:s21], $0x2000  }
0x2c: {  	[sflag:s21] =	ssyncset.done $0x0  }
0x2d: {  	[sflag:s21] =	ssyncadd.s32 $0xFFFFE000  }
0x2e: {  	[spmem:s11] =	stream.linear.scatter [tilespmem:s20], [sflag:$0x9], $0x2000, $0x38;
	[tilespmem:$0x17000] =	vst v63  }
0x2f: {  	_ =	swait.ge [sflag:s21], $0x2000  }
0x30: {  	[sflag:s21] =	ssyncset.done $0x0  }
0x31: {  	[sflag:s21] =	ssyncadd.s32 $0xFFFFE000  }
0x32: {  	[spmem:s12] =	stream.linear.scatter [tilespmem:s20], [sflag:$0x9], $0x2000, $0x38;
	[tilespmem:$0x17000] =	vst v63  }
0x33: {  	_ =	swait.ge [sflag:s21], $0x2000  }
0x34: {  	[sflag:s21] =	ssyncset.done $0x0  }
0x35: {  	[sflag:s21] =	ssyncadd.s32 $0xFFFFE000  }
0x36: {  	_ =	swait.ge [sflag:s22], $0x2800  }
0x37: {  	[sflag:s22] =	ssyncset.done $0x0  }
0x38: {  	[sflag:s22] =	ssyncadd.s32 $0xFFFFD800  }
0x39: {  	_ =	swait.ge [sflag:s23], $0x2800  }
0x3a: {  	[sflag:s23] =	ssyncset.done $0x0  }
0x3b: {  	[sflag:s23] =	ssyncadd.s32 $0xFFFFD800  }
0x3c: {  	[bflag:$0x0] =	sbarrier.arrive $0xFFFF  }
0x3d: {  	[tilespmem:s20], [sflag:$0x1] =	stream.indirect.gather [hbm4b:s4+s24], $0x40, s3, s24, $0xb8;
	[tilespmem:$0x17000] =	vst v63  }
0x3e: {  	_ = 	snop  }
0x3f: {  	[tilespmem:s25], [sflag:$0x2] =	stream.indirect.gather [hbm4b:s4+s24], $0x40, s24, s24, $0xb8;
	[tilespmem:$0x17000] =	vst v63  }
0x40: {  	s13 =	simm.s32 $0x100  }
0x41: {  	[tilespmem:s28], [sflag:$0x3] =	stream.indirect.gather [hbm4b:s4+s24], $0x40, s13, s24, $0xb8;
	[tilespmem:$0x17000] =	vst v63  }
0x42: {  	s7 =	simm.s32 $0x180  }
0x43: {  	[tilespmem:s30], [sflag:$0x4] =	stream.indirect.gather [hbm4b:s4+s24], $0x40, s7, s24, $0xb8;
	[tilespmem:$0x17000] =	vst v63  }
0x44: {  	_ =	swait.ge [sflag:s22], $0x2000  }
0x45: {  	[sflag:s22] =	ssyncset.done $0x0  }
0x46: {  	s13 =	simm.s32 $0x2800;
	[sflag:s22] =	ssyncadd.s32 $0xFFFFE000  }
0x47: {  	[spmem:s2] =	stream.indirect.scatter.add.bf16 [tilespmem:s20], [sflag:$0x5], $0x40, s13, s24, $0xb8;
	[tilespmem:$0x17000] =	vst v63  }
0x48: {  	_ =	swait.ge [sflag:s23], $0x2000  }
0x49: {  	[sflag:s23] =	ssyncset.done $0x0  }
0x4a: {  	s7 =	simm.s32 $0x2880;
	[sflag:s23] =	ssyncadd.s32 $0xFFFFE000  }
0x4b: {  	[spmem:s2] =	stream.indirect.scatter.add.bf16 [tilespmem:s25], [sflag:$0x6], $0x40, s7, s24, $0xb8;
	[tilespmem:$0x17000] =	vst v63  }
0x4c: {  	_ =	swait.ge [sflag:s31], $0x2000  }
0x4d: {  	[sflag:s31] =	ssyncset.done $0x0  }
0x4e: {  	s13 =	simm.s32 $0x2900;
	[sflag:s31] =	ssyncadd.s32 $0xFFFFE000  }
0x4f: {  	[spmem:s2] =	stream.indirect.scatter.add.bf16 [tilespmem:s28], [sflag:$0x7], $0x40, s13, s24, $0xb8;
	[tilespmem:$0x17000] =	vst v63  }
0x50: {  	_ =	swait.ge [sflag:s0], $0x2000  }
0x51: {  	[sflag:s0] =	ssyncset.done $0x0  }
0x52: {  	s7 =	simm.s32 $0x2980;
	[sflag:s0] =	ssyncadd.s32 $0xFFFFE000  }
0x53: {  	[spmem:s2] =	stream.indirect.scatter.add.bf16 [tilespmem:s30], [sflag:$0x8], $0x40, s7, s24, $0xb8;
	[tilespmem:$0x17000] =	vst v63  }
0x54: {  	_ =	swait.ge [sflag:s1], $0x2000  }
0x55: {  	[sflag:s1] =	ssyncset.done $0x0  }
0x56: {  	s13 =	simm.s32 $0x200;
	[sflag:s1] =	ssyncadd.s32 $0xFFFFE000  }
0x57: {  	[tilespmem:s20], [sflag:$0x1] =	stream.indirect.gather [hbm4b:s4+s24], $0x40, s13, s24, $0xb8;
	[tilespmem:$0x17000] =	vst v63  }
0x58: {  	_ =	swait.ge [sflag:s19], $0x2000  }
0x59: {  	[sflag:s19] =	ssyncset.done $0x0  }
0x5a: {  	s7 =	simm.s32 $0x280;
	[sflag:s19] =	ssyncadd.s32 $0xFFFFE000  }
0x5b: {  	[tilespmem:s25], [sflag:$0x2] =	stream.indirect.gather [hbm4b:s4+s24], $0x40, s7, s24, $0xb8;
	[tilespmem:$0x17000] =	vst v63  }
0x5c: {  	_ =	swait.ge [sflag:s26], $0x2000  }
0x5d: {  	[sflag:s26] =	ssyncset.done $0x0  }
0x5e: {  	s13 =	simm.s32 $0x300;
	[sflag:s26] =	ssyncadd.s32 $0xFFFFE000  }
0x5f: {  	[tilespmem:s28], [sflag:$0x3] =	stream.indirect.gather [hbm4b:s4+s24], $0x40, s13, s24, $0xb8;
	[tilespmem:$0x17000] =	vst v63  }
0x60: {  	_ =	swait.ge [sflag:s29], $0x2000  }
0x61: {  	[sflag:s29] =	ssyncset.done $0x0  }
0x62: {  	s6 =	simm.s32 $0x800;
	s7 =	simm.s32 $0x380;
	[sflag:s29] =	ssyncadd.s32 $0xFFFFE000  }
.LBB2_2:
0x63: {  	[tilespmem:s30], [sflag:$0x4] =	stream.indirect.gather [hbm4b:s4+s24], $0x40, s7, s24, $0xb8;
	[tilespmem:$0x17000] =	vst v63  }
0x64: {  	s7 =	smov.u32 s6  }
0x65: {  	p0 =	sne.s32 s6, $0x9000;
	s6 =	sadd.s32 $0x800, s6;
	_ =	swait.ge [sflag:s22], $0x2000  }
0x66: {  	s7 =	sshra.s32 s7, $0x2;
	[sflag:s22] =	ssyncset.done $0x0  }
0x67: {  	s13 =	sadd.s32 $0x2800, s7;
	[sflag:s22] =	ssyncadd.s32 $0xFFFFE000  }
0x68: {  	[spmem:s2] =	stream.indirect.scatter.add.bf16 [tilespmem:s20], [sflag:$0x5], $0x40, s13, s24, $0xb8;
	[tilespmem:$0x17000] =	vst v63  }
0x69: {  	_ =	swait.ge [sflag:s23], $0x2000  }
0x6a: {  	[sflag:s23] =	ssyncset.done $0x0  }
0x6b: {  	s13 =	sadd.s32 $0x2880, s7;
	[sflag:s23] =	ssyncadd.s32 $0xFFFFE000  }
0x6c: {  	[spmem:s2] =	stream.indirect.scatter.add.bf16 [tilespmem:s25], [sflag:$0x6], $0x40, s13, s24, $0xb8;
	[tilespmem:$0x17000] =	vst v63  }
0x6d: {  	_ =	swait.ge [sflag:s31], $0x2000  }
0x6e: {  	[sflag:s31] =	ssyncset.done $0x0  }
0x6f: {  	s13 =	sadd.s32 $0x2900, s7;
	[sflag:s31] =	ssyncadd.s32 $0xFFFFE000  }
0x70: {  	[spmem:s2] =	stream.indirect.scatter.add.bf16 [tilespmem:s28], [sflag:$0x7], $0x40, s13, s24, $0xb8;
	[tilespmem:$0x17000] =	vst v63  }
0x71: {  	_ =	swait.ge [sflag:s0], $0x2000  }
0x72: {  	[sflag:s0] =	ssyncset.done $0x0  }
0x73: {  	s13 =	sadd.s32 $0x2980, s7;
	[sflag:s0] =	ssyncadd.s32 $0xFFFFE000  }
0x74: {  	[spmem:s2] =	stream.indirect.scatter.add.bf16 [tilespmem:s30], [sflag:$0x8], $0x40, s13, s24, $0xb8;
	[tilespmem:$0x17000] =	vst v63  }
0x75: {  	_ =	swait.ge [sflag:s1], $0x2000  }
0x76: {  	[sflag:s1] =	ssyncset.done $0x0  }
0x77: {  	s13 =	sadd.s32 $0x200, s7;
	[sflag:s1] =	ssyncadd.s32 $0xFFFFE000  }
0x78: {  	[tilespmem:s20], [sflag:$0x1] =	stream.indirect.gather [hbm4b:s4+s24], $0x40, s13, s24, $0xb8;
	[tilespmem:$0x17000] =	vst v63  }
0x79: {  	_ =	swait.ge [sflag:s19], $0x2000  }
0x7a: {  	[sflag:s19] =	ssyncset.done $0x0  }
0x7b: {  	s13 =	sadd.s32 $0x280, s7;
	[sflag:s19] =	ssyncadd.s32 $0xFFFFE000  }
0x7c: {  	[tilespmem:s25], [sflag:$0x2] =	stream.indirect.gather [hbm4b:s4+s24], $0x40, s13, s24, $0xb8;
	[tilespmem:$0x17000] =	vst v63  }
0x7d: {  	_ =	swait.ge [sflag:s26], $0x2000  }
0x7e: {  	[sflag:s26] =	ssyncset.done $0x0  }
.Ltmp0:
0x7f: {  	s13 =	sadd.s32 $0x300, s7;
	[sflag:s26] =	ssyncadd.s32 $0xFFFFE000;
	(pc) =	sbr.rel @p0 .LBB2_2-.Ltmp0, $4  }
0x80: {  	[tilespmem:s28], [sflag:$0x3] =	stream.indirect.gather [hbm4b:s4+s24], $0x40, s13, s24, $0xb8;
	[tilespmem:$0x17000] =	vst v63  }
0x81: {  	_ =	swait.ge [sflag:s29], $0x2000  }
0x82: {  	[sflag:s29] =	ssyncset.done $0x0  }
0x83: {  	s7 =	sadd.s32 $0x380, s7;
	[sflag:s29] =	ssyncadd.s32 $0xFFFFE000  }
0x84: {  	[tilespmem:s30], [sflag:$0x4] =	stream.indirect.gather [hbm4b:s4+s24], $0x40, s7, s24, $0xb8;
	[tilespmem:$0x17000] =	vst v63  }
0x85: {  	_ =	swait.ge [sflag:s22], $0x2000  }
0x86: {  	[sflag:s22] =	ssyncset.done $0x0  }
0x87: {  	s6 =	simm.s32 $0x4E00;
	[sflag:s22] =	ssyncadd.s32 $0xFFFFE000  }
0x88: {  	[spmem:s2] =	stream.indirect.scatter.add.bf16 [tilespmem:s20], [sflag:$0x5], $0x40, s6, s24, $0xb8;
	[tilespmem:$0x17000] =	vst v63  }
0x89: {  	_ =	swait.ge [sflag:s23], $0x2000  }
0x8a: {  	[sflag:s23] =	ssyncset.done $0x0  }
0x8b: {  	s7 =	simm.s32 $0x4E80;
	[sflag:s23] =	ssyncadd.s32 $0xFFFFE000  }
0x8c: {  	[spmem:s2] =	stream.indirect.scatter.add.bf16 [tilespmem:s25], [sflag:$0x6], $0x40, s7, s24, $0xb8;
	[tilespmem:$0x17000] =	vst v63  }
0x8d: {  	_ =	swait.ge [sflag:s31], $0x2000  }
0x8e: {  	[sflag:s31] =	ssyncset.done $0x0  }
0x8f: {  	s13 =	simm.s32 $0x4F00;
	[sflag:s31] =	ssyncadd.s32 $0xFFFFE000  }
0x90: {  	[spmem:s2] =	stream.indirect.scatter.add.bf16 [tilespmem:s28], [sflag:$0x7], $0x40, s13, s24, $0xb8;
	[tilespmem:$0x17000] =	vst v63  }
0x91: {  	_ =	swait.ge [sflag:s0], $0x2000  }
0x92: {  	[sflag:s0] =	ssyncset.done $0x0  }
0x93: {  	s7 =	simm.s32 $0x4F80;
	[sflag:s0] =	ssyncadd.s32 $0xFFFFE000  }
0x94: {  	[spmem:s2] =	stream.indirect.scatter.add.bf16 [tilespmem:s30], [sflag:$0x8], $0x40, s7, s24, $0xb8;
	[tilespmem:$0x17000] =	vst v63  }
0x95: {  	_ =	swait.ge [sflag:s1], $0x2000  }
0x96: {  	[sflag:s1] =	ssyncset.done $0x0  }
0x97: {  	[sflag:s1] =	ssyncadd.s32 $0xFFFFE000  }
0x98: {  	_ =	swait.ge [sflag:s19], $0x2000  }
0x99: {  	[sflag:s19] =	ssyncset.done $0x0  }
0x9a: {  	[sflag:s19] =	ssyncadd.s32 $0xFFFFE000  }
0x9b: {  	_ =	swait.ge [sflag:s26], $0x2000  }
0x9c: {  	[sflag:s26] =	ssyncset.done $0x0  }
0x9d: {  	[sflag:s26] =	ssyncadd.s32 $0xFFFFE000  }
0x9e: {  	_ =	swait.ge [sflag:s29], $0x2000  }
0x9f: {  	[sflag:s29] =	ssyncset.done $0x0  }
0xa0: {  	[sflag:s29] =	ssyncadd.s32 $0xFFFFE000  }
0xa1: {  	[bflag:$0x0] =	sbarrier.arrive $0xFFFF  }
0xa2: {  	[tilespmem:s20], [sflag:$0x9] =	stream.linear.gather [spmem:s8], $0x2000, $0x38;
	[tilespmem:$0x17000] =	vst v63  }
0xa3: {  	_ =	swait.ge [sflag:s21], $0x2000  }
0xa4: {  	[sflag:s21] =	ssyncset.done $0x0  }
0xa5: {  	s13 =	rddreg [dreg:$0x6];
	[sflag:s21] =	ssyncadd.s32 $0xFFFFE000  }
0xa6: {  	[hbm4b:s13+s3] =	stream.linear.scatter [tilespmem:s20], [sflag:$0x9], $0x2000, $0x38;
	[tilespmem:$0x17000] =	vst v63  }
0xa7: {  	_ =	swait.ge [sflag:s21], $0x2000  }
0xa8: {  	[sflag:s21] =	ssyncset.done $0x0  }
0xa9: {  	[sflag:s21] =	ssyncadd.s32 $0xFFFFE000  }
0xaa: {  	[tilespmem:s20], [sflag:$0x9] =	stream.linear.gather [spmem:s9], $0x2000, $0x38;
	[tilespmem:$0x17000] =	vst v63  }
0xab: {  	_ =	swait.ge [sflag:s21], $0x2000  }
0xac: {  	[sflag:s21] =	ssyncset.done $0x0  }
0xad: {  	[sflag:s21] =	ssyncadd.s32 $0xFFFFE000  }
0xae: {  	[hbm4b:s14+s3] =	stream.linear.scatter [tilespmem:s20], [sflag:$0x9], $0x2000, $0x38;
	[tilespmem:$0x17000] =	vst v63  }
0xaf: {  	_ =	swait.ge [sflag:s21], $0x2000  }
0xb0: {  	[sflag:s21] =	ssyncset.done $0x0  }
0xb1: {  	[sflag:s21] =	ssyncadd.s32 $0xFFFFE000  }
0xb2: {  	[tilespmem:s20], [sflag:$0x9] =	stream.linear.gather [spmem:s10], $0x2000, $0x38;
	[tilespmem:$0x17000] =	vst v63  }
0xb3: {  	_ =	swait.ge [sflag:s21], $0x2000  }
0xb4: {  	[sflag:s21] =	ssyncset.done $0x0  }
0xb5: {  	[sflag:s21] =	ssyncadd.s32 $0xFFFFE000  }
0xb6: {  	[hbm4b:s15+s3] =	stream.linear.scatter [tilespmem:s20], [sflag:$0x9], $0x2000, $0x38;
	[tilespmem:$0x17000] =	vst v63  }
0xb7: {  	_ =	swait.ge [sflag:s21], $0x2000  }
0xb8: {  	[sflag:s21] =	ssyncset.done $0x0  }
0xb9: {  	[sflag:s21] =	ssyncadd.s32 $0xFFFFE000  }
0xba: {  	[tilespmem:s20], [sflag:$0x9] =	stream.linear.gather [spmem:s11], $0x2000, $0x38;
	[tilespmem:$0x17000] =	vst v63  }
0xbb: {  	_ =	swait.ge [sflag:s21], $0x2000  }
0xbc: {  	[sflag:s21] =	ssyncset.done $0x0  }
0xbd: {  	[sflag:s21] =	ssyncadd.s32 $0xFFFFE000  }
0xbe: {  	[hbm4b:s16+s3] =	stream.linear.scatter [tilespmem:s20], [sflag:$0x9], $0x2000, $0x38;
	[tilespmem:$0x17000] =	vst v63  }
0xbf: {  	_ =	swait.ge [sflag:s21], $0x2000  }
0xc0: {  	[sflag:s21] =	ssyncset.done $0x0  }
0xc1: {  	[sflag:s21] =	ssyncadd.s32 $0xFFFFE000  }
0xc2: {  	[tilespmem:s20], [sflag:$0x9] =	stream.linear.gather [spmem:s12], $0x2000, $0x38;
	[tilespmem:$0x17000] =	vst v63  }
0xc3: {  	s5 =	sadd.s32 $0x1, s5;
	_ =	swait.ge [sflag:s21], $0x2000  }
0xc4: {  	p0 =	sne.s32 s5, s18;
	[sflag:s21] =	ssyncset.done $0x0  }
.Ltmp1:
0xc5: {  	[sflag:s21] =	ssyncadd.s32 $0xFFFFE000;
	(pc) =	sbr.rel @p0 .LBB2_1-.Ltmp1, $4  }
0xc6: {  	[hbm4b:s17+s3] =	stream.linear.scatter [tilespmem:s20], [sflag:$0x9], $0x2000, $0x38;
	[tilespmem:$0x17000] =	vst v63  }
0xc7: {  	_ =	swait.ge [sflag:s21], $0x2000  }
0xc8: {  	[sflag:s21] =	ssyncset.done $0x0  }
0xc9: {  	[sflag:s21] =	ssyncadd.s32 $0xFFFFE000  }
0xca: {  	_ =	sfence.sel $0x180000  }
0xcb: {  	[bflag:$0x0] =	sbarrier.arrive $0xFFFF  }
0xcc: {  	_ =	strace $0x9000004A  }
0xcd: {  	s0 =	stileid.u32;
	[bflag:$0x2] =	sbarrier.arrive $0xFFFF  }
0xce: {  	p0 =	sne.s32 s0, $0x0;
	s0 =	rddreg [dreg:$0x2]  }
0xcf: {  	s0 =	sadd.s32 @!p0 $0x100000, s0  }
0xd0: {  	[sflag:s0] =	ssyncadd.tile.s32 @!p0 $0x1;
	_ =	shalt  }
.Lfunc_end2:
_tile_overlayer_lowered:
.L_overlay_start_2:
0xd1: {  	(tag) =	ssettag $0x2  }
0xd2: {  	s0 =	rddreg [dreg:$0x0];
	s2 =	stileid.u32  }
0xd3: {  	s1 =	rddreg [dreg:$0x1];
	p0 =	sne.s32 s2, $0x0  }
0xd4: {  	s3 =	rddreg [dreg:$0x2];
	[bflag:$0x3] =	sbarrier.arrive $0xFFFF;
	s2 =	simm.s32 @!p0 $0x1C09  }
0xd5: {  	[timem:s3], [sflag:s2] =	dma.local @!p0 [hbm:s0], s1  }
0xd6: {  	s0 =	simm.s32 @!p0 $0x9  }
0xd7: {  	_ =	swait.ge @!p0 [sflag:s0], s1  }
0xd8: {  	s1 =	ssub.s32 @!p0 $0x0, s1;
	[sflag:s0] =	ssyncset.done @!p0 $0x0  }
0xd9: {  	[sflag:s0] =	ssyncadd.s32 @!p0 s1  }
0xda: {  	[bflag:$0x3] =	sbarrier.arrive $0xFFFF  }
0xdb: {  	_ =	shalt  }

// kernel: kernel.14.cloned.1.call-start
scs
__scs_entry_jumppad:
0x0: {  	(pc) =	sbr.rel $0x88, $3  }
0x1: {  	(tag) =	ssettag $0x0;
	lr =	simm.s32 $0x1  }
0x2: {  	[smem:$0x3F98] =	sst lr;
	_ =	strace $0xD0000000  }
0x3: {  	_ = 	snop  }
0x4: {  	_ = 	snop  }
0x5: {  	_ = 	snop  }
0x6: {  	_ = 	snop  }
0x7: {  	_ = 	snop  }
__scs_overlays_trampoline_lowered:
0x8: {  	[smem:$0x3FA7] =	sst s0  }
0x9: {  	[smem:$0x3FA8] =	sst s1  }
0xa: {  	[smem:$0x3FA9] =	sst s2  }
0xb: {  	[smem:$0x3FAA] =	sst s3  }
0xc: {  	[smem:$0x3FAB] =	sst s4  }
0xd: {  	[smem:$0x3FAC] =	sst s5  }
0xe: {  	[smem:$0x3FAD] =	sst s6  }
0xf: {  	[smem:$0x3FAE] =	sst s7  }
0x10: {  	[smem:$0x3FAF] =	sst s8  }
0x11: {  	[smem:$0x3FB0] =	sst s9;
	s0 =	simm.s32 @!p0 $0x0  }
0x12: {  	s1 =	sld [smem:$0x3F96];
	s0 =	simm.s32 @p0 $0x1  }
0x13: {  	[smem:$0x3FB1] =	sst s0;
	s0 =	simm.s32 @!p1 $0x0  }
0x14: {  	s2 =	sld [smem:$0x3F95];
	s0 =	simm.s32 @p1 $0x1  }
0x15: {  	[smem:$0x3FB2] =	sst s0;
	s0 =	simm.s32 @!p2 $0x0  }
0x16: {  	s3 =	sld [smem:$0x3FDB];
	s0 =	simm.s32 @p2 $0x1  }
0x17: {  	s4 =	simm.s32 $0x1BF5;
	[smem:$0x3FB4] =	sst s0  }
0x18: {  	s0 =	sld [smem:$0x3F97];
	_ =	swait.ge [sflag:s4], $0x0  }
0x19: {  	s7 =	sld [smem:$0x3F98]  }
0x1a: {  	s8 =	sadd.s32 $0xFFFFE003, lr  }
0x1b: {  	s9 =	sadd.s32 $0xFFFFFEF7, lr;
	s5 =	simm.s32 $0xFFFFFFFF;
	p2 =	slt.u32 s8, $0xFFFFF086  }
0x1c: {  	p1 =	slt.u32 s9, $0xF7A;
	s5 =	simm.s32 @!p2 $0x0  }
0x1d: {  	s5 =	simm.s32 @p1 $0x1;
	p0 =	seq.s32 s7, s2  }
0x1e: {  	s7 =	smul.u32 @!p0 $0xF7A, s2;
	p2 =	seq.s32 @!p0 s5, $0x0  }
0x1f: {  	s9 =	smul.u32 $0xF7A, s1;
	s8 =	simm.s32 @!p0 $0x1BF5;
	p2 =	por !p2, p0  }
0x20: {  	[sflag:s8] =	ssyncset.s32 @!p0 $0xFFFFF086;
	s6 =	sadd.s32 @!p0 s3, s7;
	s7 =	simm.s32 @!p0 $0x108  }
0x21: {  	s3 =	sadd.s32 s3, s9;
	s6 =	sadd.s32 @!p0 $0x88, s6;
	s7 =	simm.s32 @p2 $0x1082  }
0x22: {  	[simem:s7], [sflag:s8] =	dma.local @!p0 [hbm:s6], $0xF7A  }
0x23: {  	s9 =	sor.u32 $0xD0000000, s2;
	s6 =	simm.s32 $0x108;
	_ =	swait.ge @!p0 [sflag:s8], $0x0  }
0x24: {  	s3 =	sadd.s32 $0x88, s3;
	s6 =	simm.s32 @!p1 $0x1082;
	[sflag:s4] =	ssyncset.s32 $0xFFFFF086  }
0x25: {  	[simem:s6], [sflag:s4] =	dma.local [hbm:s3], $0xF7A  }
0x26: {  	[smem:$0x3F98] =	sst s1;
	(tag) =	ssettag s2;
	_ =	strace s9  }
0x27: {  	s1 =	sld [smem:$0x3FA8]  }
0x28: {  	s2 =	sld [smem:$0x3FA9]  }
0x29: {  	s4 =	sld [smem:$0x3FAB]  }
0x2a: {  	p0 =	seq.s32 s5, $0x0;
	s5 =	sld [smem:$0x3FAC]  }
0x2b: {  	s6 =	sld [smem:$0x3FAD]  }
0x2c: {  	s7 =	sld [smem:$0x3FAE]  }
0x2d: {  	s3 =	simm.s32 $0x108;
	s8 =	sld [smem:$0x3FAF]  }
0x2e: {  	s3 =	simm.s32 @!p0 $0x1082;
	s9 =	sld [smem:$0x3FB0]  }
0x2f: {  	lr =	sadd.s32 s0, s3;
	s0 =	sld [smem:$0x3FA7]  }
0x30: {  	s3 =	sld [smem:$0x3FAA]  }
0x31: {  	[smem:$0x3FB3] =	sst s10  }
0x32: {  	s10 =	sld [smem:$0x3FB1];
	_ =	sdelay $0x3  }
0x33: {  	p0 =	seq.s32 s10, $0x1;
	s10 =	sld [smem:$0x3FB3];
	_ =	sdelay $0x3  }
0x34: {  	[smem:$0x3FB3] =	sst s10  }
0x35: {  	s10 =	sld [smem:$0x3FB2];
	_ =	sdelay $0x3  }
0x36: {  	p1 =	seq.s32 s10, $0x1;
	s10 =	sld [smem:$0x3FB3];
	_ =	sdelay $0x3  }
0x37: {  	[smem:$0x3FB3] =	sst s10  }
0x38: {  	s10 =	sld [smem:$0x3FB4]  }
0x39: {  	_ = 	snop;
	(pc) =	sbr.ind lr, $3  }
0x3a: {  	_ = 	snop  }
0x3b: {  	_ = 	snop  }
0x3c: {  	p2 =	seq.s32 s10, $0x1;
	s10 =	sld [smem:$0x3FB3]  }
0x3d: {  	_ =	shalt  }
0x3e: {  	_ =	shalt  }
0x3f: {  	_ =	shalt  }
0x40: {  	_ =	shalt  }
0x41: {  	_ =	shalt  }
0x42: {  	_ =	shalt  }
0x43: {  	_ =	shalt  }
0x44: {  	_ =	shalt  }
0x45: {  	_ =	shalt  }
0x46: {  	_ =	shalt  }
0x47: {  	_ =	shalt  }
0x48: {  	_ =	shalt  }
0x49: {  	_ =	shalt  }
0x4a: {  	_ =	shalt  }
0x4b: {  	_ =	shalt  }
0x4c: {  	_ =	shalt  }
0x4d: {  	_ =	shalt  }
0x4e: {  	_ =	shalt  }
0x4f: {  	_ =	shalt  }
0x50: {  	_ =	shalt  }
0x51: {  	_ =	shalt  }
0x52: {  	_ =	shalt  }
0x53: {  	_ =	shalt  }
0x54: {  	_ =	shalt  }
0x55: {  	_ =	shalt  }
0x56: {  	_ =	shalt  }
0x57: {  	_ =	shalt  }
0x58: {  	_ =	shalt  }
0x59: {  	_ =	shalt  }
0x5a: {  	_ =	shalt  }
0x5b: {  	_ =	shalt  }
0x5c: {  	_ =	shalt  }
0x5d: {  	_ =	shalt  }
0x5e: {  	_ =	shalt  }
0x5f: {  	_ =	shalt  }
0x60: {  	_ =	shalt  }
0x61: {  	_ =	shalt  }
0x62: {  	_ =	shalt  }
0x63: {  	_ =	shalt  }
0x64: {  	_ =	shalt  }
0x65: {  	_ =	shalt  }
0x66: {  	_ =	shalt  }
0x67: {  	_ =	shalt  }
0x68: {  	_ =	shalt  }
0x69: {  	_ =	shalt  }
0x6a: {  	_ =	shalt  }
0x6b: {  	_ =	shalt  }
0x6c: {  	_ =	shalt  }
0x6d: {  	_ =	shalt  }
0x6e: {  	_ =	shalt  }
0x6f: {  	_ =	shalt  }
0x70: {  	_ =	shalt  }
0x71: {  	_ =	shalt  }
0x72: {  	_ =	shalt  }
0x73: {  	_ =	shalt  }
0x74: {  	_ =	shalt  }
0x75: {  	_ =	shalt  }
0x76: {  	_ =	shalt  }
0x77: {  	_ =	shalt  }
0x78: {  	_ =	shalt  }
0x79: {  	_ =	shalt  }
0x7a: {  	_ =	shalt  }
0x7b: {  	_ =	shalt  }
0x7c: {  	_ =	shalt  }
0x7d: {  	_ =	shalt  }
0x7e: {  	_ =	shalt  }
0x7f: {  	_ =	shalt  }
0x80: {  	_ =	shalt  }
0x81: {  	_ =	shalt  }
0x82: {  	_ =	shalt  }
0x83: {  	_ =	shalt  }
0x84: {  	_ =	shalt  }
0x85: {  	_ =	shalt  }
0x86: {  	_ =	shalt  }
0x87: {  	_ =	shalt  }
.Lfunc_end0:
.L_simem_size_0:
called_computation.2_lowered:
.L_overlay_start_0:
0x88: {  	s2 =	sld [smem:$0x3FD9]  }
0x89: {  	s3 =	sld [smem:$0x3FFE];
	_ =	sdelay $0x1  }
0x8a: {  	s1 =	srdreg.scid  }
0x8b: {  	s0 =	sand.u32 $0x1, s1  }
0x8c: {  	s16 =	sshll.u32 s0, $0xA;
	s2 =	sadd.s32 s3, s2  }
0x8d: {  	s2 =	sadd.s32 s2, s16  }
0x8e: {  	[smem:$0x3FBF] =	sst s2  }
0x8f: {  	_ = 	snop  }
0x90: {  	(tm) =	ssettm $0x1  }
0x91: {  	s17 =	sld [smem:$0x3FFB];
	_ =	sdelay $0x3  }
0x92: {  	_ =	strace s17  }
0x93: {  	s2 =	sld [smem:$0x3FFC];
	_ =	sdelay $0x3  }
0x94: {  	_ =	strace s2  }
0x95: {  	s2 =	sld [smem:$0x3FFD];
	_ =	sdelay $0x3  }
0x96: {  	_ =	strace s2  }
0x97: {  	_ =	strace $0x8FFFFFFF  }
0x98: {  	s18 =	sld [smem:$0x3FDB];
	_ =	sdelay $0x1  }
0x99: {  	s19 =	simm.s32 $_scs_section_size  }
0x9a: {  	s4 =	simm.s32 $_size__tile_overlayer_lowered;
	s5 =	simm.s32 $_tile_overlayer_lowered  }
0x9b: {  	s22 =	simm.s32 $0x1BFF;
	s21 =	sshll.u32 s5, $0x1;
	s2 =	sadd.s32 s19, s18  }
0x9c: {  	s6 =	simm.s32 $0x0;
	s20 =	sshll.u32 s4, $0x1;
	s4 =	sadd.s32 s21, s2  }
0x9d: {  	[timem:s6], [sflag:s22] =	dma.local [hbm:s4], s20  }
0x9e: {  	_ =	swait.ge [sflag:s22], s20  }
0x9f: {  	s3 =	ssub.s32 $0x0, s20;
	[sflag:s22] =	ssyncset.done $0x0  }
0xa0: {  	[sflag:s22] =	ssyncadd.s32 s3;
	_ =	sdelay $0x1  }
0xa1: {  	s23 =	simm.s32 $0x1B8B  }
0xa2: {  	_ =	swait.ge [sflag:s23], $0x1  }
0xa3: {  	[sflag:s23] =	ssyncset.done $0x0  }
0xa4: {  	s25 =	simm.s32 $0x1B8E;
	s24 =	sld [smem:$0x3FFE];
	[sflag:s23] =	ssyncadd.s32 $0xFFFFFFFF  }
0xa5: {  	s26 =	simm.s32 $execute0_lowered;
	[smem:$0x3FD2] =	sst s25  }
0xa6: {  	s4 =	sshll.u32 s26, $0x1;
	_ =	strace $0x8000004C;
	[dreg:$0x1] =	wrdreg $0xFFFFFFFF  }
0xa7: {  	s28 =	simm.s32 $_size_execute0_lowered;
	s2 =	sadd.s32 s2, s4;
	[dreg:$0x0] =	wrdreg $0x0  }
0xa8: {  	s4 =	sshll.u32 s28, $0x1;
	[dreg:$0x2] =	wrdreg s2  }
0xa9: {  	[dreg:$0x3] =	wrdreg s4  }
0xaa: {  	[dreg:$0x4] =	wrdreg $0xC0  }
0xab: {  	_ =	task [dreg:s6], $0x5FFFF  }
0xac: {  	[dreg:$0x1] =	wrdreg $0xFFFFFFFF  }
0xad: {  	[dreg:$0x0] =	wrdreg $0x60  }
0xae: {  	[dreg:$0x2] =	wrdreg s24  }
0xaf: {  	[dreg:$0x3] =	wrdreg $0xD0000  }
0xb0: {  	[dreg:$0x4] =	wrdreg $0x9  }
0xb1: {  	_ =	task.clear_ibuf [dreg:s6], $0x5FFFF;
	_ =	strace $0x9000004C  }
0xb2: {  	s29 =	simm.s32 $0x9;
	_ =	strace $0x8000004E  }
0xb3: {  	_ =	swait.ge [sflag:s29], $0x1  }
0xb4: {  	[sflag:s29] =	ssyncadd.s32 $0xFFFFFFFF  }
0xb5: {  	_ =	strace $0x9000004E  }
0xb6: {  	_ =	sfence  }
0xb7: {  	s30 =	sld [smem:$0x0];
	_ =	sdelay $0x2  }
0xb8: {  	s31 =	sshll.u32 s1, $0xD;
	s1 =	sshrl.u32 s1, $0x2  }
0xb9: {  	s3 =	sand.u32 $0x4000, s31;
	s1 =	sadd.s32 s1, s30  }
0xba: {  	s0 =	sor.u32 s3, s0;
	s1 =	sshll.u32 s1, $0x11  }
0xbb: {  	s0 =	sor.u32 s1, s0  }
0xbc: {  	s0 =	sadd.s32 $0x8F2B, s0  }
0xbd: {  	[sflag:s0] =	ssyncadd.remote.s32 $0x1  }
0xbe: {  	_ =	sfence.sel $0xFFFF  }
0xbf: {  	[dreg:$0x0] =	wrdreg $0xFFFFFFFF;
	(pc) =	sbr.abs _section_cstart, $3  }
0xc0: {  	[dreg:$0x1] =	wrdreg $0xFFFFFFFF  }
0xc1: {  	_ =	task.clear_ibuf [dreg:s6], $0x2FFFF;
	_ =	strace $0x9FFFFFFF  }
0xc2: {  	(tm) =	ssettm $0x7FFFFFFF  }
0xc3: {  	_ =	shalt  }
tec
execute0_lowered:
.L_overlay_start_1:
0x0: {  	(tag) =	ssettag $0x1  }
0x1: {  	s0 =	srdreg.scid;
	s1 =	rddreg [dreg:$0x0]  }
0x2: {  	s2 =	rddreg [dreg:$0x1];
	s8 =	stileid.u32;
	s3 =	simm.s32 $0x0  }
0x3: {  	s28 =	simm.s32 $0x9000;
	s30 =	simm.s32 $0xB000;
	s31 =	simm.s32 $0x3  }
0x4: {  	s29 =	simm.s32 $0x8;
	s0 =	sand.u32 $0x1, s0;
	[smem:$0x7FF] =	sst s3  }
0x5: {  	s7 =	sadd.s32 $0x24C00, s1;
	s12 =	smul.u32 $0x14000, s8;
	s4 =	sshll.u32 s0, $0x4  }
0x6: {  	_ =	strace $0x8000004D;
	s6 =	ssub.s32 $0x2, s0;
	[dreg:$0x3] =	wrdreg s7  }
0x7: {  	s0 =	smul.u32 $0x140000, s0;
	s4 =	sor.u32 s8, s4;
	s17 =	sshrl.u32 s6, $0x1  }
0x8: {  	s19 =	sshrl.u32 s12, $0x1;
	s20 =	sadd.s32 $0x4000, s12;
	s15 =	sadd.s32 $0x8000, s12  }
0x9: {  	s16 =	sadd.s32 $0xC000, s12;
	s23 =	sadd.s32 $0x10000, s12;
	s4 =	smul.u32 $0x500, s4  }
0xa: {  	s6 =	ssub.s32 s6, s17;
	s8 =	sadd.s32 s19, s2;
	s21 =	sshrl.u32 s20, $0x1  }
0xb: {  	s10 =	sshrl.u32 s15, $0x1;
	s22 =	sshrl.u32 s16, $0x1;
	s12 =	sadd.s32 s12, s0  }
0xc: {  	s13 =	sshrl.u32 s23, $0x1;
	s7 =	sadd.s32 s0, s20;
	s25 =	sadd.s32 s0, s15  }
0xd: {  	s26 =	sadd.s32 s0, s16;
	s0 =	sadd.s32 s0, s23;
	s20 =	simm.s32 $0x5000  }
0xe: {  	s23 =	simm.s32 $0x2;
	s19 =	simm.s32 $0x6;
	s9 =	sadd.s32 s21, s2  }
0xf: {  	s10 =	sadd.s32 s10, s2;
	s11 =	sadd.s32 s22, s2;
	s14 =	sshrl.u32 s12, $0x4  }
0x10: {  	s12 =	sadd.s32 s13, s2;
	s7 =	sshrl.u32 s7, $0x4;
	s16 =	sshrl.u32 s26, $0x4  }
0x11: {  	s0 =	sshrl.u32 s0, $0x4;
	s21 =	simm.s32 $0x9;
	s22 =	simm.s32 $0x1  }
0x12: {  	s26 =	simm.s32 $0x7;
	s5 =	sadd.s32 s4, s1;
	s4 =	sadd.s32 $0x25000, s1  }
0x13: {  	s1 =	sadd.s32 $0x39000, s1;
	s18 =	sadd.s32 $0x10C00, s5;
	s5 =	sadd.s32 $0x6C00, s5  }
0x14: {  	s24 =	sadd.s32 s1, s14;
	s14 =	sadd.s32 s1, s7;
	s7 =	sshrl.u32 s25, $0x4  }
0x15: {  	s16 =	sadd.s32 s1, s16;
	s17 =	sadd.s32 s1, s0;
	[dreg:$0x4] =	wrdreg s18  }
0x16: {  	s25 =	simm.s32 $0x7000;
	s0 =	simm.s32 $0x4;
	[dreg:$0x5] =	wrdreg s5  }
0x17: {  	[dreg:$0x6] =	wrdreg s24;
	s15 =	sadd.s32 s1, s7;
	s18 =	smax.u32 s6, $0x1  }
0x18: {  	s24 =	simm.s32 $0x80;
	s1 =	simm.s32 $0x5;
	s5 =	simm.s32 $0x0  }
.LBB2_1:
0x19: {  	s6 =	rddreg [dreg:$0x4]  }
0x1a: {  	[tilespmem:s3], [sflag:$0x1] =	stream.linear.gather [hbm4b:s6+s3], $0x2800, $0x38;
	[tilespmem:$0x17000] =	vst v63  }
0x1b: {  	s13 =	rddreg [dreg:$0x5];
	s7 =	simm.s32 $0x2800  }
0x1c: {  	[tilespmem:s7], [sflag:$0x2] =	stream.linear.gather [hbm4b:s13+s3], $0x2800, $0x38;
	[tilespmem:$0x17000] =	vst v63  }
0x1d: {  	s7 =	rddreg [dreg:$0x3]  }
0x1e: {  	[tilespmem:s20], [sflag:$0x9] =	stream.linear.gather [hbm4b:s7+s3], $0x2000, $0x38;
	[tilespmem:$0x17000] =	vst v63  }
0x1f: {  	_ =	swait.ge [sflag:s21], $0x2000  }
0x20: {  	[sflag:s21] =	ssyncset.done $0x0  }
0x21: {  	[sflag:s21] =	ssyncadd.s32 $0xFFFFE000  }
0x22: {  	[spmem:s8] =	stream.linear.scatter [tilespmem:s20], [sflag:$0x9], $0x2000, $0x38;
	[tilespmem:$0x17000] =	vst v63  }
0x23: {  	_ =	swait.ge [sflag:s21], $0x2000  }
0x24: {  	[sflag:s21] =	ssyncset.done $0x0  }
0x25: {  	[sflag:s21] =	ssyncadd.s32 $0xFFFFE000  }
0x26: {  	[spmem:s9] =	stream.linear.scatter [tilespmem:s20], [sflag:$0x9], $0x2000, $0x38;
	[tilespmem:$0x17000] =	vst v63  }
0x27: {  	_ =	swait.ge [sflag:s21], $0x2000  }
0x28: {  	[sflag:s21] =	ssyncset.done $0x0  }
0x29: {  	[sflag:s21] =	ssyncadd.s32 $0xFFFFE000  }
0x2a: {  	[spmem:s10] =	stream.linear.scatter [tilespmem:s20], [sflag:$0x9], $0x2000, $0x38;
	[tilespmem:$0x17000] =	vst v63  }
0x2b: {  	_ =	swait.ge [sflag:s21], $0x2000  }
0x2c: {  	[sflag:s21] =	ssyncset.done $0x0  }
0x2d: {  	[sflag:s21] =	ssyncadd.s32 $0xFFFFE000  }
0x2e: {  	[spmem:s11] =	stream.linear.scatter [tilespmem:s20], [sflag:$0x9], $0x2000, $0x38;
	[tilespmem:$0x17000] =	vst v63  }
0x2f: {  	_ =	swait.ge [sflag:s21], $0x2000  }
0x30: {  	[sflag:s21] =	ssyncset.done $0x0  }
0x31: {  	[sflag:s21] =	ssyncadd.s32 $0xFFFFE000  }
0x32: {  	[spmem:s12] =	stream.linear.scatter [tilespmem:s20], [sflag:$0x9], $0x2000, $0x38;
	[tilespmem:$0x17000] =	vst v63  }
0x33: {  	_ =	swait.ge [sflag:s21], $0x2000  }
0x34: {  	[sflag:s21] =	ssyncset.done $0x0  }
0x35: {  	[sflag:s21] =	ssyncadd.s32 $0xFFFFE000  }
0x36: {  	_ =	swait.ge [sflag:s22], $0x2800  }
0x37: {  	[sflag:s22] =	ssyncset.done $0x0  }
0x38: {  	[sflag:s22] =	ssyncadd.s32 $0xFFFFD800  }
0x39: {  	_ =	swait.ge [sflag:s23], $0x2800  }
0x3a: {  	[sflag:s23] =	ssyncset.done $0x0  }
0x3b: {  	[sflag:s23] =	ssyncadd.s32 $0xFFFFD800  }
0x3c: {  	[bflag:$0x0] =	sbarrier.arrive $0xFFFF  }
0x3d: {  	[tilespmem:s20], [sflag:$0x1] =	stream.indirect.gather [hbm4b:s4+s24], $0x40, s3, s24, $0xb8;
	[tilespmem:$0x17000] =	vst v63  }
0x3e: {  	_ = 	snop  }
0x3f: {  	[tilespmem:s25], [sflag:$0x2] =	stream.indirect.gather [hbm4b:s4+s24], $0x40, s24, s24, $0xb8;
	[tilespmem:$0x17000] =	vst v63  }
0x40: {  	s13 =	simm.s32 $0x100  }
0x41: {  	[tilespmem:s28], [sflag:$0x3] =	stream.indirect.gather [hbm4b:s4+s24], $0x40, s13, s24, $0xb8;
	[tilespmem:$0x17000] =	vst v63  }
0x42: {  	s7 =	simm.s32 $0x180  }
0x43: {  	[tilespmem:s30], [sflag:$0x4] =	stream.indirect.gather [hbm4b:s4+s24], $0x40, s7, s24, $0xb8;
	[tilespmem:$0x17000] =	vst v63  }
0x44: {  	_ =	swait.ge [sflag:s22], $0x2000  }
0x45: {  	[sflag:s22] =	ssyncset.done $0x0  }
0x46: {  	s13 =	simm.s32 $0x2800;
	[sflag:s22] =	ssyncadd.s32 $0xFFFFE000  }
0x47: {  	[spmem:s2] =	stream.indirect.scatter.add.bf16 [tilespmem:s20], [sflag:$0x5], $0x40, s13, s24, $0xb8;
	[tilespmem:$0x17000] =	vst v63  }
0x48: {  	_ =	swait.ge [sflag:s23], $0x2000  }
0x49: {  	[sflag:s23] =	ssyncset.done $0x0  }
0x4a: {  	s7 =	simm.s32 $0x2880;
	[sflag:s23] =	ssyncadd.s32 $0xFFFFE000  }
0x4b: {  	[spmem:s2] =	stream.indirect.scatter.add.bf16 [tilespmem:s25], [sflag:$0x6], $0x40, s7, s24, $0xb8;
	[tilespmem:$0x17000] =	vst v63  }
0x4c: {  	_ =	swait.ge [sflag:s31], $0x2000  }
0x4d: {  	[sflag:s31] =	ssyncset.done $0x0  }
0x4e: {  	s13 =	simm.s32 $0x2900;
	[sflag:s31] =	ssyncadd.s32 $0xFFFFE000  }
0x4f: {  	[spmem:s2] =	stream.indirect.scatter.add.bf16 [tilespmem:s28], [sflag:$0x7], $0x40, s13, s24, $0xb8;
	[tilespmem:$0x17000] =	vst v63  }
0x50: {  	_ =	swait.ge [sflag:s0], $0x2000  }
0x51: {  	[sflag:s0] =	ssyncset.done $0x0  }
0x52: {  	s7 =	simm.s32 $0x2980;
	[sflag:s0] =	ssyncadd.s32 $0xFFFFE000  }
0x53: {  	[spmem:s2] =	stream.indirect.scatter.add.bf16 [tilespmem:s30], [sflag:$0x8], $0x40, s7, s24, $0xb8;
	[tilespmem:$0x17000] =	vst v63  }
0x54: {  	_ =	swait.ge [sflag:s1], $0x2000  }
0x55: {  	[sflag:s1] =	ssyncset.done $0x0  }
0x56: {  	s13 =	simm.s32 $0x200;
	[sflag:s1] =	ssyncadd.s32 $0xFFFFE000  }
0x57: {  	[tilespmem:s20], [sflag:$0x1] =	stream.indirect.gather [hbm4b:s4+s24], $0x40, s13, s24, $0xb8;
	[tilespmem:$0x17000] =	vst v63  }
0x58: {  	_ =	swait.ge [sflag:s19], $0x2000  }
0x59: {  	[sflag:s19] =	ssyncset.done $0x0  }
0x5a: {  	s7 =	simm.s32 $0x280;
	[sflag:s19] =	ssyncadd.s32 $0xFFFFE000  }
0x5b: {  	[tilespmem:s25], [sflag:$0x2] =	stream.indirect.gather [hbm4b:s4+s24], $0x40, s7, s24, $0xb8;
	[tilespmem:$0x17000] =	vst v63  }
0x5c: {  	_ =	swait.ge [sflag:s26], $0x2000  }
0x5d: {  	[sflag:s26] =	ssyncset.done $0x0  }
0x5e: {  	s13 =	simm.s32 $0x300;
	[sflag:s26] =	ssyncadd.s32 $0xFFFFE000  }
0x5f: {  	[tilespmem:s28], [sflag:$0x3] =	stream.indirect.gather [hbm4b:s4+s24], $0x40, s13, s24, $0xb8;
	[tilespmem:$0x17000] =	vst v63  }
0x60: {  	_ =	swait.ge [sflag:s29], $0x2000  }
0x61: {  	[sflag:s29] =	ssyncset.done $0x0  }
0x62: {  	s6 =	simm.s32 $0x800;
	s7 =	simm.s32 $0x380;
	[sflag:s29] =	ssyncadd.s32 $0xFFFFE000  }
.LBB2_2:
0x63: {  	[tilespmem:s30], [sflag:$0x4] =	stream.indirect.gather [hbm4b:s4+s24], $0x40, s7, s24, $0xb8;
	[tilespmem:$0x17000] =	vst v63  }
0x64: {  	s7 =	smov.u32 s6  }
0x65: {  	p0 =	sne.s32 s6, $0x9000;
	s6 =	sadd.s32 $0x800, s6;
	_ =	swait.ge [sflag:s22], $0x2000  }
0x66: {  	s7 =	sshra.s32 s7, $0x2;
	[sflag:s22] =	ssyncset.done $0x0  }
0x67: {  	s13 =	sadd.s32 $0x2800, s7;
	[sflag:s22] =	ssyncadd.s32 $0xFFFFE000  }
0x68: {  	[spmem:s2] =	stream.indirect.scatter.add.bf16 [tilespmem:s20], [sflag:$0x5], $0x40, s13, s24, $0xb8;
	[tilespmem:$0x17000] =	vst v63  }
0x69: {  	_ =	swait.ge [sflag:s23], $0x2000  }
0x6a: {  	[sflag:s23] =	ssyncset.done $0x0  }
0x6b: {  	s13 =	sadd.s32 $0x2880, s7;
	[sflag:s23] =	ssyncadd.s32 $0xFFFFE000  }
0x6c: {  	[spmem:s2] =	stream.indirect.scatter.add.bf16 [tilespmem:s25], [sflag:$0x6], $0x40, s13, s24, $0xb8;
	[tilespmem:$0x17000] =	vst v63  }
0x6d: {  	_ =	swait.ge [sflag:s31], $0x2000  }
0x6e: {  	[sflag:s31] =	ssyncset.done $0x0  }
0x6f: {  	s13 =	sadd.s32 $0x2900, s7;
	[sflag:s31] =	ssyncadd.s32 $0xFFFFE000  }
0x70: {  	[spmem:s2] =	stream.indirect.scatter.add.bf16 [tilespmem:s28], [sflag:$0x7], $0x40, s13, s24, $0xb8;
	[tilespmem:$0x17000] =	vst v63  }
0x71: {  	_ =	swait.ge [sflag:s0], $0x2000  }
0x72: {  	[sflag:s0] =	ssyncset.done $0x0  }
0x73: {  	s13 =	sadd.s32 $0x2980, s7;
	[sflag:s0] =	ssyncadd.s32 $0xFFFFE000  }
0x74: {  	[spmem:s2] =	stream.indirect.scatter.add.bf16 [tilespmem:s30], [sflag:$0x8], $0x40, s13, s24, $0xb8;
	[tilespmem:$0x17000] =	vst v63  }
0x75: {  	_ =	swait.ge [sflag:s1], $0x2000  }
0x76: {  	[sflag:s1] =	ssyncset.done $0x0  }
0x77: {  	s13 =	sadd.s32 $0x200, s7;
	[sflag:s1] =	ssyncadd.s32 $0xFFFFE000  }
0x78: {  	[tilespmem:s20], [sflag:$0x1] =	stream.indirect.gather [hbm4b:s4+s24], $0x40, s13, s24, $0xb8;
	[tilespmem:$0x17000] =	vst v63  }
0x79: {  	_ =	swait.ge [sflag:s19], $0x2000  }
0x7a: {  	[sflag:s19] =	ssyncset.done $0x0  }
0x7b: {  	s13 =	sadd.s32 $0x280, s7;
	[sflag:s19] =	ssyncadd.s32 $0xFFFFE000  }
0x7c: {  	[tilespmem:s25], [sflag:$0x2] =	stream.indirect.gather [hbm4b:s4+s24], $0x40, s13, s24, $0xb8;
	[tilespmem:$0x17000] =	vst v63  }
0x7d: {  	_ =	swait.ge [sflag:s26], $0x2000  }
0x7e: {  	[sflag:s26] =	ssyncset.done $0x0  }
.Ltmp0:
0x7f: {  	s13 =	sadd.s32 $0x300, s7;
	[sflag:s26] =	ssyncadd.s32 $0xFFFFE000;
	(pc) =	sbr.rel @p0 .LBB2_2-.Ltmp0, $4  }
0x80: {  	[tilespmem:s28], [sflag:$0x3] =	stream.indirect.gather [hbm4b:s4+s24], $0x40, s13, s24, $0xb8;
	[tilespmem:$0x17000] =	vst v63  }
0x81: {  	_ =	swait.ge [sflag:s29], $0x2000  }
0x82: {  	[sflag:s29] =	ssyncset.done $0x0  }
0x83: {  	s7 =	sadd.s32 $0x380, s7;
	[sflag:s29] =	ssyncadd.s32 $0xFFFFE000  }
0x84: {  	[tilespmem:s30], [sflag:$0x4] =	stream.indirect.gather [hbm4b:s4+s24], $0x40, s7, s24, $0xb8;
	[tilespmem:$0x17000] =	vst v63  }
0x85: {  	_ =	swait.ge [sflag:s22], $0x2000  }
0x86: {  	[sflag:s22] =	ssyncset.done $0x0  }
0x87: {  	s6 =	simm.s32 $0x4E00;
	[sflag:s22] =	ssyncadd.s32 $0xFFFFE000  }
0x88: {  	[spmem:s2] =	stream.indirect.scatter.add.bf16 [tilespmem:s20], [sflag:$0x5], $0x40, s6, s24, $0xb8;
	[tilespmem:$0x17000] =	vst v63  }
0x89: {  	_ =	swait.ge [sflag:s23], $0x2000  }
0x8a: {  	[sflag:s23] =	ssyncset.done $0x0  }
0x8b: {  	s7 =	simm.s32 $0x4E80;
	[sflag:s23] =	ssyncadd.s32 $0xFFFFE000  }
0x8c: {  	[spmem:s2] =	stream.indirect.scatter.add.bf16 [tilespmem:s25], [sflag:$0x6], $0x40, s7, s24, $0xb8;
	[tilespmem:$0x17000] =	vst v63  }
0x8d: {  	_ =	swait.ge [sflag:s31], $0x2000  }
0x8e: {  	[sflag:s31] =	ssyncset.done $0x0  }
0x8f: {  	s13 =	simm.s32 $0x4F00;
	[sflag:s31] =	ssyncadd.s32 $0xFFFFE000  }
0x90: {  	[spmem:s2] =	stream.indirect.scatter.add.bf16 [tilespmem:s28], [sflag:$0x7], $0x40, s13, s24, $0xb8;
	[tilespmem:$0x17000] =	vst v63  }
0x91: {  	_ =	swait.ge [sflag:s0], $0x2000  }
0x92: {  	[sflag:s0] =	ssyncset.done $0x0  }
0x93: {  	s7 =	simm.s32 $0x4F80;
	[sflag:s0] =	ssyncadd.s32 $0xFFFFE000  }
0x94: {  	[spmem:s2] =	stream.indirect.scatter.add.bf16 [tilespmem:s30], [sflag:$0x8], $0x40, s7, s24, $0xb8;
	[tilespmem:$0x17000] =	vst v63  }
0x95: {  	_ =	swait.ge [sflag:s1], $0x2000  }
0x96: {  	[sflag:s1] =	ssyncset.done $0x0  }
0x97: {  	[sflag:s1] =	ssyncadd.s32 $0xFFFFE000  }
0x98: {  	_ =	swait.ge [sflag:s19], $0x2000  }
0x99: {  	[sflag:s19] =	ssyncset.done $0x0  }
0x9a: {  	[sflag:s19] =	ssyncadd.s32 $0xFFFFE000  }
0x9b: {  	_ =	swait.ge [sflag:s26], $0x2000  }
0x9c: {  	[sflag:s26] =	ssyncset.done $0x0  }
0x9d: {  	[sflag:s26] =	ssyncadd.s32 $0xFFFFE000  }
0x9e: {  	_ =	swait.ge [sflag:s29], $0x2000  }
0x9f: {  	[sflag:s29] =	ssyncset.done $0x0  }
0xa0: {  	[sflag:s29] =	ssyncadd.s32 $0xFFFFE000  }
0xa1: {  	[bflag:$0x0] =	sbarrier.arrive $0xFFFF  }
0xa2: {  	[tilespmem:s20], [sflag:$0x9] =	stream.linear.gather [spmem:s8], $0x2000, $0x38;
	[tilespmem:$0x17000] =	vst v63  }
0xa3: {  	_ =	swait.ge [sflag:s21], $0x2000  }
0xa4: {  	[sflag:s21] =	ssyncset.done $0x0  }
0xa5: {  	s13 =	rddreg [dreg:$0x6];
	[sflag:s21] =	ssyncadd.s32 $0xFFFFE000  }
0xa6: {  	[hbm4b:s13+s3] =	stream.linear.scatter [tilespmem:s20], [sflag:$0x9], $0x2000, $0x38;
	[tilespmem:$0x17000] =	vst v63  }
0xa7: {  	_ =	swait.ge [sflag:s21], $0x2000  }
0xa8: {  	[sflag:s21] =	ssyncset.done $0x0  }
0xa9: {  	[sflag:s21] =	ssyncadd.s32 $0xFFFFE000  }
0xaa: {  	[tilespmem:s20], [sflag:$0x9] =	stream.linear.gather [spmem:s9], $0x2000, $0x38;
	[tilespmem:$0x17000] =	vst v63  }
0xab: {  	_ =	swait.ge [sflag:s21], $0x2000  }
0xac: {  	[sflag:s21] =	ssyncset.done $0x0  }
0xad: {  	[sflag:s21] =	ssyncadd.s32 $0xFFFFE000  }
0xae: {  	[hbm4b:s14+s3] =	stream.linear.scatter [tilespmem:s20], [sflag:$0x9], $0x2000, $0x38;
	[tilespmem:$0x17000] =	vst v63  }
0xaf: {  	_ =	swait.ge [sflag:s21], $0x2000  }
0xb0: {  	[sflag:s21] =	ssyncset.done $0x0  }
0xb1: {  	[sflag:s21] =	ssyncadd.s32 $0xFFFFE000  }
0xb2: {  	[tilespmem:s20], [sflag:$0x9] =	stream.linear.gather [spmem:s10], $0x2000, $0x38;
	[tilespmem:$0x17000] =	vst v63  }
0xb3: {  	_ =	swait.ge [sflag:s21], $0x2000  }
0xb4: {  	[sflag:s21] =	ssyncset.done $0x0  }
0xb5: {  	[sflag:s21] =	ssyncadd.s32 $0xFFFFE000  }
0xb6: {  	[hbm4b:s15+s3] =	stream.linear.scatter [tilespmem:s20], [sflag:$0x9], $0x2000, $0x38;
	[tilespmem:$0x17000] =	vst v63  }
0xb7: {  	_ =	swait.ge [sflag:s21], $0x2000  }
0xb8: {  	[sflag:s21] =	ssyncset.done $0x0  }
0xb9: {  	[sflag:s21] =	ssyncadd.s32 $0xFFFFE000  }
0xba: {  	[tilespmem:s20], [sflag:$0x9] =	stream.linear.gather [spmem:s11], $0x2000, $0x38;
	[tilespmem:$0x17000] =	vst v63  }
0xbb: {  	_ =	swait.ge [sflag:s21], $0x2000  }
0xbc: {  	[sflag:s21] =	ssyncset.done $0x0  }
0xbd: {  	[sflag:s21] =	ssyncadd.s32 $0xFFFFE000  }
0xbe: {  	[hbm4b:s16+s3] =	stream.linear.scatter [tilespmem:s20], [sflag:$0x9], $0x2000, $0x38;
	[tilespmem:$0x17000] =	vst v63  }
0xbf: {  	_ =	swait.ge [sflag:s21], $0x2000  }
0xc0: {  	[sflag:s21] =	ssyncset.done $0x0  }
0xc1: {  	[sflag:s21] =	ssyncadd.s32 $0xFFFFE000  }
0xc2: {  	[tilespmem:s20], [sflag:$0x9] =	stream.linear.gather [spmem:s12], $0x2000, $0x38;
	[tilespmem:$0x17000] =	vst v63  }
0xc3: {  	s5 =	sadd.s32 $0x1, s5;
	_ =	swait.ge [sflag:s21], $0x2000  }
0xc4: {  	p0 =	sne.s32 s5, s18;
	[sflag:s21] =	ssyncset.done $0x0  }
.Ltmp1:
0xc5: {  	[sflag:s21] =	ssyncadd.s32 $0xFFFFE000;
	(pc) =	sbr.rel @p0 .LBB2_1-.Ltmp1, $4  }
0xc6: {  	[hbm4b:s17+s3] =	stream.linear.scatter [tilespmem:s20], [sflag:$0x9], $0x2000, $0x38;
	[tilespmem:$0x17000] =	vst v63  }
0xc7: {  	_ =	swait.ge [sflag:s21], $0x2000  }
0xc8: {  	[sflag:s21] =	ssyncset.done $0x0  }
0xc9: {  	[sflag:s21] =	ssyncadd.s32 $0xFFFFE000  }
0xca: {  	_ =	sfence.sel $0x180000  }
0xcb: {  	[bflag:$0x0] =	sbarrier.arrive $0xFFFF  }
0xcc: {  	_ =	strace $0x9000004D  }
0xcd: {  	s0 =	stileid.u32;
	[bflag:$0x2] =	sbarrier.arrive $0xFFFF  }
0xce: {  	p0 =	sne.s32 s0, $0x0;
	s0 =	rddreg [dreg:$0x2]  }
0xcf: {  	s0 =	sadd.s32 @!p0 $0x100000, s0  }
0xd0: {  	[sflag:s0] =	ssyncadd.tile.s32 @!p0 $0x1;
	_ =	shalt  }
.Lfunc_end2:
_tile_overlayer_lowered:
.L_overlay_start_2:
0xd1: {  	(tag) =	ssettag $0x2  }
0xd2: {  	s0 =	rddreg [dreg:$0x0];
	s2 =	stileid.u32  }
0xd3: {  	s1 =	rddreg [dreg:$0x1];
	p0 =	sne.s32 s2, $0x0  }
0xd4: {  	s3 =	rddreg [dreg:$0x2];
	[bflag:$0x3] =	sbarrier.arrive $0xFFFF;
	s2 =	simm.s32 @!p0 $0x1C09  }
0xd5: {  	[timem:s3], [sflag:s2] =	dma.local @!p0 [hbm:s0], s1  }
0xd6: {  	s0 =	simm.s32 @!p0 $0x9  }
0xd7: {  	_ =	swait.ge @!p0 [sflag:s0], s1  }
0xd8: {  	s1 =	ssub.s32 @!p0 $0x0, s1;
	[sflag:s0] =	ssyncset.done @!p0 $0x0  }
0xd9: {  	[sflag:s0] =	ssyncadd.s32 @!p0 s1  }
0xda: {  	[bflag:$0x3] =	sbarrier.arrive $0xFFFF  }
0xdb: {  	_ =	shalt  }

// kernel: kernel.8.cloned.1.call-start
scs
__scs_entry_jumppad:
0x0: {  	(pc) =	sbr.rel $0x88, $3  }
0x1: {  	(tag) =	ssettag $0x0;
	lr =	simm.s32 $0x1  }
0x2: {  	[smem:$0x3F98] =	sst lr;
	_ =	strace $0xD0000000  }
0x3: {  	_ = 	snop  }
0x4: {  	_ = 	snop  }
0x5: {  	_ = 	snop  }
0x6: {  	_ = 	snop  }
0x7: {  	_ = 	snop  }
__scs_overlays_trampoline_lowered:
0x8: {  	[smem:$0x3FA7] =	sst s0  }
0x9: {  	[smem:$0x3FA8] =	sst s1  }
0xa: {  	[smem:$0x3FA9] =	sst s2  }
0xb: {  	[smem:$0x3FAA] =	sst s3  }
0xc: {  	[smem:$0x3FAB] =	sst s4  }
0xd: {  	[smem:$0x3FAC] =	sst s5  }
0xe: {  	[smem:$0x3FAD] =	sst s6  }
0xf: {  	[smem:$0x3FAE] =	sst s7  }
0x10: {  	[smem:$0x3FAF] =	sst s8  }
0x11: {  	[smem:$0x3FB0] =	sst s9;
	s0 =	simm.s32 @!p0 $0x0  }
0x12: {  	s1 =	sld [smem:$0x3F96];
	s0 =	simm.s32 @p0 $0x1  }
0x13: {  	[smem:$0x3FB1] =	sst s0;
	s0 =	simm.s32 @!p1 $0x0  }
0x14: {  	s2 =	sld [smem:$0x3F95];
	s0 =	simm.s32 @p1 $0x1  }
0x15: {  	[smem:$0x3FB2] =	sst s0;
	s0 =	simm.s32 @!p2 $0x0  }
0x16: {  	s3 =	sld [smem:$0x3FDB];
	s0 =	simm.s32 @p2 $0x1  }
0x17: {  	s4 =	simm.s32 $0x1BF5;
	[smem:$0x3FB4] =	sst s0  }
0x18: {  	s0 =	sld [smem:$0x3F97];
	_ =	swait.ge [sflag:s4], $0x0  }
0x19: {  	s7 =	sld [smem:$0x3F98]  }
0x1a: {  	s8 =	sadd.s32 $0xFFFFE003, lr  }
0x1b: {  	s9 =	sadd.s32 $0xFFFFFEF7, lr;
	s5 =	simm.s32 $0xFFFFFFFF;
	p2 =	slt.u32 s8, $0xFFFFF086  }
0x1c: {  	p1 =	slt.u32 s9, $0xF7A;
	s5 =	simm.s32 @!p2 $0x0  }
0x1d: {  	s5 =	simm.s32 @p1 $0x1;
	p0 =	seq.s32 s7, s2  }
0x1e: {  	s7 =	smul.u32 @!p0 $0xF7A, s2;
	p2 =	seq.s32 @!p0 s5, $0x0  }
0x1f: {  	s9 =	smul.u32 $0xF7A, s1;
	s8 =	simm.s32 @!p0 $0x1BF5;
	p2 =	por !p2, p0  }
0x20: {  	[sflag:s8] =	ssyncset.s32 @!p0 $0xFFFFF086;
	s6 =	sadd.s32 @!p0 s3, s7;
	s7 =	simm.s32 @!p0 $0x108  }
0x21: {  	s3 =	sadd.s32 s3, s9;
	s6 =	sadd.s32 @!p0 $0x88, s6;
	s7 =	simm.s32 @p2 $0x1082  }
0x22: {  	[simem:s7], [sflag:s8] =	dma.local @!p0 [hbm:s6], $0xF7A  }
0x23: {  	s9 =	sor.u32 $0xD0000000, s2;
	s6 =	simm.s32 $0x108;
	_ =	swait.ge @!p0 [sflag:s8], $0x0  }
0x24: {  	s3 =	sadd.s32 $0x88, s3;
	s6 =	simm.s32 @!p1 $0x1082;
	[sflag:s4] =	ssyncset.s32 $0xFFFFF086  }
0x25: {  	[simem:s6], [sflag:s4] =	dma.local [hbm:s3], $0xF7A  }
0x26: {  	[smem:$0x3F98] =	sst s1;
	(tag) =	ssettag s2;
	_ =	strace s9  }
0x27: {  	s1 =	sld [smem:$0x3FA8]  }
0x28: {  	s2 =	sld [smem:$0x3FA9]  }
0x29: {  	s4 =	sld [smem:$0x3FAB]  }
0x2a: {  	p0 =	seq.s32 s5, $0x0;
	s5 =	sld [smem:$0x3FAC]  }
0x2b: {  	s6 =	sld [smem:$0x3FAD]  }
0x2c: {  	s7 =	sld [smem:$0x3FAE]  }
0x2d: {  	s3 =	simm.s32 $0x108;
	s8 =	sld [smem:$0x3FAF]  }
0x2e: {  	s3 =	simm.s32 @!p0 $0x1082;
	s9 =	sld [smem:$0x3FB0]  }
0x2f: {  	lr =	sadd.s32 s0, s3;
	s0 =	sld [smem:$0x3FA7]  }
0x30: {  	s3 =	sld [smem:$0x3FAA]  }
0x31: {  	[smem:$0x3FB3] =	sst s10  }
0x32: {  	s10 =	sld [smem:$0x3FB1];
	_ =	sdelay $0x3  }
0x33: {  	p0 =	seq.s32 s10, $0x1;
	s10 =	sld [smem:$0x3FB3];
	_ =	sdelay $0x3  }
0x34: {  	[smem:$0x3FB3] =	sst s10  }
0x35: {  	s10 =	sld [smem:$0x3FB2];
	_ =	sdelay $0x3  }
0x36: {  	p1 =	seq.s32 s10, $0x1;
	s10 =	sld [smem:$0x3FB3];
	_ =	sdelay $0x3  }
0x37: {  	[smem:$0x3FB3] =	sst s10  }
0x38: {  	s10 =	sld [smem:$0x3FB4]  }
0x39: {  	_ = 	snop;
	(pc) =	sbr.ind lr, $3  }
0x3a: {  	_ = 	snop  }
0x3b: {  	_ = 	snop  }
0x3c: {  	p2 =	seq.s32 s10, $0x1;
	s10 =	sld [smem:$0x3FB3]  }
0x3d: {  	_ =	shalt  }
0x3e: {  	_ =	shalt  }
0x3f: {  	_ =	shalt  }
0x40: {  	_ =	shalt  }
0x41: {  	_ =	shalt  }
0x42: {  	_ =	shalt  }
0x43: {  	_ =	shalt  }
0x44: {  	_ =	shalt  }
0x45: {  	_ =	shalt  }
0x46: {  	_ =	shalt  }
0x47: {  	_ =	shalt  }
0x48: {  	_ =	shalt  }
0x49: {  	_ =	shalt  }
0x4a: {  	_ =	shalt  }
0x4b: {  	_ =	shalt  }
0x4c: {  	_ =	shalt  }
0x4d: {  	_ =	shalt  }
0x4e: {  	_ =	shalt  }
0x4f: {  	_ =	shalt  }
0x50: {  	_ =	shalt  }
0x51: {  	_ =	shalt  }
0x52: {  	_ =	shalt  }
0x53: {  	_ =	shalt  }
0x54: {  	_ =	shalt  }
0x55: {  	_ =	shalt  }
0x56: {  	_ =	shalt  }
0x57: {  	_ =	shalt  }
0x58: {  	_ =	shalt  }
0x59: {  	_ =	shalt  }
0x5a: {  	_ =	shalt  }
0x5b: {  	_ =	shalt  }
0x5c: {  	_ =	shalt  }
0x5d: {  	_ =	shalt  }
0x5e: {  	_ =	shalt  }
0x5f: {  	_ =	shalt  }
0x60: {  	_ =	shalt  }
0x61: {  	_ =	shalt  }
0x62: {  	_ =	shalt  }
0x63: {  	_ =	shalt  }
0x64: {  	_ =	shalt  }
0x65: {  	_ =	shalt  }
0x66: {  	_ =	shalt  }
0x67: {  	_ =	shalt  }
0x68: {  	_ =	shalt  }
0x69: {  	_ =	shalt  }
0x6a: {  	_ =	shalt  }
0x6b: {  	_ =	shalt  }
0x6c: {  	_ =	shalt  }
0x6d: {  	_ =	shalt  }
0x6e: {  	_ =	shalt  }
0x6f: {  	_ =	shalt  }
0x70: {  	_ =	shalt  }
0x71: {  	_ =	shalt  }
0x72: {  	_ =	shalt  }
0x73: {  	_ =	shalt  }
0x74: {  	_ =	shalt  }
0x75: {  	_ =	shalt  }
0x76: {  	_ =	shalt  }
0x77: {  	_ =	shalt  }
0x78: {  	_ =	shalt  }
0x79: {  	_ =	shalt  }
0x7a: {  	_ =	shalt  }
0x7b: {  	_ =	shalt  }
0x7c: {  	_ =	shalt  }
0x7d: {  	_ =	shalt  }
0x7e: {  	_ =	shalt  }
0x7f: {  	_ =	shalt  }
0x80: {  	_ =	shalt  }
0x81: {  	_ =	shalt  }
0x82: {  	_ =	shalt  }
0x83: {  	_ =	shalt  }
0x84: {  	_ =	shalt  }
0x85: {  	_ =	shalt  }
0x86: {  	_ =	shalt  }
0x87: {  	_ =	shalt  }
.Lfunc_end0:
.L_simem_size_0:
called_computation_lowered:
.L_overlay_start_0:
0x88: {  	s2 =	sld [smem:$0x3FD9]  }
0x89: {  	s3 =	sld [smem:$0x3FFE];
	_ =	sdelay $0x1  }
0x8a: {  	s1 =	srdreg.scid  }
0x8b: {  	s0 =	sand.u32 $0x1, s1  }
0x8c: {  	s16 =	sshll.u32 s0, $0xA;
	s2 =	sadd.s32 s3, s2  }
0x8d: {  	s2 =	sadd.s32 s2, s16  }
0x8e: {  	[smem:$0x3FBF] =	sst s2  }
0x8f: {  	_ = 	snop  }
0x90: {  	(tm) =	ssettm $0x1  }
0x91: {  	s17 =	sld [smem:$0x3FFB];
	_ =	sdelay $0x3  }
0x92: {  	_ =	strace s17  }
0x93: {  	s2 =	sld [smem:$0x3FFC];
	_ =	sdelay $0x3  }
0x94: {  	_ =	strace s2  }
0x95: {  	s2 =	sld [smem:$0x3FFD];
	_ =	sdelay $0x3  }
0x96: {  	_ =	strace s2  }
0x97: {  	_ =	strace $0x8FFFFFFF  }
0x98: {  	s18 =	sld [smem:$0x3FDB];
	_ =	sdelay $0x1  }
0x99: {  	s19 =	simm.s32 $_scs_section_size  }
0x9a: {  	s4 =	simm.s32 $_size__tile_overlayer_lowered;
	s5 =	simm.s32 $_tile_overlayer_lowered  }
0x9b: {  	s22 =	simm.s32 $0x1BFF;
	s21 =	sshll.u32 s5, $0x1;
	s2 =	sadd.s32 s19, s18  }
0x9c: {  	s6 =	simm.s32 $0x0;
	s20 =	sshll.u32 s4, $0x1;
	s4 =	sadd.s32 s21, s2  }
0x9d: {  	[timem:s6], [sflag:s22] =	dma.local [hbm:s4], s20  }
0x9e: {  	_ =	swait.ge [sflag:s22], s20  }
0x9f: {  	s3 =	ssub.s32 $0x0, s20;
	[sflag:s22] =	ssyncset.done $0x0  }
0xa0: {  	[sflag:s22] =	ssyncadd.s32 s3;
	_ =	sdelay $0x1  }
0xa1: {  	s23 =	simm.s32 $0x1B8B  }
0xa2: {  	_ =	swait.ge [sflag:s23], $0x1  }
0xa3: {  	[sflag:s23] =	ssyncset.done $0x0  }
0xa4: {  	s25 =	simm.s32 $0x1B8E;
	s24 =	sld [smem:$0x3FFE];
	[sflag:s23] =	ssyncadd.s32 $0xFFFFFFFF  }
0xa5: {  	s26 =	simm.s32 $execute0_lowered;
	[smem:$0x3FD2] =	sst s25  }
0xa6: {  	s4 =	sshll.u32 s26, $0x1;
	_ =	strace $0x80000046;
	[dreg:$0x1] =	wrdreg $0xFFFFFFFF  }
0xa7: {  	s28 =	simm.s32 $_size_execute0_lowered;
	s2 =	sadd.s32 s2, s4;
	[dreg:$0x0] =	wrdreg $0x0  }
0xa8: {  	s4 =	sshll.u32 s28, $0x1;
	[dreg:$0x2] =	wrdreg s2  }
0xa9: {  	[dreg:$0x3] =	wrdreg s4  }
0xaa: {  	[dreg:$0x4] =	wrdreg $0xC0  }
0xab: {  	_ =	task [dreg:s6], $0x5FFFF  }
0xac: {  	[dreg:$0x1] =	wrdreg $0xFFFFFFFF  }
0xad: {  	[dreg:$0x0] =	wrdreg $0x60  }
0xae: {  	[dreg:$0x2] =	wrdreg s24  }
0xaf: {  	[dreg:$0x3] =	wrdreg $0x70000  }
0xb0: {  	[dreg:$0x4] =	wrdreg $0x9  }
0xb1: {  	_ =	task.clear_ibuf [dreg:s6], $0x5FFFF;
	_ =	strace $0x90000046  }
0xb2: {  	s29 =	simm.s32 $0x9;
	_ =	strace $0x80000048  }
0xb3: {  	_ =	swait.ge [sflag:s29], $0x1  }
0xb4: {  	[sflag:s29] =	ssyncadd.s32 $0xFFFFFFFF  }
0xb5: {  	_ =	strace $0x90000048  }
0xb6: {  	_ =	sfence  }
0xb7: {  	s30 =	sld [smem:$0x0];
	_ =	sdelay $0x2  }
0xb8: {  	s31 =	sshll.u32 s1, $0xD;
	s1 =	sshrl.u32 s1, $0x2  }
0xb9: {  	s3 =	sand.u32 $0x4000, s31;
	s1 =	sadd.s32 s1, s30  }
0xba: {  	s0 =	sor.u32 s3, s0;
	s1 =	sshll.u32 s1, $0x11  }
0xbb: {  	s0 =	sor.u32 s1, s0  }
0xbc: {  	s0 =	sadd.s32 $0x8F2B, s0  }
0xbd: {  	[sflag:s0] =	ssyncadd.remote.s32 $0x1  }
0xbe: {  	_ =	sfence.sel $0xFFFF  }
0xbf: {  	[dreg:$0x0] =	wrdreg $0xFFFFFFFF;
	(pc) =	sbr.abs _section_cstart, $3  }
0xc0: {  	[dreg:$0x1] =	wrdreg $0xFFFFFFFF  }
0xc1: {  	_ =	task.clear_ibuf [dreg:s6], $0x2FFFF;
	_ =	strace $0x9FFFFFFF  }
0xc2: {  	(tm) =	ssettm $0x7FFFFFFF  }
0xc3: {  	_ =	shalt  }
tec
execute0_lowered:
.L_overlay_start_1:
0x0: {  	(tag) =	ssettag $0x1  }
0x1: {  	s0 =	srdreg.scid;
	s1 =	rddreg [dreg:$0x0]  }
0x2: {  	s2 =	rddreg [dreg:$0x1];
	s8 =	stileid.u32;
	s3 =	simm.s32 $0x0  }
0x3: {  	s28 =	simm.s32 $0x6000;
	s30 =	simm.s32 $0x6800;
	s31 =	simm.s32 $0x3  }
0x4: {  	s29 =	simm.s32 $0x8;
	s0 =	sand.u32 $0x1, s0;
	[smem:$0x7FF] =	sst s3  }
0x5: {  	s7 =	sadd.s32 $0x1A00, s1;
	s12 =	smul.u32 $0x5000, s8;
	s4 =	sshll.u32 s0, $0x4  }
0x6: {  	_ =	strace $0x80000047;
	s6 =	ssub.s32 $0x2, s0;
	[dreg:$0x3] =	wrdreg s7  }
0x7: {  	s0 =	smul.u32 $0x50000, s0;
	s4 =	sor.u32 s8, s4;
	s17 =	sshrl.u32 s6, $0x1  }
0x8: {  	s19 =	sshrl.u32 s12, $0x1;
	s20 =	sadd.s32 $0x1000, s12;
	s15 =	sadd.s32 $0x2000, s12  }
0x9: {  	s16 =	sadd.s32 $0x3000, s12;
	s23 =	sadd.s32 $0x4000, s12;
	s4 =	smul.u32 $0x500, s4  }
0xa: {  	s6 =	ssub.s32 s6, s17;
	s8 =	sadd.s32 s19, s2;
	s21 =	sshrl.u32 s20, $0x1  }
0xb: {  	s10 =	sshrl.u32 s15, $0x1;
	s22 =	sshrl.u32 s16, $0x1;
	s12 =	sadd.s32 s12, s0  }
0xc: {  	s13 =	sshrl.u32 s23, $0x1;
	s7 =	sadd.s32 s0, s20;
	s25 =	sadd.s32 s0, s15  }
0xd: {  	s26 =	sadd.s32 s0, s16;
	s0 =	sadd.s32 s0, s23;
	s20 =	simm.s32 $0x5000  }
0xe: {  	s23 =	simm.s32 $0x2;
	s19 =	simm.s32 $0x6;
	s9 =	sadd.s32 s21, s2  }
0xf: {  	s10 =	sadd.s32 s10, s2;
	s11 =	sadd.s32 s22, s2;
	s14 =	sshrl.u32 s12, $0x4  }
0x10: {  	s12 =	sadd.s32 s13, s2;
	s7 =	sshrl.u32 s7, $0x4;
	s16 =	sshrl.u32 s26, $0x4  }
0x11: {  	s0 =	sshrl.u32 s0, $0x4;
	s21 =	simm.s32 $0x9;
	s22 =	simm.s32 $0x1  }
0x12: {  	s26 =	simm.s32 $0x7;
	s5 =	sadd.s32 s4, s1;
	s4 =	sadd.s32 $0x1C00, s1  }
0x13: {  	s1 =	sadd.s32 $0x1AC00, s1;
	s18 =	sadd.s32 $0x10C00, s5;
	s5 =	sadd.s32 $0x6C00, s5  }
0x14: {  	s24 =	sadd.s32 s1, s14;
	s14 =	sadd.s32 s1, s7;
	s7 =	sshrl.u32 s25, $0x4  }
0x15: {  	s16 =	sadd.s32 s1, s16;
	s17 =	sadd.s32 s1, s0;
	[dreg:$0x4] =	wrdreg s18  }
0x16: {  	s25 =	simm.s32 $0x5800;
	s0 =	simm.s32 $0x4;
	[dreg:$0x5] =	wrdreg s5  }
0x17: {  	[dreg:$0x6] =	wrdreg s24;
	s15 =	sadd.s32 s1, s7;
	s18 =	smax.u32 s6, $0x1  }
0x18: {  	s24 =	simm.s32 $0x80;
	s1 =	simm.s32 $0x5;
	s5 =	simm.s32 $0x0  }
.LBB2_1:
0x19: {  	s6 =	rddreg [dreg:$0x4]  }
0x1a: {  	[tilespmem:s3], [sflag:$0x1] =	stream.linear.gather [hbm4b:s6+s3], $0x2800, $0x38;
	[tilespmem:$0x9800] =	vst v63  }
0x1b: {  	s13 =	rddreg [dreg:$0x5];
	s7 =	simm.s32 $0x2800  }
0x1c: {  	[tilespmem:s7], [sflag:$0x2] =	stream.linear.gather [hbm4b:s13+s3], $0x2800, $0x38;
	[tilespmem:$0x9800] =	vst v63  }
0x1d: {  	s7 =	rddreg [dreg:$0x3]  }
0x1e: {  	[tilespmem:s20], [sflag:$0x9] =	stream.linear.gather [hbm4b:s7+s3], $0x800, $0x38;
	[tilespmem:$0x9800] =	vst v63  }
0x1f: {  	_ =	swait.ge [sflag:s21], $0x800  }
0x20: {  	[sflag:s21] =	ssyncset.done $0x0  }
0x21: {  	[sflag:s21] =	ssyncadd.s32 $0xFFFFF800  }
0x22: {  	[spmem:s8] =	stream.linear.scatter [tilespmem:s20], [sflag:$0x9], $0x800, $0x38;
	[tilespmem:$0x9800] =	vst v63  }
0x23: {  	_ =	swait.ge [sflag:s21], $0x800  }
0x24: {  	[sflag:s21] =	ssyncset.done $0x0  }
0x25: {  	[sflag:s21] =	ssyncadd.s32 $0xFFFFF800  }
0x26: {  	[spmem:s9] =	stream.linear.scatter [tilespmem:s20], [sflag:$0x9], $0x800, $0x38;
	[tilespmem:$0x9800] =	vst v63  }
0x27: {  	_ =	swait.ge [sflag:s21], $0x800  }
0x28: {  	[sflag:s21] =	ssyncset.done $0x0  }
0x29: {  	[sflag:s21] =	ssyncadd.s32 $0xFFFFF800  }
0x2a: {  	[spmem:s10] =	stream.linear.scatter [tilespmem:s20], [sflag:$0x9], $0x800, $0x38;
	[tilespmem:$0x9800] =	vst v63  }
0x2b: {  	_ =	swait.ge [sflag:s21], $0x800  }
0x2c: {  	[sflag:s21] =	ssyncset.done $0x0  }
0x2d: {  	[sflag:s21] =	ssyncadd.s32 $0xFFFFF800  }
0x2e: {  	[spmem:s11] =	stream.linear.scatter [tilespmem:s20], [sflag:$0x9], $0x800, $0x38;
	[tilespmem:$0x9800] =	vst v63  }
0x2f: {  	_ =	swait.ge [sflag:s21], $0x800  }
0x30: {  	[sflag:s21] =	ssyncset.done $0x0  }
0x31: {  	[sflag:s21] =	ssyncadd.s32 $0xFFFFF800  }
0x32: {  	[spmem:s12] =	stream.linear.scatter [tilespmem:s20], [sflag:$0x9], $0x800, $0x38;
	[tilespmem:$0x9800] =	vst v63  }
0x33: {  	_ =	swait.ge [sflag:s21], $0x800  }
0x34: {  	[sflag:s21] =	ssyncset.done $0x0  }
0x35: {  	[sflag:s21] =	ssyncadd.s32 $0xFFFFF800  }
0x36: {  	_ =	swait.ge [sflag:s22], $0x2800  }
0x37: {  	[sflag:s22] =	ssyncset.done $0x0  }
0x38: {  	[sflag:s22] =	ssyncadd.s32 $0xFFFFD800  }
0x39: {  	_ =	swait.ge [sflag:s23], $0x2800  }
0x3a: {  	[sflag:s23] =	ssyncset.done $0x0  }
0x3b: {  	[sflag:s23] =	ssyncadd.s32 $0xFFFFD800  }
0x3c: {  	[bflag:$0x0] =	sbarrier.arrive $0xFFFF  }
0x3d: {  	[tilespmem:s20], [sflag:$0x1] =	stream.indirect.gather [hbm4b:s4+s24], $0x10, s3, s24, $0xb8;
	[tilespmem:$0x9800] =	vst v63  }
0x3e: {  	_ = 	snop  }
0x3f: {  	[tilespmem:s25], [sflag:$0x2] =	stream.indirect.gather [hbm4b:s4+s24], $0x10, s24, s24, $0xb8;
	[tilespmem:$0x9800] =	vst v63  }
0x40: {  	s13 =	simm.s32 $0x100  }
0x41: {  	[tilespmem:s28], [sflag:$0x3] =	stream.indirect.gather [hbm4b:s4+s24], $0x10, s13, s24, $0xb8;
	[tilespmem:$0x9800] =	vst v63  }
0x42: {  	s7 =	simm.s32 $0x180  }
0x43: {  	[tilespmem:s30], [sflag:$0x4] =	stream.indirect.gather [hbm4b:s4+s24], $0x10, s7, s24, $0xb8;
	[tilespmem:$0x9800] =	vst v63  }
0x44: {  	_ =	swait.ge [sflag:s22], $0x800  }
0x45: {  	[sflag:s22] =	ssyncset.done $0x0  }
0x46: {  	s13 =	simm.s32 $0x2800;
	[sflag:s22] =	ssyncadd.s32 $0xFFFFF800  }
0x47: {  	[spmem:s2] =	stream.indirect.scatter.add.bf16 [tilespmem:s20], [sflag:$0x5], $0x10, s13, s24, $0xb8;
	[tilespmem:$0x9800] =	vst v63  }
0x48: {  	_ =	swait.ge [sflag:s23], $0x800  }
0x49: {  	[sflag:s23] =	ssyncset.done $0x0  }
0x4a: {  	s7 =	simm.s32 $0x2880;
	[sflag:s23] =	ssyncadd.s32 $0xFFFFF800  }
0x4b: {  	[spmem:s2] =	stream.indirect.scatter.add.bf16 [tilespmem:s25], [sflag:$0x6], $0x10, s7, s24, $0xb8;
	[tilespmem:$0x9800] =	vst v63  }
0x4c: {  	_ =	swait.ge [sflag:s31], $0x800  }
0x4d: {  	[sflag:s31] =	ssyncset.done $0x0  }
0x4e: {  	s13 =	simm.s32 $0x2900;
	[sflag:s31] =	ssyncadd.s32 $0xFFFFF800  }
0x4f: {  	[spmem:s2] =	stream.indirect.scatter.add.bf16 [tilespmem:s28], [sflag:$0x7], $0x10, s13, s24, $0xb8;
	[tilespmem:$0x9800] =	vst v63  }
0x50: {  	_ =	swait.ge [sflag:s0], $0x800  }
0x51: {  	[sflag:s0] =	ssyncset.done $0x0  }
0x52: {  	s7 =	simm.s32 $0x2980;
	[sflag:s0] =	ssyncadd.s32 $0xFFFFF800  }
0x53: {  	[spmem:s2] =	stream.indirect.scatter.add.bf16 [tilespmem:s30], [sflag:$0x8], $0x10, s7, s24, $0xb8;
	[tilespmem:$0x9800] =	vst v63  }
0x54: {  	_ =	swait.ge [sflag:s1], $0x800  }
0x55: {  	[sflag:s1] =	ssyncset.done $0x0  }
0x56: {  	s13 =	simm.s32 $0x200;
	[sflag:s1] =	ssyncadd.s32 $0xFFFFF800  }
0x57: {  	[tilespmem:s20], [sflag:$0x1] =	stream.indirect.gather [hbm4b:s4+s24], $0x10, s13, s24, $0xb8;
	[tilespmem:$0x9800] =	vst v63  }
0x58: {  	_ =	swait.ge [sflag:s19], $0x800  }
0x59: {  	[sflag:s19] =	ssyncset.done $0x0  }
0x5a: {  	s7 =	simm.s32 $0x280;
	[sflag:s19] =	ssyncadd.s32 $0xFFFFF800  }
0x5b: {  	[tilespmem:s25], [sflag:$0x2] =	stream.indirect.gather [hbm4b:s4+s24], $0x10, s7, s24, $0xb8;
	[tilespmem:$0x9800] =	vst v63  }
0x5c: {  	_ =	swait.ge [sflag:s26], $0x800  }
0x5d: {  	[sflag:s26] =	ssyncset.done $0x0  }
0x5e: {  	s13 =	simm.s32 $0x300;
	[sflag:s26] =	ssyncadd.s32 $0xFFFFF800  }
0x5f: {  	[tilespmem:s28], [sflag:$0x3] =	stream.indirect.gather [hbm4b:s4+s24], $0x10, s13, s24, $0xb8;
	[tilespmem:$0x9800] =	vst v63  }
0x60: {  	_ =	swait.ge [sflag:s29], $0x800  }
0x61: {  	[sflag:s29] =	ssyncset.done $0x0  }
0x62: {  	s6 =	simm.s32 $0x800;
	s7 =	simm.s32 $0x380;
	[sflag:s29] =	ssyncadd.s32 $0xFFFFF800  }
.LBB2_2:
0x63: {  	[tilespmem:s30], [sflag:$0x4] =	stream.indirect.gather [hbm4b:s4+s24], $0x10, s7, s24, $0xb8;
	[tilespmem:$0x9800] =	vst v63  }
0x64: {  	s7 =	smov.u32 s6  }
0x65: {  	p0 =	sne.s32 s6, $0x9000;
	s6 =	sadd.s32 $0x800, s6;
	_ =	swait.ge [sflag:s22], $0x800  }
0x66: {  	s7 =	sshra.s32 s7, $0x2;
	[sflag:s22] =	ssyncset.done $0x0  }
0x67: {  	s13 =	sadd.s32 $0x2800, s7;
	[sflag:s22] =	ssyncadd.s32 $0xFFFFF800  }
0x68: {  	[spmem:s2] =	stream.indirect.scatter.add.bf16 [tilespmem:s20], [sflag:$0x5], $0x10, s13, s24, $0xb8;
	[tilespmem:$0x9800] =	vst v63  }
0x69: {  	_ =	swait.ge [sflag:s23], $0x800  }
0x6a: {  	[sflag:s23] =	ssyncset.done $0x0  }
0x6b: {  	s13 =	sadd.s32 $0x2880, s7;
	[sflag:s23] =	ssyncadd.s32 $0xFFFFF800  }
0x6c: {  	[spmem:s2] =	stream.indirect.scatter.add.bf16 [tilespmem:s25], [sflag:$0x6], $0x10, s13, s24, $0xb8;
	[tilespmem:$0x9800] =	vst v63  }
0x6d: {  	_ =	swait.ge [sflag:s31], $0x800  }
0x6e: {  	[sflag:s31] =	ssyncset.done $0x0  }
0x6f: {  	s13 =	sadd.s32 $0x2900, s7;
	[sflag:s31] =	ssyncadd.s32 $0xFFFFF800  }
0x70: {  	[spmem:s2] =	stream.indirect.scatter.add.bf16 [tilespmem:s28], [sflag:$0x7], $0x10, s13, s24, $0xb8;
	[tilespmem:$0x9800] =	vst v63  }
0x71: {  	_ =	swait.ge [sflag:s0], $0x800  }
0x72: {  	[sflag:s0] =	ssyncset.done $0x0  }
0x73: {  	s13 =	sadd.s32 $0x2980, s7;
	[sflag:s0] =	ssyncadd.s32 $0xFFFFF800  }
0x74: {  	[spmem:s2] =	stream.indirect.scatter.add.bf16 [tilespmem:s30], [sflag:$0x8], $0x10, s13, s24, $0xb8;
	[tilespmem:$0x9800] =	vst v63  }
0x75: {  	_ =	swait.ge [sflag:s1], $0x800  }
0x76: {  	[sflag:s1] =	ssyncset.done $0x0  }
0x77: {  	s13 =	sadd.s32 $0x200, s7;
	[sflag:s1] =	ssyncadd.s32 $0xFFFFF800  }
0x78: {  	[tilespmem:s20], [sflag:$0x1] =	stream.indirect.gather [hbm4b:s4+s24], $0x10, s13, s24, $0xb8;
	[tilespmem:$0x9800] =	vst v63  }
0x79: {  	_ =	swait.ge [sflag:s19], $0x800  }
0x7a: {  	[sflag:s19] =	ssyncset.done $0x0  }
0x7b: {  	s13 =	sadd.s32 $0x280, s7;
	[sflag:s19] =	ssyncadd.s32 $0xFFFFF800  }
0x7c: {  	[tilespmem:s25], [sflag:$0x2] =	stream.indirect.gather [hbm4b:s4+s24], $0x10, s13, s24, $0xb8;
	[tilespmem:$0x9800] =	vst v63  }
0x7d: {  	_ =	swait.ge [sflag:s26], $0x800  }
0x7e: {  	[sflag:s26] =	ssyncset.done $0x0  }
.Ltmp0:
0x7f: {  	s13 =	sadd.s32 $0x300, s7;
	[sflag:s26] =	ssyncadd.s32 $0xFFFFF800;
	(pc) =	sbr.rel @p0 .LBB2_2-.Ltmp0, $4  }
0x80: {  	[tilespmem:s28], [sflag:$0x3] =	stream.indirect.gather [hbm4b:s4+s24], $0x10, s13, s24, $0xb8;
	[tilespmem:$0x9800] =	vst v63  }
0x81: {  	_ =	swait.ge [sflag:s29], $0x800  }
0x82: {  	[sflag:s29] =	ssyncset.done $0x0  }
0x83: {  	s7 =	sadd.s32 $0x380, s7;
	[sflag:s29] =	ssyncadd.s32 $0xFFFFF800  }
0x84: {  	[tilespmem:s30], [sflag:$0x4] =	stream.indirect.gather [hbm4b:s4+s24], $0x10, s7, s24, $0xb8;
	[tilespmem:$0x9800] =	vst v63  }
0x85: {  	_ =	swait.ge [sflag:s22], $0x800  }
0x86: {  	[sflag:s22] =	ssyncset.done $0x0  }
0x87: {  	s6 =	simm.s32 $0x4E00;
	[sflag:s22] =	ssyncadd.s32 $0xFFFFF800  }
0x88: {  	[spmem:s2] =	stream.indirect.scatter.add.bf16 [tilespmem:s20], [sflag:$0x5], $0x10, s6, s24, $0xb8;
	[tilespmem:$0x9800] =	vst v63  }
0x89: {  	_ =	swait.ge [sflag:s23], $0x800  }
0x8a: {  	[sflag:s23] =	ssyncset.done $0x0  }
0x8b: {  	s7 =	simm.s32 $0x4E80;
	[sflag:s23] =	ssyncadd.s32 $0xFFFFF800  }
0x8c: {  	[spmem:s2] =	stream.indirect.scatter.add.bf16 [tilespmem:s25], [sflag:$0x6], $0x10, s7, s24, $0xb8;
	[tilespmem:$0x9800] =	vst v63  }
0x8d: {  	_ =	swait.ge [sflag:s31], $0x800  }
0x8e: {  	[sflag:s31] =	ssyncset.done $0x0  }
0x8f: {  	s13 =	simm.s32 $0x4F00;
	[sflag:s31] =	ssyncadd.s32 $0xFFFFF800  }
0x90: {  	[spmem:s2] =	stream.indirect.scatter.add.bf16 [tilespmem:s28], [sflag:$0x7], $0x10, s13, s24, $0xb8;
	[tilespmem:$0x9800] =	vst v63  }
0x91: {  	_ =	swait.ge [sflag:s0], $0x800  }
0x92: {  	[sflag:s0] =	ssyncset.done $0x0  }
0x93: {  	s7 =	simm.s32 $0x4F80;
	[sflag:s0] =	ssyncadd.s32 $0xFFFFF800  }
0x94: {  	[spmem:s2] =	stream.indirect.scatter.add.bf16 [tilespmem:s30], [sflag:$0x8], $0x10, s7, s24, $0xb8;
	[tilespmem:$0x9800] =	vst v63  }
0x95: {  	_ =	swait.ge [sflag:s1], $0x800  }
0x96: {  	[sflag:s1] =	ssyncset.done $0x0  }
0x97: {  	[sflag:s1] =	ssyncadd.s32 $0xFFFFF800  }
0x98: {  	_ =	swait.ge [sflag:s19], $0x800  }
0x99: {  	[sflag:s19] =	ssyncset.done $0x0  }
0x9a: {  	[sflag:s19] =	ssyncadd.s32 $0xFFFFF800  }
0x9b: {  	_ =	swait.ge [sflag:s26], $0x800  }
0x9c: {  	[sflag:s26] =	ssyncset.done $0x0  }
0x9d: {  	[sflag:s26] =	ssyncadd.s32 $0xFFFFF800  }
0x9e: {  	_ =	swait.ge [sflag:s29], $0x800  }
0x9f: {  	[sflag:s29] =	ssyncset.done $0x0  }
0xa0: {  	[sflag:s29] =	ssyncadd.s32 $0xFFFFF800  }
0xa1: {  	[bflag:$0x0] =	sbarrier.arrive $0xFFFF  }
0xa2: {  	[tilespmem:s20], [sflag:$0x9] =	stream.linear.gather [spmem:s8], $0x800, $0x38;
	[tilespmem:$0x9800] =	vst v63  }
0xa3: {  	_ =	swait.ge [sflag:s21], $0x800  }
0xa4: {  	[sflag:s21] =	ssyncset.done $0x0  }
0xa5: {  	s13 =	rddreg [dreg:$0x6];
	[sflag:s21] =	ssyncadd.s32 $0xFFFFF800  }
0xa6: {  	[hbm4b:s13+s3] =	stream.linear.scatter [tilespmem:s20], [sflag:$0x9], $0x800, $0x38;
	[tilespmem:$0x9800] =	vst v63  }
0xa7: {  	_ =	swait.ge [sflag:s21], $0x800  }
0xa8: {  	[sflag:s21] =	ssyncset.done $0x0  }
0xa9: {  	[sflag:s21] =	ssyncadd.s32 $0xFFFFF800  }
0xaa: {  	[tilespmem:s20], [sflag:$0x9] =	stream.linear.gather [spmem:s9], $0x800, $0x38;
	[tilespmem:$0x9800] =	vst v63  }
0xab: {  	_ =	swait.ge [sflag:s21], $0x800  }
0xac: {  	[sflag:s21] =	ssyncset.done $0x0  }
0xad: {  	[sflag:s21] =	ssyncadd.s32 $0xFFFFF800  }
0xae: {  	[hbm4b:s14+s3] =	stream.linear.scatter [tilespmem:s20], [sflag:$0x9], $0x800, $0x38;
	[tilespmem:$0x9800] =	vst v63  }
0xaf: {  	_ =	swait.ge [sflag:s21], $0x800  }
0xb0: {  	[sflag:s21] =	ssyncset.done $0x0  }
0xb1: {  	[sflag:s21] =	ssyncadd.s32 $0xFFFFF800  }
0xb2: {  	[tilespmem:s20], [sflag:$0x9] =	stream.linear.gather [spmem:s10], $0x800, $0x38;
	[tilespmem:$0x9800] =	vst v63  }
0xb3: {  	_ =	swait.ge [sflag:s21], $0x800  }
0xb4: {  	[sflag:s21] =	ssyncset.done $0x0  }
0xb5: {  	[sflag:s21] =	ssyncadd.s32 $0xFFFFF800  }
0xb6: {  	[hbm4b:s15+s3] =	stream.linear.scatter [tilespmem:s20], [sflag:$0x9], $0x800, $0x38;
	[tilespmem:$0x9800] =	vst v63  }
0xb7: {  	_ =	swait.ge [sflag:s21], $0x800  }
0xb8: {  	[sflag:s21] =	ssyncset.done $0x0  }
0xb9: {  	[sflag:s21] =	ssyncadd.s32 $0xFFFFF800  }
0xba: {  	[tilespmem:s20], [sflag:$0x9] =	stream.linear.gather [spmem:s11], $0x800, $0x38;
	[tilespmem:$0x9800] =	vst v63  }
0xbb: {  	_ =	swait.ge [sflag:s21], $0x800  }
0xbc: {  	[sflag:s21] =	ssyncset.done $0x0  }
0xbd: {  	[sflag:s21] =	ssyncadd.s32 $0xFFFFF800  }
0xbe: {  	[hbm4b:s16+s3] =	stream.linear.scatter [tilespmem:s20], [sflag:$0x9], $0x800, $0x38;
	[tilespmem:$0x9800] =	vst v63  }
0xbf: {  	_ =	swait.ge [sflag:s21], $0x800  }
0xc0: {  	[sflag:s21] =	ssyncset.done $0x0  }
0xc1: {  	[sflag:s21] =	ssyncadd.s32 $0xFFFFF800  }
0xc2: {  	[tilespmem:s20], [sflag:$0x9] =	stream.linear.gather [spmem:s12], $0x800, $0x38;
	[tilespmem:$0x9800] =	vst v63  }
0xc3: {  	s5 =	sadd.s32 $0x1, s5;
	_ =	swait.ge [sflag:s21], $0x800  }
0xc4: {  	p0 =	sne.s32 s5, s18;
	[sflag:s21] =	ssyncset.done $0x0  }
.Ltmp1:
0xc5: {  	[sflag:s21] =	ssyncadd.s32 $0xFFFFF800;
	(pc) =	sbr.rel @p0 .LBB2_1-.Ltmp1, $4  }
0xc6: {  	[hbm4b:s17+s3] =	stream.linear.scatter [tilespmem:s20], [sflag:$0x9], $0x800, $0x38;
	[tilespmem:$0x9800] =	vst v63  }
0xc7: {  	_ =	swait.ge [sflag:s21], $0x800  }
0xc8: {  	[sflag:s21] =	ssyncset.done $0x0  }
0xc9: {  	[sflag:s21] =	ssyncadd.s32 $0xFFFFF800  }
0xca: {  	_ =	sfence.sel $0x180000  }
0xcb: {  	[bflag:$0x0] =	sbarrier.arrive $0xFFFF  }
0xcc: {  	_ =	strace $0x90000047  }
0xcd: {  	s0 =	stileid.u32;
	[bflag:$0x2] =	sbarrier.arrive $0xFFFF  }
0xce: {  	p0 =	sne.s32 s0, $0x0;
	s0 =	rddreg [dreg:$0x2]  }
0xcf: {  	s0 =	sadd.s32 @!p0 $0x100000, s0  }
0xd0: {  	[sflag:s0] =	ssyncadd.tile.s32 @!p0 $0x1;
	_ =	shalt  }
.Lfunc_end2:
_tile_overlayer_lowered:
.L_overlay_start_2:
0xd1: {  	(tag) =	ssettag $0x2  }
0xd2: {  	s0 =	rddreg [dreg:$0x0];
	s2 =	stileid.u32  }
0xd3: {  	s1 =	rddreg [dreg:$0x1];
	p0 =	sne.s32 s2, $0x0  }
0xd4: {  	s3 =	rddreg [dreg:$0x2];
	[bflag:$0x3] =	sbarrier.arrive $0xFFFF;
	s2 =	simm.s32 @!p0 $0x1C09  }
0xd5: {  	[timem:s3], [sflag:s2] =	dma.local @!p0 [hbm:s0], s1  }
0xd6: {  	s0 =	simm.s32 @!p0 $0x9  }
0xd7: {  	_ =	swait.ge @!p0 [sflag:s0], s1  }
0xd8: {  	s1 =	ssub.s32 @!p0 $0x0, s1;
	[sflag:s0] =	ssyncset.done @!p0 $0x0  }
0xd9: {  	[sflag:s0] =	ssyncadd.s32 @!p0 s1  }
0xda: {  	[bflag:$0x3] =	sbarrier.arrive $0xFFFF  }
0xdb: {  	_ =	shalt  }

</sc_bundles>
